<compile_context>
chip_gen: v7x
topology: tpu7x:2x2x1
jax: 0.10.2.dev20260603
libtpu: 0.0.44.dev20260713+nightly
codegen_flags: <defaults>
</compile_context>

<pallas_src>
import functools

import jax
import jax.numpy as jnp
from jax import lax
from jax.experimental import pallas as pl
from jax.experimental.pallas import tpu as pltpu
from jax.experimental.pallas import tpu_sc as plsc

_N = 10000
_E = 320000
_D = 128
_H = 8
_DH = 16
_ACCW = 144
_B = 40
_NW = 32
_EW = _E // _NW
_NCHUNK = _EW // _B
_NP = 10240
_RPS = _NP // 16
_R = 1000
_SCALE = 0.25

_DN = (((1,), (1,)), ((), ()))
_GD = lax.GatherDimensionNumbers(offset_dims=(), collapsed_slice_dims=(0,),
                                 start_index_map=(0,))


def _qkv_body(x_ref, g_ref, b_ref, wq_ref, bq_ref, wk_ref, bk_ref,
              wv_ref, bv_ref, q_ref, kv_ref):
    x = x_ref[...]
    mu = jnp.mean(x, axis=1, keepdims=True)
    xc = x - mu
    var = jnp.mean(xc * xc, axis=1, keepdims=True)
    h = xc * lax.rsqrt(var + 1e-5) * g_ref[...] + b_ref[...]
    q_ref[...] = lax.dot_general(h, wq_ref[...], _DN,
                                 preferred_element_type=jnp.float32) + bq_ref[...]
    kv_ref[:, :_D] = lax.dot_general(h, wk_ref[...], _DN,
                                     preferred_element_type=jnp.float32) + bk_ref[...]
    kv_ref[:, _D:] = lax.dot_general(h, wv_ref[...], _DN,
                                     preferred_element_type=jnp.float32) + bv_ref[...]


def _edge_body(q_hbm, kv_hbm, src_hbm, dst_hbm, zero_hbm, out_hbm,
               src_v, dst_v, q_rows, kv_rows, msg, acc, sem_q, sem_kv):
    cid = lax.axis_index("c")
    sid = lax.axis_index("s")
    base0 = (cid * 16 + sid) * _EW
    pltpu.sync_copy(zero_hbm.at[pl.ds(sid * _RPS, _RPS)],
                    acc.at[pl.ds(sid * _RPS, _RPS)])
    plsc.subcore_barrier()
    lane = lax.iota(jnp.int32, 16)

    def chunk(i, carry):
        base = base0 + i * _B
        pltpu.sync_copy(src_hbm.at[pl.ds(base, _B)], src_v)
        pltpu.sync_copy(dst_hbm.at[pl.ds(base, _B)], dst_v)
        cq = pltpu.async_copy(q_hbm.at[dst_v], q_rows, sem_q)
        ck = pltpu.async_copy(kv_hbm.at[src_v], kv_rows, sem_kv)
        cq.wait()
        ck.wait()

        @plsc.parallel_loop(0, _B, unroll=4)
        def edge(b):
            den = jnp.zeros((16,), jnp.float32)
            for h in range(_H):
                qv = q_rows[b, pl.ds(h * _DH, _DH)]
                kk = kv_rows[b, pl.ds(h * _DH, _DH)]
                vv = kv_rows[b, pl.ds(_D + h * _DH, _DH)]
                s = qv * kk
                for r in (8, 4, 2, 1):
                    s = s + lax.gather(
                        s, ((lane + r) & 15).reshape(16, 1), _GD, (1,),
                        mode=lax.GatherScatterMode.PROMISE_IN_BOUNDS)
                ev = jnp.exp(s * _SCALE)
                msg[b, pl.ds(h * _DH, _DH)] = ev * vv
                den = den + jnp.where(lane == h, ev, 0.0)
            msg[b, pl.ds(_D, 16)] = den
        pltpu.sync_copy(msg, acc.at[dst_v], add=True)
        return carry

    lax.fori_loop(0, _NCHUNK, chunk, 0)
    plsc.subcore_barrier()
    pltpu.sync_copy(acc.at[pl.ds(sid * _RPS, _RPS)],
                    out_hbm.at[pl.ds(cid * _NP + sid * _RPS, _RPS)])


@functools.cache
def _edge_call():
    return functools.partial(
        pl.kernel,
        out_type=jax.ShapeDtypeStruct((2 * _NP, _ACCW), jnp.float32),
        mesh=plsc.VectorSubcoreMesh(core_axis_name="c", subcore_axis_name="s"),
        compiler_params=pltpu.CompilerParams(use_tc_tiling_on_sc=False),
        scratch_types=[
            pltpu.VMEM((_B,), jnp.int32),
            pltpu.VMEM((_B,), jnp.int32),
            pltpu.VMEM((_B, _D), jnp.float32),
            pltpu.VMEM((_B, 2 * _D), jnp.float32),
            pltpu.VMEM((_B, _ACCW), jnp.float32),
            pltpu.VMEM_SHARED((_NP, _ACCW), jnp.float32),
            pltpu.SemaphoreType.DMA,
            pltpu.SemaphoreType.DMA,
        ],
    )(_edge_body)


def _final_body(acc0_ref, acc1_ref, x_ref, wo_ref, bo_ref, g2_ref, b2_ref,
                w1_ref, bf1_ref, w2_ref, bf2_ref, o_ref):
    a = acc0_ref[0] + acc1_ref[0]
    num = a[:, :_D]
    den = a[:, _D:_D + _H]
    hh = lax.broadcasted_iota(jnp.int32, (_H, _D), 0)
    dd = lax.broadcasted_iota(jnp.int32, (_H, _D), 1)
    sel = (dd // _DH == hh).astype(jnp.float32)
    den_full = lax.dot_general(den, sel, (((1,), (0,)), ((), ())),
                               preferred_element_type=jnp.float32)
    att = num / den_full
    o = lax.dot_general(att, wo_ref[...], _DN,
                        preferred_element_type=jnp.float32) + bo_ref[...]
    h = x_ref[...] + o
    mu = jnp.mean(h, axis=1, keepdims=True)
    hc = h - mu
    var = jnp.mean(hc * hc, axis=1, keepdims=True)
    hn = hc * lax.rsqrt(var + 1e-5) * g2_ref[...] + b2_ref[...]
    r = jnp.maximum(lax.dot_general(hn, w1_ref[...], _DN,
                                    preferred_element_type=jnp.float32) + bf1_ref[...], 0.0)
    m = lax.dot_general(r, w2_ref[...], _DN,
                        preferred_element_type=jnp.float32) + bf2_ref[...]
    o_ref[...] = h + m


def _row_spec(w):
    return pl.BlockSpec((_R, w), lambda i: (i, 0))


def _full_spec(shape):
    return pl.BlockSpec(shape, lambda i: tuple(0 for _ in shape))


_qkv_call = pl.pallas_call(
    _qkv_body,
    grid=(_N // _R,),
    in_specs=[
        _row_spec(_D),
        _full_spec((1, _D)), _full_spec((1, _D)),
        _full_spec((_D, _D)), _full_spec((1, _D)),
        _full_spec((_D, _D)), _full_spec((1, _D)),
        _full_spec((_D, _D)), _full_spec((1, _D)),
    ],
    out_specs=[_row_spec(_D), _row_spec(2 * _D)],
    out_shape=[
        jax.ShapeDtypeStruct((_N, _D), jnp.float32),
        jax.ShapeDtypeStruct((_N, 2 * _D), jnp.float32),
    ],
)

_final_call = pl.pallas_call(
    _final_body,
    grid=(_N // _R,),
    in_specs=[
        pl.BlockSpec((1, _R, _ACCW), lambda i: (0, i, 0)),
        pl.BlockSpec((1, _R, _ACCW), lambda i: (1, i, 0)),
        _row_spec(_D),
        _full_spec((_D, _D)), _full_spec((1, _D)),
        _full_spec((1, _D)), _full_spec((1, _D)),
        _full_spec((_D, _D)), _full_spec((1, _D)),
        _full_spec((_D, _D)), _full_spec((1, _D)),
    ],
    out_specs=_row_spec(_D),
    out_shape=jax.ShapeDtypeStruct((_N, _D), jnp.float32),
)


def kernel(x, edge_index, WQ_w, WQ_b, WK_w, WK_b, WV_w, WV_b, WO_w, WO_b,
           ln1_g, ln1_b, ln2_g, ln2_b, l1_w, l1_b, l2_w, l2_b):
    src = edge_index[0]
    dst = edge_index[1]
    row = lambda v: v.reshape(1, _D)
    q, kv = _qkv_call(x, row(ln1_g), row(ln1_b), WQ_w, row(WQ_b),
                      WK_w, row(WK_b), WV_w, row(WV_b))
    zeros = jnp.zeros((_NP, _ACCW), jnp.float32)
    acc = _edge_call()(q, kv, src, dst, zeros).reshape(2, _NP, _ACCW)
    return _final_call(acc, acc, x, WO_w, row(WO_b), row(ln2_g), row(ln2_b),
                       l1_w, row(l1_b), l2_w, row(l2_b))

# --- scband reference (transcript-rebuilt; emitter-appended) ---
"""Pipeline reference for scband-graph-transformer-layer-31928786879184 (READ-ONLY COPY).

The authoritative reference and input builder live on the scoring server;
editing this copy changes nothing except your own understanding.
"""

import jax, jax.numpy as jnp
import numpy as np

N = 10000
E = 320000
D = 128
H = 8
DH = 16


def _layer_norm(x, g, b):
    mu = jnp.mean(x, axis=-1, keepdims=True)
    var = jnp.mean((x - mu) ** 2, axis=-1, keepdims=True)
    return (x - mu) / jnp.sqrt(var + 1e-5) * g + b


def setup_inputs(seed: int = 0) -> dict:
    key = jax.random.key(seed)
    ks = jax.random.split(key, 16)
    s = 0.05
    inp = {}
    inp['x'] = jax.random.normal(ks[0], (N, D), dtype=jnp.float32)
    inp['edge_index'] = jax.random.randint(ks[1], (2, E), 0, N, dtype=jnp.int32)
    inp['WQ_w'] = jax.random.normal(ks[2], (D, D), dtype=jnp.float32) * s
    inp['WQ_b'] = jnp.zeros((D,), dtype=jnp.float32)
    inp['WK_w'] = jax.random.normal(ks[3], (D, D), dtype=jnp.float32) * s
    inp['WK_b'] = jnp.zeros((D,), dtype=jnp.float32)
    inp['WV_w'] = jax.random.normal(ks[4], (D, D), dtype=jnp.float32) * s
    inp['WV_b'] = jnp.zeros((D,), dtype=jnp.float32)
    inp['WO_w'] = jax.random.normal(ks[5], (D, D), dtype=jnp.float32) * s
    inp['WO_b'] = jnp.zeros((D,), dtype=jnp.float32)
    inp['ln1_g'] = jnp.ones((D,), dtype=jnp.float32)
    inp['ln1_b'] = jnp.zeros((D,), dtype=jnp.float32)
    inp['ln2_g'] = jnp.ones((D,), dtype=jnp.float32)
    inp['ln2_b'] = jnp.zeros((D,), dtype=jnp.float32)
    inp['l1_w'] = jax.random.normal(ks[6], (D, D), dtype=jnp.float32) * s
    inp['l1_b'] = jnp.zeros((D,), dtype=jnp.float32)
    inp['l2_w'] = jax.random.normal(ks[7], (D, D), dtype=jnp.float32) * s
    inp['l2_b'] = jnp.zeros((D,), dtype=jnp.float32)
    return inp


def reference(x, edge_index, WQ_w, WQ_b, WK_w, WK_b, WV_w, WV_b, WO_w, WO_b, ln1_g, ln1_b, ln2_g, ln2_b, l1_w, l1_b, l2_w, l2_b):
    src = edge_index[0]
    dst = edge_index[1]
    h_rc = x
    h = _layer_norm(x, ln1_g, ln1_b)
    Q = (h @ WQ_w.T + WQ_b).reshape(N, H, DH)
    K = (h @ WK_w.T + WK_b).reshape(N, H, DH)
    V = (h @ WV_w.T + WV_b).reshape(N, H, DH)
    # edge messages: expij = exp((K_src . Q_dst) / sqrt(DH)) per head
    qikj = jnp.sum(K[src] * Q[dst], axis=2, keepdims=True)  # [E, H, 1]
    expij = jnp.exp(qikj / jnp.sqrt(jnp.float32(DH)))
    vj = V[src]  # [E, H, DH]
    numerator = jax.ops.segment_sum(expij * vj, dst, num_segments=N)  # [N, H, DH]
    denominator = jax.ops.segment_sum(expij, dst, num_segments=N)     # [N, H, 1]
    h_MHA = (numerator / denominator).reshape(N, H * DH)
    h_MHA = h_MHA @ WO_w.T + WO_b
    h = h_rc + h_MHA
    h_rc2 = h
    h = _layer_norm(h, ln2_g, ln2_b)
    h_MLP = jax.nn.relu(h @ l1_w.T + l1_b)
    h_MLP = h_MLP @ l2_w.T + l2_b
    return h_rc2 + h_MLP

if __name__ == "__main__":
    import jax
    _d = setup_inputs()
    print(jax.jit(kernel)(*tuple(_d.values())))

</pallas_src>

<mosaic_0001>
#map = affine_map<(d0, d1) -> (0, 0)>
#map1 = affine_map<(d0, d1) -> (0)>
module attributes {stable_mosaic.version = 14 : i64} {
  func.func @_edge_body(%arg0: i32, %arg1: i32, %arg2: memref<10000x128xf32, #tpu.memory_space<hbm>>, %arg3: memref<10000x256xf32, #tpu.memory_space<hbm>>, %arg4: memref<320000xi32, #tpu.memory_space<hbm>>, %arg5: memref<320000xi32, #tpu.memory_space<hbm>>, %arg6: memref<10240x144xf32, #tpu.memory_space<hbm>>, %arg7: memref<20480x144xf32, #tpu.memory_space<hbm>>, %arg8: memref<40xi32, #tpu.memory_space<vmem>>, %arg9: memref<40xi32, #tpu.memory_space<vmem>>, %arg10: memref<40x128xf32, #tpu.memory_space<vmem>>, %arg11: memref<40x256xf32, #tpu.memory_space<vmem>>, %arg12: memref<40x144xf32, #tpu.memory_space<vmem>>, %arg13: memref<10240x144xf32, #tpu.memory_space<vmem_shared>>, %arg14: memref<!tpu.dma_semaphore, #tpu.memory_space<semaphore_mem>>, %arg15: memref<!tpu.dma_semaphore, #tpu.memory_space<semaphore_mem>>) attributes {dimension_semantics = [#tpu.dimension_semantics<core_parallel>, #tpu.dimension_semantics<subcore_parallel>], iteration_bounds = array<i64: 2, 16>, scalar_prefetch = 0 : i64, scratch_operands = 8 : i64, tpu.core_type = #tpu.core_type<sc_vector_subcore>, window_params = [{transform_indices = #map}, {transform_indices = #map}, {transform_indices = #map1}, {transform_indices = #map1}, {transform_indices = #map}, {transform_indices = #map}]} {
    %mul3A = arith.constant 16 : i32
    %mul3A_0 = arith.muli %arg0, %mul3A : i32
    %add3A = arith.addi %mul3A_0, %arg1 : i32
    %mul3A_1 = arith.constant 10000 : i32
    %mul3A_2 = arith.muli %add3A, %mul3A_1 : i32
    %mul3A_3 = arith.constant 640 : i32
    %mul3A_4 = arith.muli %arg1, %mul3A_3 : i32
    %mul3A_5 = arith.constant 640 : i32
    %mul3A_6 = arith.muli %arg1, %mul3A_5 : i32
    "tpu.region"() ({
      %run_scoped3A = tpu.sem_alloc : memref<!tpu.dma_semaphore, #tpu.memory_space<semaphore_mem>>
      %dma_start3A = arith.constant 0 : i32
      %dma_start3A_20 = tpu.memref_slice %arg13[%mul3A_6, %dma_start3A] : memref<10240x144xf32, #tpu.memory_space<vmem_shared>> -> memref<640x144xf32, #tpu.memory_space<vmem_shared>>
      %dma_start3A_21 = arith.constant 0 : i32
      %dma_start3A_22 = tpu.memref_slice %arg6[%mul3A_4, %dma_start3A_21] : memref<10240x144xf32, #tpu.memory_space<hbm>> -> memref<640x144xf32, #tpu.memory_space<hbm>>
      tpu.enqueue_dma source(%dma_start3A_22 : memref<640x144xf32, #tpu.memory_space<hbm>>) target(%dma_start3A_20 : memref<640x144xf32, #tpu.memory_space<vmem_shared>>) target_semaphore(%run_scoped3A : memref<!tpu.dma_semaphore, #tpu.memory_space<semaphore_mem>>)
      %dma_wait3A = arith.constant 0 : i32
      %dma_wait3A_23 = tpu.memref_slice %arg13[%mul3A_6, %dma_wait3A] : memref<10240x144xf32, #tpu.memory_space<vmem_shared>> -> memref<640x144xf32, #tpu.memory_space<vmem_shared>>
      %dma_wait3A_24 = arith.constant 0 : i32
      %dma_wait3A_25 = tpu.memref_slice %arg6[%mul3A_4, %dma_wait3A_24] : memref<10240x144xf32, #tpu.memory_space<hbm>> -> memref<640x144xf32, #tpu.memory_space<hbm>>
      tpu.wait_dma2 semaphore(%run_scoped3A : memref<!tpu.dma_semaphore, #tpu.memory_space<semaphore_mem>>) src(%dma_wait3A_25 : memref<640x144xf32, #tpu.memory_space<hbm>>) dst(%dma_wait3A_23 : memref<640x144xf32, #tpu.memory_space<vmem_shared>>)
      tpu.yield
    }) : () -> ()
    %barrier3A = arith.constant 0 : index
    tpu.barrier barrier_id(%barrier3A)
    %iota3A = tpu.iota {dimensions = array<i32: 0>} : vector<16xi32>
    %scan3A = arith.constant 0 : i32
    %scan3A_7 = arith.constant 0 : i32
    %scan3A_8 = arith.constant 250 : i32
    %scan3A_9 = arith.addi %scan3A_7, %scan3A_8 : i32
    %scan3A_10 = arith.constant 1 : i32
    scf.for %scan3A_20 = %scan3A_7 to %scan3A_9 step %scan3A_10  : i32 {
      %mul3A_21 = arith.constant 40 : i32
      %mul3A_22 = arith.muli %scan3A_20, %mul3A_21 : i32
      %add3A_23 = arith.addi %mul3A_2, %mul3A_22 : i32
      "tpu.region"() ({
        %run_scoped3A = tpu.sem_alloc : memref<!tpu.dma_semaphore, #tpu.memory_space<semaphore_mem>>
        %dma_start3A_36 = tpu.memref_slice %arg4[%add3A_23] : memref<320000xi32, #tpu.memory_space<hbm>> -> memref<40xi32, #tpu.memory_space<hbm>>
        %dma_start3A_37 = tpu.memref_slice %arg4[%add3A_23] : memref<320000xi32, #tpu.memory_space<hbm>> -> memref<40xi32, #tpu.memory_space<hbm>>
        tpu.enqueue_dma source(%dma_start3A_37 : memref<40xi32, #tpu.memory_space<hbm>>) target(%arg8 : memref<40xi32, #tpu.memory_space<vmem>>) target_semaphore(%run_scoped3A : memref<!tpu.dma_semaphore, #tpu.memory_space<semaphore_mem>>)
        %dma_wait3A_38 = tpu.memref_slice %arg4[%add3A_23] : memref<320000xi32, #tpu.memory_space<hbm>> -> memref<40xi32, #tpu.memory_space<hbm>>
        %dma_wait3A_39 = tpu.memref_slice %arg4[%add3A_23] : memref<320000xi32, #tpu.memory_space<hbm>> -> memref<40xi32, #tpu.memory_space<hbm>>
        tpu.wait_dma2 semaphore(%run_scoped3A : memref<!tpu.dma_semaphore, #tpu.memory_space<semaphore_mem>>) src(%dma_wait3A_39 : memref<40xi32, #tpu.memory_space<hbm>>) dst(%arg8 : memref<40xi32, #tpu.memory_space<vmem>>)
        tpu.yield
      }) : () -> ()
      "tpu.region"() ({
        %run_scoped3A = tpu.sem_alloc : memref<!tpu.dma_semaphore, #tpu.memory_space<semaphore_mem>>
        %dma_start3A_36 = tpu.memref_slice %arg5[%add3A_23] : memref<320000xi32, #tpu.memory_space<hbm>> -> memref<40xi32, #tpu.memory_space<hbm>>
        %dma_start3A_37 = tpu.memref_slice %arg5[%add3A_23] : memref<320000xi32, #tpu.memory_space<hbm>> -> memref<40xi32, #tpu.memory_space<hbm>>
        tpu.enqueue_dma source(%dma_start3A_37 : memref<40xi32, #tpu.memory_space<hbm>>) target(%arg9 : memref<40xi32, #tpu.memory_space<vmem>>) target_semaphore(%run_scoped3A : memref<!tpu.dma_semaphore, #tpu.memory_space<semaphore_mem>>)
        %dma_wait3A_38 = tpu.memref_slice %arg5[%add3A_23] : memref<320000xi32, #tpu.memory_space<hbm>> -> memref<40xi32, #tpu.memory_space<hbm>>
        %dma_wait3A_39 = tpu.memref_slice %arg5[%add3A_23] : memref<320000xi32, #tpu.memory_space<hbm>> -> memref<40xi32, #tpu.memory_space<hbm>>
        tpu.wait_dma2 semaphore(%run_scoped3A : memref<!tpu.dma_semaphore, #tpu.memory_space<semaphore_mem>>) src(%dma_wait3A_39 : memref<40xi32, #tpu.memory_space<hbm>>) dst(%arg9 : memref<40xi32, #tpu.memory_space<vmem>>)
        tpu.yield
      }) : () -> ()
      %dma_start3A = arith.constant 0 : i32
      %dma_start3A_24 = arith.constant 0 : i32
      %dma_start3A_25 = tpu.memref_slice %arg2[%dma_start3A, %dma_start3A_24] : memref<10000x128xf32, #tpu.memory_space<hbm>> -> memref<10000x128xf32, #tpu.memory_space<hbm>>
      tpu.enqueue_indirect_dma source(%dma_start3A_25 : memref<10000x128xf32, #tpu.memory_space<hbm>>) target(%arg10 : memref<40x128xf32, #tpu.memory_space<vmem>>) offsets(%arg9 : memref<40xi32, #tpu.memory_space<vmem>>) semaphore(%arg14 : memref<!tpu.dma_semaphore, #tpu.memory_space<semaphore_mem>>)
      %dma_start3A_26 = arith.constant 0 : i32
      %dma_start3A_27 = arith.constant 0 : i32
      %dma_start3A_28 = tpu.memref_slice %arg3[%dma_start3A_26, %dma_start3A_27] : memref<10000x256xf32, #tpu.memory_space<hbm>> -> memref<10000x256xf32, #tpu.memory_space<hbm>>
      tpu.enqueue_indirect_dma source(%dma_start3A_28 : memref<10000x256xf32, #tpu.memory_space<hbm>>) target(%arg11 : memref<40x256xf32, #tpu.memory_space<vmem>>) offsets(%arg8 : memref<40xi32, #tpu.memory_space<vmem>>) semaphore(%arg15 : memref<!tpu.dma_semaphore, #tpu.memory_space<semaphore_mem>>)
      %dma_wait3A = arith.constant 0 : i32
      %dma_wait3A_29 = arith.constant 0 : i32
      %dma_wait3A_30 = tpu.memref_slice %arg2[%dma_wait3A, %dma_wait3A_29] : memref<10000x128xf32, #tpu.memory_space<hbm>> -> memref<10000x128xf32, #tpu.memory_space<hbm>>
      tpu.wait_indirect_dma semaphore(%arg14 : memref<!tpu.dma_semaphore, #tpu.memory_space<semaphore_mem>>) src(%dma_wait3A_30 : memref<10000x128xf32, #tpu.memory_space<hbm>>) dst(%arg10 : memref<40x128xf32, #tpu.memory_space<vmem>>)
      %dma_wait3A_31 = arith.constant 0 : i32
      %dma_wait3A_32 = arith.constant 0 : i32
      %dma_wait3A_33 = tpu.memref_slice %arg3[%dma_wait3A_31, %dma_wait3A_32] : memref<10000x256xf32, #tpu.memory_space<hbm>> -> memref<10000x256xf32, #tpu.memory_space<hbm>>
      tpu.wait_indirect_dma semaphore(%arg15 : memref<!tpu.dma_semaphore, #tpu.memory_space<semaphore_mem>>) src(%dma_wait3A_33 : memref<10000x256xf32, #tpu.memory_space<hbm>>) dst(%arg11 : memref<40x256xf32, #tpu.memory_space<vmem>>)
      %parallel_loop3A = arith.constant 0 : i32
      %parallel_loop3A_34 = arith.constant 40 : i32
      %parallel_loop3A_35 = arith.constant 1 : i32
      scf.for %parallel_loop3A_36 = %parallel_loop3A to %parallel_loop3A_34 step %parallel_loop3A_35  : i32 {
        %parallel_loop3A_37 = arith.constant 0.000000e+00 : f32
        %parallel_loop3A_38 = vector.broadcast %parallel_loop3A_37 : f32 to vector<16xf32>
        %parallel_loop3A_39 = arith.index_cast %parallel_loop3A_36 : i32 to index
        %parallel_loop3A_40 = arith.constant 0 : index
        %parallel_loop3A_41 = tpu.vector_load %arg10[%parallel_loop3A_39, %parallel_loop3A_40] {strides = array<i32>} : memref<40x128xf32, #tpu.memory_space<vmem>>, vector<1x16xf32>,
        %parallel_loop3A_42 = vector.shape_cast %parallel_loop3A_41 : vector<1x16xf32> to vector<16xf32>
        %parallel_loop3A_43 = arith.index_cast %parallel_loop3A_36 : i32 to index
        %parallel_loop3A_44 = arith.constant 0 : index
        %parallel_loop3A_45 = tpu.vector_load %arg11[%parallel_loop3A_43, %parallel_loop3A_44] {strides = array<i32>} : memref<40x256xf32, #tpu.memory_space<vmem>>, vector<1x16xf32>,
        %parallel_loop3A_46 = vector.shape_cast %parallel_loop3A_45 : vector<1x16xf32> to vector<16xf32>
        %parallel_loop3A_47 = arith.index_cast %parallel_loop3A_36 : i32 to index
        %parallel_loop3A_48 = arith.constant 128 : index
        %parallel_loop3A_49 = tpu.vector_load %arg11[%parallel_loop3A_47, %parallel_loop3A_48] {strides = array<i32>} : memref<40x256xf32, #tpu.memory_space<vmem>>, vector<1x16xf32>,
        %parallel_loop3A_50 = vector.shape_cast %parallel_loop3A_49 : vector<1x16xf32> to vector<16xf32>
        %parallel_loop3A_51 = arith.mulf %parallel_loop3A_42, %parallel_loop3A_46 : vector<16xf32>
        %parallel_loop3A_52 = arith.constant 8 : i32
        %parallel_loop3A_53 = vector.broadcast %parallel_loop3A_52 : i32 to vector<16xi32>
        %parallel_loop3A_54 = arith.addi %iota3A, %parallel_loop3A_53 : vector<16xi32>
        %parallel_loop3A_55 = arith.constant 15 : i32
        %parallel_loop3A_56 = vector.broadcast %parallel_loop3A_55 : i32 to vector<16xi32>
        %parallel_loop3A_57 = arith.andi %parallel_loop3A_54, %parallel_loop3A_56 : vector<16xi32>
        %parallel_loop3A_58 = vector.shape_cast %parallel_loop3A_57 : vector<16xi32> to vector<16x1xi32>
        %parallel_loop3A_59 = vector.shape_cast %parallel_loop3A_58 : vector<16x1xi32> to vector<16xi32>
        %parallel_loop3A_60 = tpu.dynamic_gather %parallel_loop3A_51[%parallel_loop3A_59] in [0] : vector<16xf32>, vector<16xi32> -> vector<16xf32>
        %parallel_loop3A_61 = arith.addf %parallel_loop3A_51, %parallel_loop3A_60 : vector<16xf32>
        %parallel_loop3A_62 = arith.constant 4 : i32
        %parallel_loop3A_63 = vector.broadcast %parallel_loop3A_62 : i32 to vector<16xi32>
        %parallel_loop3A_64 = arith.addi %iota3A, %parallel_loop3A_63 : vector<16xi32>
        %parallel_loop3A_65 = arith.constant 15 : i32
        %parallel_loop3A_66 = vector.broadcast %parallel_loop3A_65 : i32 to vector<16xi32>
        %parallel_loop3A_67 = arith.andi %parallel_loop3A_64, %parallel_loop3A_66 : vector<16xi32>
        %parallel_loop3A_68 = vector.shape_cast %parallel_loop3A_67 : vector<16xi32> to vector<16x1xi32>
        %parallel_loop3A_69 = vector.shape_cast %parallel_loop3A_68 : vector<16x1xi32> to vector<16xi32>
        %parallel_loop3A_70 = tpu.dynamic_gather %parallel_loop3A_61[%parallel_loop3A_69] in [0] : vector<16xf32>, vector<16xi32> -> vector<16xf32>
        %parallel_loop3A_71 = arith.addf %parallel_loop3A_61, %parallel_loop3A_70 : vector<16xf32>
        %parallel_loop3A_72 = arith.constant 2 : i32
        %parallel_loop3A_73 = vector.broadcast %parallel_loop3A_72 : i32 to vector<16xi32>
        %parallel_loop3A_74 = arith.addi %iota3A, %parallel_loop3A_73 : vector<16xi32>
        %parallel_loop3A_75 = arith.constant 15 : i32
        %parallel_loop3A_76 = vector.broadcast %parallel_loop3A_75 : i32 to vector<16xi32>
        %parallel_loop3A_77 = arith.andi %parallel_loop3A_74, %parallel_loop3A_76 : vector<16xi32>
        %parallel_loop3A_78 = vector.shape_cast %parallel_loop3A_77 : vector<16xi32> to vector<16x1xi32>
        %parallel_loop3A_79 = vector.shape_cast %parallel_loop3A_78 : vector<16x1xi32> to vector<16xi32>
        %parallel_loop3A_80 = tpu.dynamic_gather %parallel_loop3A_71[%parallel_loop3A_79] in [0] : vector<16xf32>, vector<16xi32> -> vector<16xf32>
        %parallel_loop3A_81 = arith.addf %parallel_loop3A_71, %parallel_loop3A_80 : vector<16xf32>
        %parallel_loop3A_82 = arith.constant 1 : i32
        %parallel_loop3A_83 = vector.broadcast %parallel_loop3A_82 : i32 to vector<16xi32>
        %parallel_loop3A_84 = arith.addi %iota3A, %parallel_loop3A_83 : vector<16xi32>
        %parallel_loop3A_85 = arith.constant 15 : i32
        %parallel_loop3A_86 = vector.broadcast %parallel_loop3A_85 : i32 to vector<16xi32>
        %parallel_loop3A_87 = arith.andi %parallel_loop3A_84, %parallel_loop3A_86 : vector<16xi32>
        %parallel_loop3A_88 = vector.shape_cast %parallel_loop3A_87 : vector<16xi32> to vector<16x1xi32>
        %parallel_loop3A_89 = vector.shape_cast %parallel_loop3A_88 : vector<16x1xi32> to vector<16xi32>
        %parallel_loop3A_90 = tpu.dynamic_gather %parallel_loop3A_81[%parallel_loop3A_89] in [0] : vector<16xf32>, vector<16xi32> -> vector<16xf32>
        %parallel_loop3A_91 = arith.addf %parallel_loop3A_81, %parallel_loop3A_90 : vector<16xf32>
        %parallel_loop3A_92 = arith.constant 2.500000e-01 : f32
        %parallel_loop3A_93 = vector.broadcast %parallel_loop3A_92 : f32 to vector<16xf32>
        %parallel_loop3A_94 = arith.mulf %parallel_loop3A_91, %parallel_loop3A_93 : vector<16xf32>
        %parallel_loop3A_95 = math.exp %parallel_loop3A_94 : vector<16xf32>
        %parallel_loop3A_96 = arith.mulf %parallel_loop3A_95, %parallel_loop3A_50 : vector<16xf32>
        %parallel_loop3A_97 = arith.index_cast %parallel_loop3A_36 : i32 to index
        %parallel_loop3A_98 = arith.constant 0 : index
        %parallel_loop3A_99 = tpu.vector_load %arg12[%parallel_loop3A_97, %parallel_loop3A_98] {strides = array<i32>} : memref<40x144xf32, #tpu.memory_space<vmem>>, vector<1x16xf32>,
        %parallel_loop3A_100 = vector.shape_cast %parallel_loop3A_99 : vector<1x16xf32> to vector<16xf32>
        %parallel_loop3A_101 = vector.shape_cast %parallel_loop3A_96 : vector<16xf32> to vector<1x16xf32>
        tpu.vector_store %arg12[%parallel_loop3A_97, %parallel_loop3A_98], %parallel_loop3A_101 {strides = array<i32>} : memref<40x144xf32, #tpu.memory_space<vmem>>, vector<1x16xf32>,
        %parallel_loop3A_102 = arith.constant 0 : i32
        %parallel_loop3A_103 = vector.broadcast %parallel_loop3A_102 : i32 to vector<16xi32>
        %parallel_loop3A_104 = arith.cmpi eq, %iota3A, %parallel_loop3A_103 : vector<16xi32>
        %parallel_loop3A_105 = arith.constant 0.000000e+00 : f32
        %parallel_loop3A_106 = vector.broadcast %parallel_loop3A_105 : f32 to vector<16xf32>
        %parallel_loop3A_107 = arith.select %parallel_loop3A_104, %parallel_loop3A_95, %parallel_loop3A_106 : vector<16xi1>, vector<16xf32>
        %parallel_loop3A_108 = arith.addf %parallel_loop3A_38, %parallel_loop3A_107 : vector<16xf32>
        %parallel_loop3A_109 = arith.index_cast %parallel_loop3A_36 : i32 to index
        %parallel_loop3A_110 = arith.constant 16 : index
        %parallel_loop3A_111 = tpu.vector_load %arg10[%parallel_loop3A_109, %parallel_loop3A_110] {strides = array<i32>} : memref<40x128xf32, #tpu.memory_space<vmem>>, vector<1x16xf32>,
        %parallel_loop3A_112 = vector.shape_cast %parallel_loop3A_111 : vector<1x16xf32> to vector<16xf32>
        %parallel_loop3A_113 = arith.index_cast %parallel_loop3A_36 : i32 to index
        %parallel_loop3A_114 = arith.constant 16 : index
        %parallel_loop3A_115 = tpu.vector_load %arg11[%parallel_loop3A_113, %parallel_loop3A_114] {strides = array<i32>} : memref<40x256xf32, #tpu.memory_space<vmem>>, vector<1x16xf32>,
        %parallel_loop3A_116 = vector.shape_cast %parallel_loop3A_115 : vector<1x16xf32> to vector<16xf32>
        %parallel_loop3A_117 = arith.index_cast %parallel_loop3A_36 : i32 to index
        %parallel_loop3A_118 = arith.constant 144 : index
        %parallel_loop3A_119 = tpu.vector_load %arg11[%parallel_loop3A_117, %parallel_loop3A_118] {strides = array<i32>} : memref<40x256xf32, #tpu.memory_space<vmem>>, vector<1x16xf32>,
        %parallel_loop3A_120 = vector.shape_cast %parallel_loop3A_119 : vector<1x16xf32> to vector<16xf32>
        %parallel_loop3A_121 = arith.mulf %parallel_loop3A_112, %parallel_loop3A_116 : vector<16xf32>
        %parallel_loop3A_122 = arith.constant 8 : i32
        %parallel_loop3A_123 = vector.broadcast %parallel_loop3A_122 : i32 to vector<16xi32>
        %parallel_loop3A_124 = arith.addi %iota3A, %parallel_loop3A_123 : vector<16xi32>
        %parallel_loop3A_125 = arith.constant 15 : i32
        %parallel_loop3A_126 = vector.broadcast %parallel_loop3A_125 : i32 to vector<16xi32>
        %parallel_loop3A_127 = arith.andi %parallel_loop3A_124, %parallel_loop3A_126 : vector<16xi32>
        %parallel_loop3A_128 = vector.shape_cast %parallel_loop3A_127 : vector<16xi32> to vector<16x1xi32>
        %parallel_loop3A_129 = vector.shape_cast %parallel_loop3A_128 : vector<16x1xi32> to vector<16xi32>
        %parallel_loop3A_130 = tpu.dynamic_gather %parallel_loop3A_121[%parallel_loop3A_129] in [0] : vector<16xf32>, vector<16xi32> -> vector<16xf32>
        %parallel_loop3A_131 = arith.addf %parallel_loop3A_121, %parallel_loop3A_130 : vector<16xf32>
        %parallel_loop3A_132 = arith.constant 4 : i32
        %parallel_loop3A_133 = vector.broadcast %parallel_loop3A_132 : i32 to vector<16xi32>
        %parallel_loop3A_134 = arith.addi %iota3A, %parallel_loop3A_133 : vector<16xi32>
        %parallel_loop3A_135 = arith.constant 15 : i32
        %parallel_loop3A_136 = vector.broadcast %parallel_loop3A_135 : i32 to vector<16xi32>
        %parallel_loop3A_137 = arith.andi %parallel_loop3A_134, %parallel_loop3A_136 : vector<16xi32>
        %parallel_loop3A_138 = vector.shape_cast %parallel_loop3A_137 : vector<16xi32> to vector<16x1xi32>
        %parallel_loop3A_139 = vector.shape_cast %parallel_loop3A_138 : vector<16x1xi32> to vector<16xi32>
        %parallel_loop3A_140 = tpu.dynamic_gather %parallel_loop3A_131[%parallel_loop3A_139] in [0] : vector<16xf32>, vector<16xi32> -> vector<16xf32>
        %parallel_loop3A_141 = arith.addf %parallel_loop3A_131, %parallel_loop3A_140 : vector<16xf32>
        %parallel_loop3A_142 = arith.constant 2 : i32
        %parallel_loop3A_143 = vector.broadcast %parallel_loop3A_142 : i32 to vector<16xi32>
        %parallel_loop3A_144 = arith.addi %iota3A, %parallel_loop3A_143 : vector<16xi32>
        %parallel_loop3A_145 = arith.constant 15 : i32
        %parallel_loop3A_146 = vector.broadcast %parallel_loop3A_145 : i32 to vector<16xi32>
        %parallel_loop3A_147 = arith.andi %parallel_loop3A_144, %parallel_loop3A_146 : vector<16xi32>
        %parallel_loop3A_148 = vector.shape_cast %parallel_loop3A_147 : vector<16xi32> to vector<16x1xi32>
        %parallel_loop3A_149 = vector.shape_cast %parallel_loop3A_148 : vector<16x1xi32> to vector<16xi32>
        %parallel_loop3A_150 = tpu.dynamic_gather %parallel_loop3A_141[%parallel_loop3A_149] in [0] : vector<16xf32>, vector<16xi32> -> vector<16xf32>
        %parallel_loop3A_151 = arith.addf %parallel_loop3A_141, %parallel_loop3A_150 : vector<16xf32>
        %parallel_loop3A_152 = arith.constant 1 : i32
        %parallel_loop3A_153 = vector.broadcast %parallel_loop3A_152 : i32 to vector<16xi32>
        %parallel_loop3A_154 = arith.addi %iota3A, %parallel_loop3A_153 : vector<16xi32>
        %parallel_loop3A_155 = arith.constant 15 : i32
        %parallel_loop3A_156 = vector.broadcast %parallel_loop3A_155 : i32 to vector<16xi32>
        %parallel_loop3A_157 = arith.andi %parallel_loop3A_154, %parallel_loop3A_156 : vector<16xi32>
        %parallel_loop3A_158 = vector.shape_cast %parallel_loop3A_157 : vector<16xi32> to vector<16x1xi32>
        %parallel_loop3A_159 = vector.shape_cast %parallel_loop3A_158 : vector<16x1xi32> to vector<16xi32>
        %parallel_loop3A_160 = tpu.dynamic_gather %parallel_loop3A_151[%parallel_loop3A_159] in [0] : vector<16xf32>, vector<16xi32> -> vector<16xf32>
        %parallel_loop3A_161 = arith.addf %parallel_loop3A_151, %parallel_loop3A_160 : vector<16xf32>
        %parallel_loop3A_162 = arith.constant 2.500000e-01 : f32
        %parallel_loop3A_163 = vector.broadcast %parallel_loop3A_162 : f32 to vector<16xf32>
        %parallel_loop3A_164 = arith.mulf %parallel_loop3A_161, %parallel_loop3A_163 : vector<16xf32>
        %parallel_loop3A_165 = math.exp %parallel_loop3A_164 : vector<16xf32>
        %parallel_loop3A_166 = arith.mulf %parallel_loop3A_165, %parallel_loop3A_120 : vector<16xf32>
        %parallel_loop3A_167 = arith.index_cast %parallel_loop3A_36 : i32 to index
        %parallel_loop3A_168 = arith.constant 16 : index
        %parallel_loop3A_169 = tpu.vector_load %arg12[%parallel_loop3A_167, %parallel_loop3A_168] {strides = array<i32>} : memref<40x144xf32, #tpu.memory_space<vmem>>, vector<1x16xf32>,
        %parallel_loop3A_170 = vector.shape_cast %parallel_loop3A_169 : vector<1x16xf32> to vector<16xf32>
        %parallel_loop3A_171 = vector.shape_cast %parallel_loop3A_166 : vector<16xf32> to vector<1x16xf32>
        tpu.vector_store %arg12[%parallel_loop3A_167, %parallel_loop3A_168], %parallel_loop3A_171 {strides = array<i32>} : memref<40x144xf32, #tpu.memory_space<vmem>>, vector<1x16xf32>,
        %parallel_loop3A_172 = arith.constant 1 : i32
        %parallel_loop3A_173 = vector.broadcast %parallel_loop3A_172 : i32 to vector<16xi32>
        %parallel_loop3A_174 = arith.cmpi eq, %iota3A, %parallel_loop3A_173 : vector<16xi32>
        %parallel_loop3A_175 = arith.constant 0.000000e+00 : f32
        %parallel_loop3A_176 = vector.broadcast %parallel_loop3A_175 : f32 to vector<16xf32>
        %parallel_loop3A_177 = arith.select %parallel_loop3A_174, %parallel_loop3A_165, %parallel_loop3A_176 : vector<16xi1>, vector<16xf32>
        %parallel_loop3A_178 = arith.addf %parallel_loop3A_108, %parallel_loop3A_177 : vector<16xf32>
        %parallel_loop3A_179 = arith.index_cast %parallel_loop3A_36 : i32 to index
        %parallel_loop3A_180 = arith.constant 32 : index
        %parallel_loop3A_181 = tpu.vector_load %arg10[%parallel_loop3A_179, %parallel_loop3A_180] {strides = array<i32>} : memref<40x128xf32, #tpu.memory_space<vmem>>, vector<1x16xf32>,
        %parallel_loop3A_182 = vector.shape_cast %parallel_loop3A_181 : vector<1x16xf32> to vector<16xf32>
        %parallel_loop3A_183 = arith.index_cast %parallel_loop3A_36 : i32 to index
        %parallel_loop3A_184 = arith.constant 32 : index
        %parallel_loop3A_185 = tpu.vector_load %arg11[%parallel_loop3A_183, %parallel_loop3A_184] {strides = array<i32>} : memref<40x256xf32, #tpu.memory_space<vmem>>, vector<1x16xf32>,
        %parallel_loop3A_186 = vector.shape_cast %parallel_loop3A_185 : vector<1x16xf32> to vector<16xf32>
        %parallel_loop3A_187 = arith.index_cast %parallel_loop3A_36 : i32 to index
        %parallel_loop3A_188 = arith.constant 160 : index
        %parallel_loop3A_189 = tpu.vector_load %arg11[%parallel_loop3A_187, %parallel_loop3A_188] {strides = array<i32>} : memref<40x256xf32, #tpu.memory_space<vmem>>, vector<1x16xf32>,
        %parallel_loop3A_190 = vector.shape_cast %parallel_loop3A_189 : vector<1x16xf32> to vector<16xf32>
        %parallel_loop3A_191 = arith.mulf %parallel_loop3A_182, %parallel_loop3A_186 : vector<16xf32>
        %parallel_loop3A_192 = arith.constant 8 : i32
        %parallel_loop3A_193 = vector.broadcast %parallel_loop3A_192 : i32 to vector<16xi32>
        %parallel_loop3A_194 = arith.addi %iota3A, %parallel_loop3A_193 : vector<16xi32>
        %parallel_loop3A_195 = arith.constant 15 : i32
        %parallel_loop3A_196 = vector.broadcast %parallel_loop3A_195 : i32 to vector<16xi32>
        %parallel_loop3A_197 = arith.andi %parallel_loop3A_194, %parallel_loop3A_196 : vector<16xi32>
        %parallel_loop3A_198 = vector.shape_cast %parallel_loop3A_197 : vector<16xi32> to vector<16x1xi32>
        %parallel_loop3A_199 = vector.shape_cast %parallel_loop3A_198 : vector<16x1xi32> to vector<16xi32>
        %parallel_loop3A_200 = tpu.dynamic_gather %parallel_loop3A_191[%parallel_loop3A_199] in [0] : vector<16xf32>, vector<16xi32> -> vector<16xf32>
        %parallel_loop3A_201 = arith.addf %parallel_loop3A_191, %parallel_loop3A_200 : vector<16xf32>
        %parallel_loop3A_202 = arith.constant 4 : i32
        %parallel_loop3A_203 = vector.broadcast %parallel_loop3A_202 : i32 to vector<16xi32>
        %parallel_loop3A_204 = arith.addi %iota3A, %parallel_loop3A_203 : vector<16xi32>
        %parallel_loop3A_205 = arith.constant 15 : i32
        %parallel_loop3A_206 = vector.broadcast %parallel_loop3A_205 : i32 to vector<16xi32>
        %parallel_loop3A_207 = arith.andi %parallel_loop3A_204, %parallel_loop3A_206 : vector<16xi32>
        %parallel_loop3A_208 = vector.shape_cast %parallel_loop3A_207 : vector<16xi32> to vector<16x1xi32>
        %parallel_loop3A_209 = vector.shape_cast %parallel_loop3A_208 : vector<16x1xi32> to vector<16xi32>
        %parallel_loop3A_210 = tpu.dynamic_gather %parallel_loop3A_201[%parallel_loop3A_209] in [0] : vector<16xf32>, vector<16xi32> -> vector<16xf32>
        %parallel_loop3A_211 = arith.addf %parallel_loop3A_201, %parallel_loop3A_210 : vector<16xf32>
        %parallel_loop3A_212 = arith.constant 2 : i32
        %parallel_loop3A_213 = vector.broadcast %parallel_loop3A_212 : i32 to vector<16xi32>
        %parallel_loop3A_214 = arith.addi %iota3A, %parallel_loop3A_213 : vector<16xi32>
        %parallel_loop3A_215 = arith.constant 15 : i32
        %parallel_loop3A_216 = vector.broadcast %parallel_loop3A_215 : i32 to vector<16xi32>
        %parallel_loop3A_217 = arith.andi %parallel_loop3A_214, %parallel_loop3A_216 : vector<16xi32>
        %parallel_loop3A_218 = vector.shape_cast %parallel_loop3A_217 : vector<16xi32> to vector<16x1xi32>
        %parallel_loop3A_219 = vector.shape_cast %parallel_loop3A_218 : vector<16x1xi32> to vector<16xi32>
        %parallel_loop3A_220 = tpu.dynamic_gather %parallel_loop3A_211[%parallel_loop3A_219] in [0] : vector<16xf32>, vector<16xi32> -> vector<16xf32>
        %parallel_loop3A_221 = arith.addf %parallel_loop3A_211, %parallel_loop3A_220 : vector<16xf32>
        %parallel_loop3A_222 = arith.constant 1 : i32
        %parallel_loop3A_223 = vector.broadcast %parallel_loop3A_222 : i32 to vector<16xi32>
        %parallel_loop3A_224 = arith.addi %iota3A, %parallel_loop3A_223 : vector<16xi32>
        %parallel_loop3A_225 = arith.constant 15 : i32
        %parallel_loop3A_226 = vector.broadcast %parallel_loop3A_225 : i32 to vector<16xi32>
        %parallel_loop3A_227 = arith.andi %parallel_loop3A_224, %parallel_loop3A_226 : vector<16xi32>
        %parallel_loop3A_228 = vector.shape_cast %parallel_loop3A_227 : vector<16xi32> to vector<16x1xi32>
        %parallel_loop3A_229 = vector.shape_cast %parallel_loop3A_228 : vector<16x1xi32> to vector<16xi32>
        %parallel_loop3A_230 = tpu.dynamic_gather %parallel_loop3A_221[%parallel_loop3A_229] in [0] : vector<16xf32>, vector<16xi32> -> vector<16xf32>
        %parallel_loop3A_231 = arith.addf %parallel_loop3A_221, %parallel_loop3A_230 : vector<16xf32>
        %parallel_loop3A_232 = arith.constant 2.500000e-01 : f32
        %parallel_loop3A_233 = vector.broadcast %parallel_loop3A_232 : f32 to vector<16xf32>
        %parallel_loop3A_234 = arith.mulf %parallel_loop3A_231, %parallel_loop3A_233 : vector<16xf32>
        %parallel_loop3A_235 = math.exp %parallel_loop3A_234 : vector<16xf32>
        %parallel_loop3A_236 = arith.mulf %parallel_loop3A_235, %parallel_loop3A_190 : vector<16xf32>
        %parallel_loop3A_237 = arith.index_cast %parallel_loop3A_36 : i32 to index
        %parallel_loop3A_238 = arith.constant 32 : index
        %parallel_loop3A_239 = tpu.vector_load %arg12[%parallel_loop3A_237, %parallel_loop3A_238] {strides = array<i32>} : memref<40x144xf32, #tpu.memory_space<vmem>>, vector<1x16xf32>,
        %parallel_loop3A_240 = vector.shape_cast %parallel_loop3A_239 : vector<1x16xf32> to vector<16xf32>
        %parallel_loop3A_241 = vector.shape_cast %parallel_loop3A_236 : vector<16xf32> to vector<1x16xf32>
        tpu.vector_store %arg12[%parallel_loop3A_237, %parallel_loop3A_238], %parallel_loop3A_241 {strides = array<i32>} : memref<40x144xf32, #tpu.memory_space<vmem>>, vector<1x16xf32>,
        %parallel_loop3A_242 = arith.constant 2 : i32
        %parallel_loop3A_243 = vector.broadcast %parallel_loop3A_242 : i32 to vector<16xi32>
        %parallel_loop3A_244 = arith.cmpi eq, %iota3A, %parallel_loop3A_243 : vector<16xi32>
        %parallel_loop3A_245 = arith.constant 0.000000e+00 : f32
        %parallel_loop3A_246 = vector.broadcast %parallel_loop3A_245 : f32 to vector<16xf32>
        %parallel_loop3A_247 = arith.select %parallel_loop3A_244, %parallel_loop3A_235, %parallel_loop3A_246 : vector<16xi1>, vector<16xf32>
        %parallel_loop3A_248 = arith.addf %parallel_loop3A_178, %parallel_loop3A_247 : vector<16xf32>
        %parallel_loop3A_249 = arith.index_cast %parallel_loop3A_36 : i32 to index
        %parallel_loop3A_250 = arith.constant 48 : index
        %parallel_loop3A_251 = tpu.vector_load %arg10[%parallel_loop3A_249, %parallel_loop3A_250] {strides = array<i32>} : memref<40x128xf32, #tpu.memory_space<vmem>>, vector<1x16xf32>,
        %parallel_loop3A_252 = vector.shape_cast %parallel_loop3A_251 : vector<1x16xf32> to vector<16xf32>
        %parallel_loop3A_253 = arith.index_cast %parallel_loop3A_36 : i32 to index
        %parallel_loop3A_254 = arith.constant 48 : index
        %parallel_loop3A_255 = tpu.vector_load %arg11[%parallel_loop3A_253, %parallel_loop3A_254] {strides = array<i32>} : memref<40x256xf32, #tpu.memory_space<vmem>>, vector<1x16xf32>,
        %parallel_loop3A_256 = vector.shape_cast %parallel_loop3A_255 : vector<1x16xf32> to vector<16xf32>
        %parallel_loop3A_257 = arith.index_cast %parallel_loop3A_36 : i32 to index
        %parallel_loop3A_258 = arith.constant 176 : index
        %parallel_loop3A_259 = tpu.vector_load %arg11[%parallel_loop3A_257, %parallel_loop3A_258] {strides = array<i32>} : memref<40x256xf32, #tpu.memory_space<vmem>>, vector<1x16xf32>,
        %parallel_loop3A_260 = vector.shape_cast %parallel_loop3A_259 : vector<1x16xf32> to vector<16xf32>
        %parallel_loop3A_261 = arith.mulf %parallel_loop3A_252, %parallel_loop3A_256 : vector<16xf32>
        %parallel_loop3A_262 = arith.constant 8 : i32
        %parallel_loop3A_263 = vector.broadcast %parallel_loop3A_262 : i32 to vector<16xi32>
        %parallel_loop3A_264 = arith.addi %iota3A, %parallel_loop3A_263 : vector<16xi32>
        %parallel_loop3A_265 = arith.constant 15 : i32
        %parallel_loop3A_266 = vector.broadcast %parallel_loop3A_265 : i32 to vector<16xi32>
        %parallel_loop3A_267 = arith.andi %parallel_loop3A_264, %parallel_loop3A_266 : vector<16xi32>
        %parallel_loop3A_268 = vector.shape_cast %parallel_loop3A_267 : vector<16xi32> to vector<16x1xi32>
        %parallel_loop3A_269 = vector.shape_cast %parallel_loop3A_268 : vector<16x1xi32> to vector<16xi32>
        %parallel_loop3A_270 = tpu.dynamic_gather %parallel_loop3A_261[%parallel_loop3A_269] in [0] : vector<16xf32>, vector<16xi32> -> vector<16xf32>
        %parallel_loop3A_271 = arith.addf %parallel_loop3A_261, %parallel_loop3A_270 : vector<16xf32>
        %parallel_loop3A_272 = arith.constant 4 : i32
        %parallel_loop3A_273 = vector.broadcast %parallel_loop3A_272 : i32 to vector<16xi32>
        %parallel_loop3A_274 = arith.addi %iota3A, %parallel_loop3A_273 : vector<16xi32>
        %parallel_loop3A_275 = arith.constant 15 : i32
        %parallel_loop3A_276 = vector.broadcast %parallel_loop3A_275 : i32 to vector<16xi32>
        %parallel_loop3A_277 = arith.andi %parallel_loop3A_274, %parallel_loop3A_276 : vector<16xi32>
        %parallel_loop3A_278 = vector.shape_cast %parallel_loop3A_277 : vector<16xi32> to vector<16x1xi32>
        %parallel_loop3A_279 = vector.shape_cast %parallel_loop3A_278 : vector<16x1xi32> to vector<16xi32>
        %parallel_loop3A_280 = tpu.dynamic_gather %parallel_loop3A_271[%parallel_loop3A_279] in [0] : vector<16xf32>, vector<16xi32> -> vector<16xf32>
        %parallel_loop3A_281 = arith.addf %parallel_loop3A_271, %parallel_loop3A_280 : vector<16xf32>
        %parallel_loop3A_282 = arith.constant 2 : i32
        %parallel_loop3A_283 = vector.broadcast %parallel_loop3A_282 : i32 to vector<16xi32>
        %parallel_loop3A_284 = arith.addi %iota3A, %parallel_loop3A_283 : vector<16xi32>
        %parallel_loop3A_285 = arith.constant 15 : i32
        %parallel_loop3A_286 = vector.broadcast %parallel_loop3A_285 : i32 to vector<16xi32>
        %parallel_loop3A_287 = arith.andi %parallel_loop3A_284, %parallel_loop3A_286 : vector<16xi32>
        %parallel_loop3A_288 = vector.shape_cast %parallel_loop3A_287 : vector<16xi32> to vector<16x1xi32>
        %parallel_loop3A_289 = vector.shape_cast %parallel_loop3A_288 : vector<16x1xi32> to vector<16xi32>
        %parallel_loop3A_290 = tpu.dynamic_gather %parallel_loop3A_281[%parallel_loop3A_289] in [0] : vector<16xf32>, vector<16xi32> -> vector<16xf32>
        %parallel_loop3A_291 = arith.addf %parallel_loop3A_281, %parallel_loop3A_290 : vector<16xf32>
        %parallel_loop3A_292 = arith.constant 1 : i32
        %parallel_loop3A_293 = vector.broadcast %parallel_loop3A_292 : i32 to vector<16xi32>
        %parallel_loop3A_294 = arith.addi %iota3A, %parallel_loop3A_293 : vector<16xi32>
        %parallel_loop3A_295 = arith.constant 15 : i32
        %parallel_loop3A_296 = vector.broadcast %parallel_loop3A_295 : i32 to vector<16xi32>
        %parallel_loop3A_297 = arith.andi %parallel_loop3A_294, %parallel_loop3A_296 : vector<16xi32>
        %parallel_loop3A_298 = vector.shape_cast %parallel_loop3A_297 : vector<16xi32> to vector<16x1xi32>
        %parallel_loop3A_299 = vector.shape_cast %parallel_loop3A_298 : vector<16x1xi32> to vector<16xi32>
        %parallel_loop3A_300 = tpu.dynamic_gather %parallel_loop3A_291[%parallel_loop3A_299] in [0] : vector<16xf32>, vector<16xi32> -> vector<16xf32>
        %parallel_loop3A_301 = arith.addf %parallel_loop3A_291, %parallel_loop3A_300 : vector<16xf32>
        %parallel_loop3A_302 = arith.constant 2.500000e-01 : f32
        %parallel_loop3A_303 = vector.broadcast %parallel_loop3A_302 : f32 to vector<16xf32>
        %parallel_loop3A_304 = arith.mulf %parallel_loop3A_301, %parallel_loop3A_303 : vector<16xf32>
        %parallel_loop3A_305 = math.exp %parallel_loop3A_304 : vector<16xf32>
        %parallel_loop3A_306 = arith.mulf %parallel_loop3A_305, %parallel_loop3A_260 : vector<16xf32>
        %parallel_loop3A_307 = arith.index_cast %parallel_loop3A_36 : i32 to index
        %parallel_loop3A_308 = arith.constant 48 : index
        %parallel_loop3A_309 = tpu.vector_load %arg12[%parallel_loop3A_307, %parallel_loop3A_308] {strides = array<i32>} : memref<40x144xf32, #tpu.memory_space<vmem>>, vector<1x16xf32>,
        %parallel_loop3A_310 = vector.shape_cast %parallel_loop3A_309 : vector<1x16xf32> to vector<16xf32>
        %parallel_loop3A_311 = vector.shape_cast %parallel_loop3A_306 : vector<16xf32> to vector<1x16xf32>
        tpu.vector_store %arg12[%parallel_loop3A_307, %parallel_loop3A_308], %parallel_loop3A_311 {strides = array<i32>} : memref<40x144xf32, #tpu.memory_space<vmem>>, vector<1x16xf32>,
        %parallel_loop3A_312 = arith.constant 3 : i32
        %parallel_loop3A_313 = vector.broadcast %parallel_loop3A_312 : i32 to vector<16xi32>
        %parallel_loop3A_314 = arith.cmpi eq, %iota3A, %parallel_loop3A_313 : vector<16xi32>
        %parallel_loop3A_315 = arith.constant 0.000000e+00 : f32
        %parallel_loop3A_316 = vector.broadcast %parallel_loop3A_315 : f32 to vector<16xf32>
        %parallel_loop3A_317 = arith.select %parallel_loop3A_314, %parallel_loop3A_305, %parallel_loop3A_316 : vector<16xi1>, vector<16xf32>
        %parallel_loop3A_318 = arith.addf %parallel_loop3A_248, %parallel_loop3A_317 : vector<16xf32>
        %parallel_loop3A_319 = arith.index_cast %parallel_loop3A_36 : i32 to index
        %parallel_loop3A_320 = arith.constant 64 : index
        %parallel_loop3A_321 = tpu.vector_load %arg10[%parallel_loop3A_319, %parallel_loop3A_320] {strides = array<i32>} : memref<40x128xf32, #tpu.memory_space<vmem>>, vector<1x16xf32>,
        %parallel_loop3A_322 = vector.shape_cast %parallel_loop3A_321 : vector<1x16xf32> to vector<16xf32>
        %parallel_loop3A_323 = arith.index_cast %parallel_loop3A_36 : i32 to index
        %parallel_loop3A_324 = arith.constant 64 : index
        %parallel_loop3A_325 = tpu.vector_load %arg11[%parallel_loop3A_323, %parallel_loop3A_324] {strides = array<i32>} : memref<40x256xf32, #tpu.memory_space<vmem>>, vector<1x16xf32>,
        %parallel_loop3A_326 = vector.shape_cast %parallel_loop3A_325 : vector<1x16xf32> to vector<16xf32>
        %parallel_loop3A_327 = arith.index_cast %parallel_loop3A_36 : i32 to index
        %parallel_loop3A_328 = arith.constant 192 : index
        %parallel_loop3A_329 = tpu.vector_load %arg11[%parallel_loop3A_327, %parallel_loop3A_328] {strides = array<i32>} : memref<40x256xf32, #tpu.memory_space<vmem>>, vector<1x16xf32>,
        %parallel_loop3A_330 = vector.shape_cast %parallel_loop3A_329 : vector<1x16xf32> to vector<16xf32>
        %parallel_loop3A_331 = arith.mulf %parallel_loop3A_322, %parallel_loop3A_326 : vector<16xf32>
        %parallel_loop3A_332 = arith.constant 8 : i32
        %parallel_loop3A_333 = vector.broadcast %parallel_loop3A_332 : i32 to vector<16xi32>
        %parallel_loop3A_334 = arith.addi %iota3A, %parallel_loop3A_333 : vector<16xi32>
        %parallel_loop3A_335 = arith.constant 15 : i32
        %parallel_loop3A_336 = vector.broadcast %parallel_loop3A_335 : i32 to vector<16xi32>
        %parallel_loop3A_337 = arith.andi %parallel_loop3A_334, %parallel_loop3A_336 : vector<16xi32>
        %parallel_loop3A_338 = vector.shape_cast %parallel_loop3A_337 : vector<16xi32> to vector<16x1xi32>
        %parallel_loop3A_339 = vector.shape_cast %parallel_loop3A_338 : vector<16x1xi32> to vector<16xi32>
        %parallel_loop3A_340 = tpu.dynamic_gather %parallel_loop3A_331[%parallel_loop3A_339] in [0] : vector<16xf32>, vector<16xi32> -> vector<16xf32>
        %parallel_loop3A_341 = arith.addf %parallel_loop3A_331, %parallel_loop3A_340 : vector<16xf32>
        %parallel_loop3A_342 = arith.constant 4 : i32
        %parallel_loop3A_343 = vector.broadcast %parallel_loop3A_342 : i32 to vector<16xi32>
        %parallel_loop3A_344 = arith.addi %iota3A, %parallel_loop3A_343 : vector<16xi32>
        %parallel_loop3A_345 = arith.constant 15 : i32
        %parallel_loop3A_346 = vector.broadcast %parallel_loop3A_345 : i32 to vector<16xi32>
        %parallel_loop3A_347 = arith.andi %parallel_loop3A_344, %parallel_loop3A_346 : vector<16xi32>
        %parallel_loop3A_348 = vector.shape_cast %parallel_loop3A_347 : vector<16xi32> to vector<16x1xi32>
        %parallel_loop3A_349 = vector.shape_cast %parallel_loop3A_348 : vector<16x1xi32> to vector<16xi32>
        %parallel_loop3A_350 = tpu.dynamic_gather %parallel_loop3A_341[%parallel_loop3A_349] in [0] : vector<16xf32>, vector<16xi32> -> vector<16xf32>
        %parallel_loop3A_351 = arith.addf %parallel_loop3A_341, %parallel_loop3A_350 : vector<16xf32>
        %parallel_loop3A_352 = arith.constant 2 : i32
        %parallel_loop3A_353 = vector.broadcast %parallel_loop3A_352 : i32 to vector<16xi32>
        %parallel_loop3A_354 = arith.addi %iota3A, %parallel_loop3A_353 : vector<16xi32>
        %parallel_loop3A_355 = arith.constant 15 : i32
        %parallel_loop3A_356 = vector.broadcast %parallel_loop3A_355 : i32 to vector<16xi32>
        %parallel_loop3A_357 = arith.andi %parallel_loop3A_354, %parallel_loop3A_356 : vector<16xi32>
        %parallel_loop3A_358 = vector.shape_cast %parallel_loop3A_357 : vector<16xi32> to vector<16x1xi32>
        %parallel_loop3A_359 = vector.shape_cast %parallel_loop3A_358 : vector<16x1xi32> to vector<16xi32>
        %parallel_loop3A_360 = tpu.dynamic_gather %parallel_loop3A_351[%parallel_loop3A_359] in [0] : vector<16xf32>, vector<16xi32> -> vector<16xf32>
        %parallel_loop3A_361 = arith.addf %parallel_loop3A_351, %parallel_loop3A_360 : vector<16xf32>
        %parallel_loop3A_362 = arith.constant 1 : i32
        %parallel_loop3A_363 = vector.broadcast %parallel_loop3A_362 : i32 to vector<16xi32>
        %parallel_loop3A_364 = arith.addi %iota3A, %parallel_loop3A_363 : vector<16xi32>
        %parallel_loop3A_365 = arith.constant 15 : i32
        %parallel_loop3A_366 = vector.broadcast %parallel_loop3A_365 : i32 to vector<16xi32>
        %parallel_loop3A_367 = arith.andi %parallel_loop3A_364, %parallel_loop3A_366 : vector<16xi32>
        %parallel_loop3A_368 = vector.shape_cast %parallel_loop3A_367 : vector<16xi32> to vector<16x1xi32>
        %parallel_loop3A_369 = vector.shape_cast %parallel_loop3A_368 : vector<16x1xi32> to vector<16xi32>
        %parallel_loop3A_370 = tpu.dynamic_gather %parallel_loop3A_361[%parallel_loop3A_369] in [0] : vector<16xf32>, vector<16xi32> -> vector<16xf32>
        %parallel_loop3A_371 = arith.addf %parallel_loop3A_361, %parallel_loop3A_370 : vector<16xf32>
        %parallel_loop3A_372 = arith.constant 2.500000e-01 : f32
        %parallel_loop3A_373 = vector.broadcast %parallel_loop3A_372 : f32 to vector<16xf32>
        %parallel_loop3A_374 = arith.mulf %parallel_loop3A_371, %parallel_loop3A_373 : vector<16xf32>
        %parallel_loop3A_375 = math.exp %parallel_loop3A_374 : vector<16xf32>
        %parallel_loop3A_376 = arith.mulf %parallel_loop3A_375, %parallel_loop3A_330 : vector<16xf32>
        %parallel_loop3A_377 = arith.index_cast %parallel_loop3A_36 : i32 to index
        %parallel_loop3A_378 = arith.constant 64 : index
        %parallel_loop3A_379 = tpu.vector_load %arg12[%parallel_loop3A_377, %parallel_loop3A_378] {strides = array<i32>} : memref<40x144xf32, #tpu.memory_space<vmem>>, vector<1x16xf32>,
        %parallel_loop3A_380 = vector.shape_cast %parallel_loop3A_379 : vector<1x16xf32> to vector<16xf32>
        %parallel_loop3A_381 = vector.shape_cast %parallel_loop3A_376 : vector<16xf32> to vector<1x16xf32>
        tpu.vector_store %arg12[%parallel_loop3A_377, %parallel_loop3A_378], %parallel_loop3A_381 {strides = array<i32>} : memref<40x144xf32, #tpu.memory_space<vmem>>, vector<1x16xf32>,
        %parallel_loop3A_382 = arith.constant 4 : i32
        %parallel_loop3A_383 = vector.broadcast %parallel_loop3A_382 : i32 to vector<16xi32>
        %parallel_loop3A_384 = arith.cmpi eq, %iota3A, %parallel_loop3A_383 : vector<16xi32>
        %parallel_loop3A_385 = arith.constant 0.000000e+00 : f32
        %parallel_loop3A_386 = vector.broadcast %parallel_loop3A_385 : f32 to vector<16xf32>
        %parallel_loop3A_387 = arith.select %parallel_loop3A_384, %parallel_loop3A_375, %parallel_loop3A_386 : vector<16xi1>, vector<16xf32>
        %parallel_loop3A_388 = arith.addf %parallel_loop3A_318, %parallel_loop3A_387 : vector<16xf32>
        %parallel_loop3A_389 = arith.index_cast %parallel_loop3A_36 : i32 to index
        %parallel_loop3A_390 = arith.constant 80 : index
        %parallel_loop3A_391 = tpu.vector_load %arg10[%parallel_loop3A_389, %parallel_loop3A_390] {strides = array<i32>} : memref<40x128xf32, #tpu.memory_space<vmem>>, vector<1x16xf32>,
        %parallel_loop3A_392 = vector.shape_cast %parallel_loop3A_391 : vector<1x16xf32> to vector<16xf32>
        %parallel_loop3A_393 = arith.index_cast %parallel_loop3A_36 : i32 to index
        %parallel_loop3A_394 = arith.constant 80 : index
        %parallel_loop3A_395 = tpu.vector_load %arg11[%parallel_loop3A_393, %parallel_loop3A_394] {strides = array<i32>} : memref<40x256xf32, #tpu.memory_space<vmem>>, vector<1x16xf32>,
        %parallel_loop3A_396 = vector.shape_cast %parallel_loop3A_395 : vector<1x16xf32> to vector<16xf32>
        %parallel_loop3A_397 = arith.index_cast %parallel_loop3A_36 : i32 to index
        %parallel_loop3A_398 = arith.constant 208 : index
        %parallel_loop3A_399 = tpu.vector_load %arg11[%parallel_loop3A_397, %parallel_loop3A_398] {strides = array<i32>} : memref<40x256xf32, #tpu.memory_space<vmem>>, vector<1x16xf32>,
        %parallel_loop3A_400 = vector.shape_cast %parallel_loop3A_399 : vector<1x16xf32> to vector<16xf32>
        %parallel_loop3A_401 = arith.mulf %parallel_loop3A_392, %parallel_loop3A_396 : vector<16xf32>
        %parallel_loop3A_402 = arith.constant 8 : i32
        %parallel_loop3A_403 = vector.broadcast %parallel_loop3A_402 : i32 to vector<16xi32>
        %parallel_loop3A_404 = arith.addi %iota3A, %parallel_loop3A_403 : vector<16xi32>
        %parallel_loop3A_405 = arith.constant 15 : i32
        %parallel_loop3A_406 = vector.broadcast %parallel_loop3A_405 : i32 to vector<16xi32>
        %parallel_loop3A_407 = arith.andi %parallel_loop3A_404, %parallel_loop3A_406 : vector<16xi32>
        %parallel_loop3A_408 = vector.shape_cast %parallel_loop3A_407 : vector<16xi32> to vector<16x1xi32>
        %parallel_loop3A_409 = vector.shape_cast %parallel_loop3A_408 : vector<16x1xi32> to vector<16xi32>
        %parallel_loop3A_410 = tpu.dynamic_gather %parallel_loop3A_401[%parallel_loop3A_409] in [0] : vector<16xf32>, vector<16xi32> -> vector<16xf32>
        %parallel_loop3A_411 = arith.addf %parallel_loop3A_401, %parallel_loop3A_410 : vector<16xf32>
        %parallel_loop3A_412 = arith.constant 4 : i32
        %parallel_loop3A_413 = vector.broadcast %parallel_loop3A_412 : i32 to vector<16xi32>
        %parallel_loop3A_414 = arith.addi %iota3A, %parallel_loop3A_413 : vector<16xi32>
        %parallel_loop3A_415 = arith.constant 15 : i32
        %parallel_loop3A_416 = vector.broadcast %parallel_loop3A_415 : i32 to vector<16xi32>
        %parallel_loop3A_417 = arith.andi %parallel_loop3A_414, %parallel_loop3A_416 : vector<16xi32>
        %parallel_loop3A_418 = vector.shape_cast %parallel_loop3A_417 : vector<16xi32> to vector<16x1xi32>
        %parallel_loop3A_419 = vector.shape_cast %parallel_loop3A_418 : vector<16x1xi32> to vector<16xi32>
        %parallel_loop3A_420 = tpu.dynamic_gather %parallel_loop3A_411[%parallel_loop3A_419] in [0] : vector<16xf32>, vector<16xi32> -> vector<16xf32>
        %parallel_loop3A_421 = arith.addf %parallel_loop3A_411, %parallel_loop3A_420 : vector<16xf32>
        %parallel_loop3A_422 = arith.constant 2 : i32
        %parallel_loop3A_423 = vector.broadcast %parallel_loop3A_422 : i32 to vector<16xi32>
        %parallel_loop3A_424 = arith.addi %iota3A, %parallel_loop3A_423 : vector<16xi32>
        %parallel_loop3A_425 = arith.constant 15 : i32
        %parallel_loop3A_426 = vector.broadcast %parallel_loop3A_425 : i32 to vector<16xi32>
        %parallel_loop3A_427 = arith.andi %parallel_loop3A_424, %parallel_loop3A_426 : vector<16xi32>
        %parallel_loop3A_428 = vector.shape_cast %parallel_loop3A_427 : vector<16xi32> to vector<16x1xi32>
        %parallel_loop3A_429 = vector.shape_cast %parallel_loop3A_428 : vector<16x1xi32> to vector<16xi32>
        %parallel_loop3A_430 = tpu.dynamic_gather %parallel_loop3A_421[%parallel_loop3A_429] in [0] : vector<16xf32>, vector<16xi32> -> vector<16xf32>
        %parallel_loop3A_431 = arith.addf %parallel_loop3A_421, %parallel_loop3A_430 : vector<16xf32>
        %parallel_loop3A_432 = arith.constant 1 : i32
        %parallel_loop3A_433 = vector.broadcast %parallel_loop3A_432 : i32 to vector<16xi32>
        %parallel_loop3A_434 = arith.addi %iota3A, %parallel_loop3A_433 : vector<16xi32>
        %parallel_loop3A_435 = arith.constant 15 : i32
        %parallel_loop3A_436 = vector.broadcast %parallel_loop3A_435 : i32 to vector<16xi32>
        %parallel_loop3A_437 = arith.andi %parallel_loop3A_434, %parallel_loop3A_436 : vector<16xi32>
        %parallel_loop3A_438 = vector.shape_cast %parallel_loop3A_437 : vector<16xi32> to vector<16x1xi32>
        %parallel_loop3A_439 = vector.shape_cast %parallel_loop3A_438 : vector<16x1xi32> to vector<16xi32>
        %parallel_loop3A_440 = tpu.dynamic_gather %parallel_loop3A_431[%parallel_loop3A_439] in [0] : vector<16xf32>, vector<16xi32> -> vector<16xf32>
        %parallel_loop3A_441 = arith.addf %parallel_loop3A_431, %parallel_loop3A_440 : vector<16xf32>
        %parallel_loop3A_442 = arith.constant 2.500000e-01 : f32
        %parallel_loop3A_443 = vector.broadcast %parallel_loop3A_442 : f32 to vector<16xf32>
        %parallel_loop3A_444 = arith.mulf %parallel_loop3A_441, %parallel_loop3A_443 : vector<16xf32>
        %parallel_loop3A_445 = math.exp %parallel_loop3A_444 : vector<16xf32>
        %parallel_loop3A_446 = arith.mulf %parallel_loop3A_445, %parallel_loop3A_400 : vector<16xf32>
        %parallel_loop3A_447 = arith.index_cast %parallel_loop3A_36 : i32 to index
        %parallel_loop3A_448 = arith.constant 80 : index
        %parallel_loop3A_449 = tpu.vector_load %arg12[%parallel_loop3A_447, %parallel_loop3A_448] {strides = array<i32>} : memref<40x144xf32, #tpu.memory_space<vmem>>, vector<1x16xf32>,
        %parallel_loop3A_450 = vector.shape_cast %parallel_loop3A_449 : vector<1x16xf32> to vector<16xf32>
        %parallel_loop3A_451 = vector.shape_cast %parallel_loop3A_446 : vector<16xf32> to vector<1x16xf32>
        tpu.vector_store %arg12[%parallel_loop3A_447, %parallel_loop3A_448], %parallel_loop3A_451 {strides = array<i32>} : memref<40x144xf32, #tpu.memory_space<vmem>>, vector<1x16xf32>,
        %parallel_loop3A_452 = arith.constant 5 : i32
        %parallel_loop3A_453 = vector.broadcast %parallel_loop3A_452 : i32 to vector<16xi32>
        %parallel_loop3A_454 = arith.cmpi eq, %iota3A, %parallel_loop3A_453 : vector<16xi32>
        %parallel_loop3A_455 = arith.constant 0.000000e+00 : f32
        %parallel_loop3A_456 = vector.broadcast %parallel_loop3A_455 : f32 to vector<16xf32>
        %parallel_loop3A_457 = arith.select %parallel_loop3A_454, %parallel_loop3A_445, %parallel_loop3A_456 : vector<16xi1>, vector<16xf32>
        %parallel_loop3A_458 = arith.addf %parallel_loop3A_388, %parallel_loop3A_457 : vector<16xf32>
        %parallel_loop3A_459 = arith.index_cast %parallel_loop3A_36 : i32 to index
        %parallel_loop3A_460 = arith.constant 96 : index
        %parallel_loop3A_461 = tpu.vector_load %arg10[%parallel_loop3A_459, %parallel_loop3A_460] {strides = array<i32>} : memref<40x128xf32, #tpu.memory_space<vmem>>, vector<1x16xf32>,
        %parallel_loop3A_462 = vector.shape_cast %parallel_loop3A_461 : vector<1x16xf32> to vector<16xf32>
        %parallel_loop3A_463 = arith.index_cast %parallel_loop3A_36 : i32 to index
        %parallel_loop3A_464 = arith.constant 96 : index
        %parallel_loop3A_465 = tpu.vector_load %arg11[%parallel_loop3A_463, %parallel_loop3A_464] {strides = array<i32>} : memref<40x256xf32, #tpu.memory_space<vmem>>, vector<1x16xf32>,
        %parallel_loop3A_466 = vector.shape_cast %parallel_loop3A_465 : vector<1x16xf32> to vector<16xf32>
        %parallel_loop3A_467 = arith.index_cast %parallel_loop3A_36 : i32 to index
        %parallel_loop3A_468 = arith.constant 224 : index
        %parallel_loop3A_469 = tpu.vector_load %arg11[%parallel_loop3A_467, %parallel_loop3A_468] {strides = array<i32>} : memref<40x256xf32, #tpu.memory_space<vmem>>, vector<1x16xf32>,
        %parallel_loop3A_470 = vector.shape_cast %parallel_loop3A_469 : vector<1x16xf32> to vector<16xf32>
        %parallel_loop3A_471 = arith.mulf %parallel_loop3A_462, %parallel_loop3A_466 : vector<16xf32>
        %parallel_loop3A_472 = arith.constant 8 : i32
        %parallel_loop3A_473 = vector.broadcast %parallel_loop3A_472 : i32 to vector<16xi32>
        %parallel_loop3A_474 = arith.addi %iota3A, %parallel_loop3A_473 : vector<16xi32>
        %parallel_loop3A_475 = arith.constant 15 : i32
        %parallel_loop3A_476 = vector.broadcast %parallel_loop3A_475 : i32 to vector<16xi32>
        %parallel_loop3A_477 = arith.andi %parallel_loop3A_474, %parallel_loop3A_476 : vector<16xi32>
        %parallel_loop3A_478 = vector.shape_cast %parallel_loop3A_477 : vector<16xi32> to vector<16x1xi32>
        %parallel_loop3A_479 = vector.shape_cast %parallel_loop3A_478 : vector<16x1xi32> to vector<16xi32>
        %parallel_loop3A_480 = tpu.dynamic_gather %parallel_loop3A_471[%parallel_loop3A_479] in [0] : vector<16xf32>, vector<16xi32> -> vector<16xf32>
        %parallel_loop3A_481 = arith.addf %parallel_loop3A_471, %parallel_loop3A_480 : vector<16xf32>
        %parallel_loop3A_482 = arith.constant 4 : i32
        %parallel_loop3A_483 = vector.broadcast %parallel_loop3A_482 : i32 to vector<16xi32>
        %parallel_loop3A_484 = arith.addi %iota3A, %parallel_loop3A_483 : vector<16xi32>
        %parallel_loop3A_485 = arith.constant 15 : i32
        %parallel_loop3A_486 = vector.broadcast %parallel_loop3A_485 : i32 to vector<16xi32>
        %parallel_loop3A_487 = arith.andi %parallel_loop3A_484, %parallel_loop3A_486 : vector<16xi32>
        %parallel_loop3A_488 = vector.shape_cast %parallel_loop3A_487 : vector<16xi32> to vector<16x1xi32>
        %parallel_loop3A_489 = vector.shape_cast %parallel_loop3A_488 : vector<16x1xi32> to vector<16xi32>
        %parallel_loop3A_490 = tpu.dynamic_gather %parallel_loop3A_481[%parallel_loop3A_489] in [0] : vector<16xf32>, vector<16xi32> -> vector<16xf32>
        %parallel_loop3A_491 = arith.addf %parallel_loop3A_481, %parallel_loop3A_490 : vector<16xf32>
        %parallel_loop3A_492 = arith.constant 2 : i32
        %parallel_loop3A_493 = vector.broadcast %parallel_loop3A_492 : i32 to vector<16xi32>
        %parallel_loop3A_494 = arith.addi %iota3A, %parallel_loop3A_493 : vector<16xi32>
        %parallel_loop3A_495 = arith.constant 15 : i32
        %parallel_loop3A_496 = vector.broadcast %parallel_loop3A_495 : i32 to vector<16xi32>
        %parallel_loop3A_497 = arith.andi %parallel_loop3A_494, %parallel_loop3A_496 : vector<16xi32>
        %parallel_loop3A_498 = vector.shape_cast %parallel_loop3A_497 : vector<16xi32> to vector<16x1xi32>
        %parallel_loop3A_499 = vector.shape_cast %parallel_loop3A_498 : vector<16x1xi32> to vector<16xi32>
        %parallel_loop3A_500 = tpu.dynamic_gather %parallel_loop3A_491[%parallel_loop3A_499] in [0] : vector<16xf32>, vector<16xi32> -> vector<16xf32>
        %parallel_loop3A_501 = arith.addf %parallel_loop3A_491, %parallel_loop3A_500 : vector<16xf32>
        %parallel_loop3A_502 = arith.constant 1 : i32
        %parallel_loop3A_503 = vector.broadcast %parallel_loop3A_502 : i32 to vector<16xi32>
        %parallel_loop3A_504 = arith.addi %iota3A, %parallel_loop3A_503 : vector<16xi32>
        %parallel_loop3A_505 = arith.constant 15 : i32
        %parallel_loop3A_506 = vector.broadcast %parallel_loop3A_505 : i32 to vector<16xi32>
        %parallel_loop3A_507 = arith.andi %parallel_loop3A_504, %parallel_loop3A_506 : vector<16xi32>
        %parallel_loop3A_508 = vector.shape_cast %parallel_loop3A_507 : vector<16xi32> to vector<16x1xi32>
        %parallel_loop3A_509 = vector.shape_cast %parallel_loop3A_508 : vector<16x1xi32> to vector<16xi32>
        %parallel_loop3A_510 = tpu.dynamic_gather %parallel_loop3A_501[%parallel_loop3A_509] in [0] : vector<16xf32>, vector<16xi32> -> vector<16xf32>
        %parallel_loop3A_511 = arith.addf %parallel_loop3A_501, %parallel_loop3A_510 : vector<16xf32>
        %parallel_loop3A_512 = arith.constant 2.500000e-01 : f32
        %parallel_loop3A_513 = vector.broadcast %parallel_loop3A_512 : f32 to vector<16xf32>
        %parallel_loop3A_514 = arith.mulf %parallel_loop3A_511, %parallel_loop3A_513 : vector<16xf32>
        %parallel_loop3A_515 = math.exp %parallel_loop3A_514 : vector<16xf32>
        %parallel_loop3A_516 = arith.mulf %parallel_loop3A_515, %parallel_loop3A_470 : vector<16xf32>
        %parallel_loop3A_517 = arith.index_cast %parallel_loop3A_36 : i32 to index
        %parallel_loop3A_518 = arith.constant 96 : index
        %parallel_loop3A_519 = tpu.vector_load %arg12[%parallel_loop3A_517, %parallel_loop3A_518] {strides = array<i32>} : memref<40x144xf32, #tpu.memory_space<vmem>>, vector<1x16xf32>,
        %parallel_loop3A_520 = vector.shape_cast %parallel_loop3A_519 : vector<1x16xf32> to vector<16xf32>
        %parallel_loop3A_521 = vector.shape_cast %parallel_loop3A_516 : vector<16xf32> to vector<1x16xf32>
        tpu.vector_store %arg12[%parallel_loop3A_517, %parallel_loop3A_518], %parallel_loop3A_521 {strides = array<i32>} : memref<40x144xf32, #tpu.memory_space<vmem>>, vector<1x16xf32>,
        %parallel_loop3A_522 = arith.constant 6 : i32
        %parallel_loop3A_523 = vector.broadcast %parallel_loop3A_522 : i32 to vector<16xi32>
        %parallel_loop3A_524 = arith.cmpi eq, %iota3A, %parallel_loop3A_523 : vector<16xi32>
        %parallel_loop3A_525 = arith.constant 0.000000e+00 : f32
        %parallel_loop3A_526 = vector.broadcast %parallel_loop3A_525 : f32 to vector<16xf32>
        %parallel_loop3A_527 = arith.select %parallel_loop3A_524, %parallel_loop3A_515, %parallel_loop3A_526 : vector<16xi1>, vector<16xf32>
        %parallel_loop3A_528 = arith.addf %parallel_loop3A_458, %parallel_loop3A_527 : vector<16xf32>
        %parallel_loop3A_529 = arith.index_cast %parallel_loop3A_36 : i32 to index
        %parallel_loop3A_530 = arith.constant 112 : index
        %parallel_loop3A_531 = tpu.vector_load %arg10[%parallel_loop3A_529, %parallel_loop3A_530] {strides = array<i32>} : memref<40x128xf32, #tpu.memory_space<vmem>>, vector<1x16xf32>,
        %parallel_loop3A_532 = vector.shape_cast %parallel_loop3A_531 : vector<1x16xf32> to vector<16xf32>
        %parallel_loop3A_533 = arith.index_cast %parallel_loop3A_36 : i32 to index
        %parallel_loop3A_534 = arith.constant 112 : index
        %parallel_loop3A_535 = tpu.vector_load %arg11[%parallel_loop3A_533, %parallel_loop3A_534] {strides = array<i32>} : memref<40x256xf32, #tpu.memory_space<vmem>>, vector<1x16xf32>,
        %parallel_loop3A_536 = vector.shape_cast %parallel_loop3A_535 : vector<1x16xf32> to vector<16xf32>
        %parallel_loop3A_537 = arith.index_cast %parallel_loop3A_36 : i32 to index
        %parallel_loop3A_538 = arith.constant 240 : index
        %parallel_loop3A_539 = tpu.vector_load %arg11[%parallel_loop3A_537, %parallel_loop3A_538] {strides = array<i32>} : memref<40x256xf32, #tpu.memory_space<vmem>>, vector<1x16xf32>,
        %parallel_loop3A_540 = vector.shape_cast %parallel_loop3A_539 : vector<1x16xf32> to vector<16xf32>
        %parallel_loop3A_541 = arith.mulf %parallel_loop3A_532, %parallel_loop3A_536 : vector<16xf32>
        %parallel_loop3A_542 = arith.constant 8 : i32
        %parallel_loop3A_543 = vector.broadcast %parallel_loop3A_542 : i32 to vector<16xi32>
        %parallel_loop3A_544 = arith.addi %iota3A, %parallel_loop3A_543 : vector<16xi32>
        %parallel_loop3A_545 = arith.constant 15 : i32
        %parallel_loop3A_546 = vector.broadcast %parallel_loop3A_545 : i32 to vector<16xi32>
        %parallel_loop3A_547 = arith.andi %parallel_loop3A_544, %parallel_loop3A_546 : vector<16xi32>
        %parallel_loop3A_548 = vector.shape_cast %parallel_loop3A_547 : vector<16xi32> to vector<16x1xi32>
        %parallel_loop3A_549 = vector.shape_cast %parallel_loop3A_548 : vector<16x1xi32> to vector<16xi32>
        %parallel_loop3A_550 = tpu.dynamic_gather %parallel_loop3A_541[%parallel_loop3A_549] in [0] : vector<16xf32>, vector<16xi32> -> vector<16xf32>
        %parallel_loop3A_551 = arith.addf %parallel_loop3A_541, %parallel_loop3A_550 : vector<16xf32>
        %parallel_loop3A_552 = arith.constant 4 : i32
        %parallel_loop3A_553 = vector.broadcast %parallel_loop3A_552 : i32 to vector<16xi32>
        %parallel_loop3A_554 = arith.addi %iota3A, %parallel_loop3A_553 : vector<16xi32>
        %parallel_loop3A_555 = arith.constant 15 : i32
        %parallel_loop3A_556 = vector.broadcast %parallel_loop3A_555 : i32 to vector<16xi32>
        %parallel_loop3A_557 = arith.andi %parallel_loop3A_554, %parallel_loop3A_556 : vector<16xi32>
        %parallel_loop3A_558 = vector.shape_cast %parallel_loop3A_557 : vector<16xi32> to vector<16x1xi32>
        %parallel_loop3A_559 = vector.shape_cast %parallel_loop3A_558 : vector<16x1xi32> to vector<16xi32>
        %parallel_loop3A_560 = tpu.dynamic_gather %parallel_loop3A_551[%parallel_loop3A_559] in [0] : vector<16xf32>, vector<16xi32> -> vector<16xf32>
        %parallel_loop3A_561 = arith.addf %parallel_loop3A_551, %parallel_loop3A_560 : vector<16xf32>
        %parallel_loop3A_562 = arith.constant 2 : i32
        %parallel_loop3A_563 = vector.broadcast %parallel_loop3A_562 : i32 to vector<16xi32>
        %parallel_loop3A_564 = arith.addi %iota3A, %parallel_loop3A_563 : vector<16xi32>
        %parallel_loop3A_565 = arith.constant 15 : i32
        %parallel_loop3A_566 = vector.broadcast %parallel_loop3A_565 : i32 to vector<16xi32>
        %parallel_loop3A_567 = arith.andi %parallel_loop3A_564, %parallel_loop3A_566 : vector<16xi32>
        %parallel_loop3A_568 = vector.shape_cast %parallel_loop3A_567 : vector<16xi32> to vector<16x1xi32>
        %parallel_loop3A_569 = vector.shape_cast %parallel_loop3A_568 : vector<16x1xi32> to vector<16xi32>
        %parallel_loop3A_570 = tpu.dynamic_gather %parallel_loop3A_561[%parallel_loop3A_569] in [0] : vector<16xf32>, vector<16xi32> -> vector<16xf32>
        %parallel_loop3A_571 = arith.addf %parallel_loop3A_561, %parallel_loop3A_570 : vector<16xf32>
        %parallel_loop3A_572 = arith.constant 1 : i32
        %parallel_loop3A_573 = vector.broadcast %parallel_loop3A_572 : i32 to vector<16xi32>
        %parallel_loop3A_574 = arith.addi %iota3A, %parallel_loop3A_573 : vector<16xi32>
        %parallel_loop3A_575 = arith.constant 15 : i32
        %parallel_loop3A_576 = vector.broadcast %parallel_loop3A_575 : i32 to vector<16xi32>
        %parallel_loop3A_577 = arith.andi %parallel_loop3A_574, %parallel_loop3A_576 : vector<16xi32>
        %parallel_loop3A_578 = vector.shape_cast %parallel_loop3A_577 : vector<16xi32> to vector<16x1xi32>
        %parallel_loop3A_579 = vector.shape_cast %parallel_loop3A_578 : vector<16x1xi32> to vector<16xi32>
        %parallel_loop3A_580 = tpu.dynamic_gather %parallel_loop3A_571[%parallel_loop3A_579] in [0] : vector<16xf32>, vector<16xi32> -> vector<16xf32>
        %parallel_loop3A_581 = arith.addf %parallel_loop3A_571, %parallel_loop3A_580 : vector<16xf32>
        %parallel_loop3A_582 = arith.constant 2.500000e-01 : f32
        %parallel_loop3A_583 = vector.broadcast %parallel_loop3A_582 : f32 to vector<16xf32>
        %parallel_loop3A_584 = arith.mulf %parallel_loop3A_581, %parallel_loop3A_583 : vector<16xf32>
        %parallel_loop3A_585 = math.exp %parallel_loop3A_584 : vector<16xf32>
        %parallel_loop3A_586 = arith.mulf %parallel_loop3A_585, %parallel_loop3A_540 : vector<16xf32>
        %parallel_loop3A_587 = arith.index_cast %parallel_loop3A_36 : i32 to index
        %parallel_loop3A_588 = arith.constant 112 : index
        %parallel_loop3A_589 = tpu.vector_load %arg12[%parallel_loop3A_587, %parallel_loop3A_588] {strides = array<i32>} : memref<40x144xf32, #tpu.memory_space<vmem>>, vector<1x16xf32>,
        %parallel_loop3A_590 = vector.shape_cast %parallel_loop3A_589 : vector<1x16xf32> to vector<16xf32>
        %parallel_loop3A_591 = vector.shape_cast %parallel_loop3A_586 : vector<16xf32> to vector<1x16xf32>
        tpu.vector_store %arg12[%parallel_loop3A_587, %parallel_loop3A_588], %parallel_loop3A_591 {strides = array<i32>} : memref<40x144xf32, #tpu.memory_space<vmem>>, vector<1x16xf32>,
        %parallel_loop3A_592 = arith.constant 7 : i32
        %parallel_loop3A_593 = vector.broadcast %parallel_loop3A_592 : i32 to vector<16xi32>
        %parallel_loop3A_594 = arith.cmpi eq, %iota3A, %parallel_loop3A_593 : vector<16xi32>
        %parallel_loop3A_595 = arith.constant 0.000000e+00 : f32
        %parallel_loop3A_596 = vector.broadcast %parallel_loop3A_595 : f32 to vector<16xf32>
        %parallel_loop3A_597 = arith.select %parallel_loop3A_594, %parallel_loop3A_585, %parallel_loop3A_596 : vector<16xi1>, vector<16xf32>
        %parallel_loop3A_598 = arith.addf %parallel_loop3A_528, %parallel_loop3A_597 : vector<16xf32>
        %parallel_loop3A_599 = arith.index_cast %parallel_loop3A_36 : i32 to index
        %parallel_loop3A_600 = arith.constant 128 : index
        %parallel_loop3A_601 = tpu.vector_load %arg12[%parallel_loop3A_599, %parallel_loop3A_600] {strides = array<i32>} : memref<40x144xf32, #tpu.memory_space<vmem>>, vector<1x16xf32>,
        %parallel_loop3A_602 = vector.shape_cast %parallel_loop3A_601 : vector<1x16xf32> to vector<16xf32>
        %parallel_loop3A_603 = vector.shape_cast %parallel_loop3A_598 : vector<16xf32> to vector<1x16xf32>
        tpu.vector_store %arg12[%parallel_loop3A_599, %parallel_loop3A_600], %parallel_loop3A_603 {strides = array<i32>} : memref<40x144xf32, #tpu.memory_space<vmem>>, vector<1x16xf32>,
      } {sc.loop_unroll_factor = 4 : i64, sc.parallel_access}
      "tpu.region"() ({
        %run_scoped3A = tpu.sem_alloc : memref<!tpu.dma_semaphore, #tpu.memory_space<semaphore_mem>>
        %dma_start3A_36 = arith.constant 0 : i32
        %dma_start3A_37 = arith.constant 0 : i32
        %dma_start3A_38 = tpu.memref_slice %arg13[%dma_start3A_36, %dma_start3A_37] : memref<10240x144xf32, #tpu.memory_space<vmem_shared>> -> memref<10240x144xf32, #tpu.memory_space<vmem_shared>>
        tpu.enqueue_indirect_dma source(%arg12 : memref<40x144xf32, #tpu.memory_space<vmem>>) target(%dma_start3A_38 : memref<10240x144xf32, #tpu.memory_space<vmem_shared>>) offsets(%arg9 : memref<40xi32, #tpu.memory_space<vmem>>) semaphore(%run_scoped3A : memref<!tpu.dma_semaphore, #tpu.memory_space<semaphore_mem>>) {add = true}
        %dma_wait3A_39 = arith.constant 0 : i32
        %dma_wait3A_40 = arith.constant 0 : i32
        %dma_wait3A_41 = tpu.memref_slice %arg13[%dma_wait3A_39, %dma_wait3A_40] : memref<10240x144xf32, #tpu.memory_space<vmem_shared>> -> memref<10240x144xf32, #tpu.memory_space<vmem_shared>>
        tpu.wait_indirect_dma semaphore(%run_scoped3A : memref<!tpu.dma_semaphore, #tpu.memory_space<semaphore_mem>>) src(%arg12 : memref<40x144xf32, #tpu.memory_space<vmem>>) dst(%dma_wait3A_41 : memref<10240x144xf32, #tpu.memory_space<vmem_shared>>)
        tpu.yield
      }) : () -> ()
    }
    %scan3A_11 = arith.constant 250 : i32
    %barrier3A_12 = arith.constant 0 : index
    tpu.barrier barrier_id(%barrier3A_12)
    %mul3A_13 = arith.constant 640 : i32
    %mul3A_14 = arith.muli %arg1, %mul3A_13 : i32
    %mul3A_15 = arith.constant 10240 : i32
    %mul3A_16 = arith.muli %arg0, %mul3A_15 : i32
    %mul3A_17 = arith.constant 640 : i32
    %mul3A_18 = arith.muli %arg1, %mul3A_17 : i32
    %add3A_19 = arith.addi %mul3A_16, %mul3A_18 : i32
    "tpu.region"() ({
      %run_scoped3A = tpu.sem_alloc : memref<!tpu.dma_semaphore, #tpu.memory_space<semaphore_mem>>
      %dma_start3A = arith.constant 0 : i32
      %dma_start3A_20 = tpu.memref_slice %arg7[%add3A_19, %dma_start3A] : memref<20480x144xf32, #tpu.memory_space<hbm>> -> memref<640x144xf32, #tpu.memory_space<hbm>>
      %dma_start3A_21 = arith.constant 0 : i32
      %dma_start3A_22 = tpu.memref_slice %arg13[%mul3A_14, %dma_start3A_21] : memref<10240x144xf32, #tpu.memory_space<vmem_shared>> -> memref<640x144xf32, #tpu.memory_space<vmem_shared>>
      tpu.enqueue_dma source(%dma_start3A_22 : memref<640x144xf32, #tpu.memory_space<vmem_shared>>) target(%dma_start3A_20 : memref<640x144xf32, #tpu.memory_space<hbm>>) target_semaphore(%run_scoped3A : memref<!tpu.dma_semaphore, #tpu.memory_space<semaphore_mem>>)
      %dma_wait3A = arith.constant 0 : i32
      %dma_wait3A_23 = tpu.memref_slice %arg7[%add3A_19, %dma_wait3A] : memref<20480x144xf32, #tpu.memory_space<hbm>> -> memref<640x144xf32, #tpu.memory_space<hbm>>
      %dma_wait3A_24 = arith.constant 0 : i32
      %dma_wait3A_25 = tpu.memref_slice %arg13[%mul3A_14, %dma_wait3A_24] : memref<10240x144xf32, #tpu.memory_space<vmem_shared>> -> memref<640x144xf32, #tpu.memory_space<vmem_shared>>
      tpu.wait_dma2 semaphore(%run_scoped3A : memref<!tpu.dma_semaphore, #tpu.memory_space<semaphore_mem>>) src(%dma_wait3A_25 : memref<640x144xf32, #tpu.memory_space<vmem_shared>>) dst(%dma_wait3A_23 : memref<640x144xf32, #tpu.memory_space<hbm>>)
      tpu.yield
    }) : () -> ()
    return
  }
}

module attributes {stable_mosaic.version = 14 : i64} {
  func.func @_qkv_body(%arg0: i32, %arg1: memref<1000x128xf32, #tpu.memory_space<vmem>>, %arg2: memref<1x128xf32, #tpu.memory_space<vmem>>, %arg3: memref<1x128xf32, #tpu.memory_space<vmem>>, %arg4: memref<128x128xf32, #tpu.memory_space<vmem>>, %arg5: memref<1x128xf32, #tpu.memory_space<vmem>>, %arg6: memref<128x128xf32, #tpu.memory_space<vmem>>, %arg7: memref<1x128xf32, #tpu.memory_space<vmem>>, %arg8: memref<128x128xf32, #tpu.memory_space<vmem>>, %arg9: memref<1x128xf32, #tpu.memory_space<vmem>>, %arg10: memref<1000x128xf32, #tpu.memory_space<vmem>>, %arg11: memref<1000x256xf32, #tpu.memory_space<vmem>>) attributes {dimension_semantics = [#tpu.dimension_semantics<arbitrary>], iteration_bounds = array<i64: 10>, scalar_prefetch = 0 : i64, scratch_operands = 0 : i64, tpu.core_type = #tpu.core_type<tc>, window_params = [{transform_indices = @transform_0, window_bounds = array<i64: 1000, 128>}, {pipeline_mode = #tpu.pipeline_mode<synchronous>, transform_indices = @transform_1, window_bounds = array<i64: 1, 128>}, {pipeline_mode = #tpu.pipeline_mode<synchronous>, transform_indices = @transform_2, window_bounds = array<i64: 1, 128>}, {pipeline_mode = #tpu.pipeline_mode<synchronous>, transform_indices = @transform_3, window_bounds = array<i64: 128, 128>}, {pipeline_mode = #tpu.pipeline_mode<synchronous>, transform_indices = @transform_4, window_bounds = array<i64: 1, 128>}, {pipeline_mode = #tpu.pipeline_mode<synchronous>, transform_indices = @transform_5, window_bounds = array<i64: 128, 128>}, {pipeline_mode = #tpu.pipeline_mode<synchronous>, transform_indices = @transform_6, window_bounds = array<i64: 1, 128>}, {pipeline_mode = #tpu.pipeline_mode<synchronous>, transform_indices = @transform_7, window_bounds = array<i64: 128, 128>}, {pipeline_mode = #tpu.pipeline_mode<synchronous>, transform_indices = @transform_8, window_bounds = array<i64: 1, 128>}, {transform_indices = @transform_9, window_bounds = array<i64: 1000, 128>}, {transform_indices = @transform_10, window_bounds = array<i64: 1000, 256>}]} {
    %get3A = arith.constant 0 : index
    %get3A_0 = arith.constant 0 : index
    %get3A_1 = vector.load %arg1[%get3A, %get3A_0] : memref<1000x128xf32, #tpu.memory_space<vmem>>, vector<1000x128xf32>
    %reduce_sum3A = arith.constant dense<0.000000e+00> : vector<1000xf32>
    %reduce_sum3A_2 = vector.multi_reduction <add>, %get3A_1, %reduce_sum3A [1] : vector<1000x128xf32> to vector<1000xf32>
    %broadcast_in_dim3A = vector.shape_cast %reduce_sum3A_2 : vector<1000xf32> to vector<1000x1xf32>
    %div3A = arith.constant 1.280000e+02 : f32
    %div3A_3 = vector.broadcast %div3A : f32 to vector<1000x1xf32>
    %div3A_4 = arith.divf %broadcast_in_dim3A, %div3A_3 : vector<1000x1xf32>
    %sub3A = vector.broadcast %div3A_4 : vector<1000x1xf32> to vector<1000x128xf32>
    %sub3A_5 = arith.subf %get3A_1, %sub3A : vector<1000x128xf32>
    %mul3A = arith.mulf %sub3A_5, %sub3A_5 : vector<1000x128xf32>
    %reduce_sum3A_6 = arith.constant dense<0.000000e+00> : vector<1000xf32>
    %reduce_sum3A_7 = vector.multi_reduction <add>, %mul3A, %reduce_sum3A_6 [1] : vector<1000x128xf32> to vector<1000xf32>
    %broadcast_in_dim3A_8 = vector.shape_cast %reduce_sum3A_7 : vector<1000xf32> to vector<1000x1xf32>
    %div3A_9 = arith.constant 1.280000e+02 : f32
    %div3A_10 = vector.broadcast %div3A_9 : f32 to vector<1000x1xf32>
    %div3A_11 = arith.divf %broadcast_in_dim3A_8, %div3A_10 : vector<1000x1xf32>
    %add3A = arith.constant 9.99999974E-6 : f32
    %add3A_12 = vector.broadcast %add3A : f32 to vector<1000x1xf32>
    %add3A_13 = arith.addf %div3A_11, %add3A_12 : vector<1000x1xf32>
    %rsqrt3A = math.rsqrt %add3A_13 : vector<1000x1xf32>
    %mul3A_14 = vector.broadcast %rsqrt3A : vector<1000x1xf32> to vector<1000x128xf32>
    %mul3A_15 = arith.mulf %sub3A_5, %mul3A_14 : vector<1000x128xf32>
    %get3A_16 = arith.constant 0 : index
    %get3A_17 = arith.constant 0 : index
    %get3A_18 = vector.load %arg2[%get3A_16, %get3A_17] : memref<1x128xf32, #tpu.memory_space<vmem>>, vector<1x128xf32>
    %mul3A_19 = vector.broadcast %get3A_18 : vector<1x128xf32> to vector<1000x128xf32>
    %mul3A_20 = arith.mulf %mul3A_15, %mul3A_19 : vector<1000x128xf32>
    %get3A_21 = arith.constant 0 : index
    %get3A_22 = arith.constant 0 : index
    %get3A_23 = vector.load %arg3[%get3A_21, %get3A_22] : memref<1x128xf32, #tpu.memory_space<vmem>>, vector<1x128xf32>
    %add3A_24 = vector.broadcast %get3A_23 : vector<1x128xf32> to vector<1000x128xf32>
    %add3A_25 = arith.addf %mul3A_20, %add3A_24 : vector<1000x128xf32>
    %get3A_26 = arith.constant 0 : index
    %get3A_27 = arith.constant 0 : index
    %get3A_28 = vector.load %arg4[%get3A_26, %get3A_27] : memref<128x128xf32, #tpu.memory_space<vmem>>, vector<128x128xf32>
    %dot_general3A = arith.constant dense<0.000000e+00> : vector<1000x128xf32>
    %dot_general3A_29 = tpu.matmul %add3A_25, %get3A_28, %dot_general3A {dimension_numbers = #tpu.dot_dimension_numbers<[1], [1], [0], [0], [0, 0, 1, 0], [], []>, transpose_lhs_hint = false} : vector<1000x128xf32>, vector<128x128xf32>, vector<1000x128xf32> -> vector<1000x128xf32>
    %get3A_30 = arith.constant 0 : index
    %get3A_31 = arith.constant 0 : index
    %get3A_32 = vector.load %arg5[%get3A_30, %get3A_31] : memref<1x128xf32, #tpu.memory_space<vmem>>, vector<1x128xf32>
    %add3A_33 = vector.broadcast %get3A_32 : vector<1x128xf32> to vector<1000x128xf32>
    %add3A_34 = arith.addf %dot_general3A_29, %add3A_33 : vector<1000x128xf32>
    %swap3A = arith.constant 0 : index
    %swap3A_35 = arith.constant 0 : index
    %swap3A_36 = vector.load %arg10[%swap3A, %swap3A_35] : memref<1000x128xf32, #tpu.memory_space<vmem>>, vector<1000x128xf32>
    tpu.vector_store %arg10[%swap3A, %swap3A_35], %add3A_34 {strides = array<i32>} : memref<1000x128xf32, #tpu.memory_space<vmem>>, vector<1000x128xf32>,
    %get3A_37 = arith.constant 0 : index
    %get3A_38 = arith.constant 0 : index
    %get3A_39 = vector.load %arg6[%get3A_37, %get3A_38] : memref<128x128xf32, #tpu.memory_space<vmem>>, vector<128x128xf32>
    %dot_general3A_40 = arith.constant dense<0.000000e+00> : vector<1000x128xf32>
    %dot_general3A_41 = tpu.matmul %add3A_25, %get3A_39, %dot_general3A_40 {dimension_numbers = #tpu.dot_dimension_numbers<[1], [1], [0], [0], [0, 0, 1, 0], [], []>, transpose_lhs_hint = false} : vector<1000x128xf32>, vector<128x128xf32>, vector<1000x128xf32> -> vector<1000x128xf32>
    %get3A_42 = arith.constant 0 : index
    %get3A_43 = arith.constant 0 : index
    %get3A_44 = vector.load %arg7[%get3A_42, %get3A_43] : memref<1x128xf32, #tpu.memory_space<vmem>>, vector<1x128xf32>
    %add3A_45 = vector.broadcast %get3A_44 : vector<1x128xf32> to vector<1000x128xf32>
    %add3A_46 = arith.addf %dot_general3A_41, %add3A_45 : vector<1000x128xf32>
    %swap3A_47 = arith.constant 0 : index
    %swap3A_48 = arith.constant 0 : index
    %swap3A_49 = vector.load %arg11[%swap3A_47, %swap3A_48] : memref<1000x256xf32, #tpu.memory_space<vmem>>, vector<1000x128xf32>
    tpu.vector_store %arg11[%swap3A_47, %swap3A_48], %add3A_46 {strides = array<i32>} : memref<1000x256xf32, #tpu.memory_space<vmem>>, vector<1000x128xf32>,
    %get3A_50 = arith.constant 0 : index
    %get3A_51 = arith.constant 0 : index
    %get3A_52 = vector.load %arg8[%get3A_50, %get3A_51] : memref<128x128xf32, #tpu.memory_space<vmem>>, vector<128x128xf32>
    %dot_general3A_53 = arith.constant dense<0.000000e+00> : vector<1000x128xf32>
    %dot_general3A_54 = tpu.matmul %add3A_25, %get3A_52, %dot_general3A_53 {dimension_numbers = #tpu.dot_dimension_numbers<[1], [1], [0], [0], [0, 0, 1, 0], [], []>, transpose_lhs_hint = false} : vector<1000x128xf32>, vector<128x128xf32>, vector<1000x128xf32> -> vector<1000x128xf32>
    %get3A_55 = arith.constant 0 : index
    %get3A_56 = arith.constant 0 : index
    %get3A_57 = vector.load %arg9[%get3A_55, %get3A_56] : memref<1x128xf32, #tpu.memory_space<vmem>>, vector<1x128xf32>
    %add3A_58 = vector.broadcast %get3A_57 : vector<1x128xf32> to vector<1000x128xf32>
    %add3A_59 = arith.addf %dot_general3A_54, %add3A_58 : vector<1000x128xf32>
    %swap3A_60 = arith.constant 0 : index
    %swap3A_61 = arith.constant 128 : index
    %swap3A_62 = vector.load %arg11[%swap3A_60, %swap3A_61] : memref<1000x256xf32, #tpu.memory_space<vmem>>, vector<1000x128xf32>
    tpu.vector_store %arg11[%swap3A_60, %swap3A_61], %add3A_59 {strides = array<i32>} : memref<1000x256xf32, #tpu.memory_space<vmem>>, vector<1000x128xf32>,
    return
  }
  func.func @transform_0(%arg0: i32) -> (i32, i32) {
    %c0_i32 = arith.constant 0 : i32
    %c0_i32_0 = arith.constant 0 : i32
    return %arg0, %c0_i32 : i32, i32
  }
  func.func @transform_1(%arg0: i32) -> (i32, i32) {
    %c0_i32 = arith.constant 0 : i32
    %c0_i32_0 = arith.constant 0 : i32
    %c0_i32_1 = arith.constant 0 : i32
    return %c0_i32, %c0_i32_0 : i32, i32
  }
  func.func @transform_2(%arg0: i32) -> (i32, i32) {
    %c0_i32 = arith.constant 0 : i32
    %c0_i32_0 = arith.constant 0 : i32
    %c0_i32_1 = arith.constant 0 : i32
    return %c0_i32, %c0_i32_0 : i32, i32
  }
  func.func @transform_3(%arg0: i32) -> (i32, i32) {
    %c0_i32 = arith.constant 0 : i32
    %c0_i32_0 = arith.constant 0 : i32
    %c0_i32_1 = arith.constant 0 : i32
    return %c0_i32, %c0_i32_0 : i32, i32
  }
  func.func @transform_4(%arg0: i32) -> (i32, i32) {
    %c0_i32 = arith.constant 0 : i32
    %c0_i32_0 = arith.constant 0 : i32
    %c0_i32_1 = arith.constant 0 : i32
    return %c0_i32, %c0_i32_0 : i32, i32
  }
  func.func @transform_5(%arg0: i32) -> (i32, i32) {
    %c0_i32 = arith.constant 0 : i32
    %c0_i32_0 = arith.constant 0 : i32
    %c0_i32_1 = arith.constant 0 : i32
    return %c0_i32, %c0_i32_0 : i32, i32
  }
  func.func @transform_6(%arg0: i32) -> (i32, i32) {
    %c0_i32 = arith.constant 0 : i32
    %c0_i32_0 = arith.constant 0 : i32
    %c0_i32_1 = arith.constant 0 : i32
    return %c0_i32, %c0_i32_0 : i32, i32
  }
  func.func @transform_7(%arg0: i32) -> (i32, i32) {
    %c0_i32 = arith.constant 0 : i32
    %c0_i32_0 = arith.constant 0 : i32
    %c0_i32_1 = arith.constant 0 : i32
    return %c0_i32, %c0_i32_0 : i32, i32
  }
  func.func @transform_8(%arg0: i32) -> (i32, i32) {
    %c0_i32 = arith.constant 0 : i32
    %c0_i32_0 = arith.constant 0 : i32
    %c0_i32_1 = arith.constant 0 : i32
    return %c0_i32, %c0_i32_0 : i32, i32
  }
  func.func @transform_9(%arg0: i32) -> (i32, i32) {
    %c0_i32 = arith.constant 0 : i32
    %c0_i32_0 = arith.constant 0 : i32
    return %arg0, %c0_i32 : i32, i32
  }
  func.func @transform_10(%arg0: i32) -> (i32, i32) {
    %c0_i32 = arith.constant 0 : i32
    %c0_i32_0 = arith.constant 0 : i32
    return %arg0, %c0_i32 : i32, i32
  }
}

module attributes {stable_mosaic.version = 14 : i64} {
  func.func @_final_body(%arg0: i32, %arg1: memref<1x1000x144xf32, #tpu.memory_space<vmem>>, %arg2: memref<1x1000x144xf32, #tpu.memory_space<vmem>>, %arg3: memref<1000x128xf32, #tpu.memory_space<vmem>>, %arg4: memref<128x128xf32, #tpu.memory_space<vmem>>, %arg5: memref<1x128xf32, #tpu.memory_space<vmem>>, %arg6: memref<1x128xf32, #tpu.memory_space<vmem>>, %arg7: memref<1x128xf32, #tpu.memory_space<vmem>>, %arg8: memref<128x128xf32, #tpu.memory_space<vmem>>, %arg9: memref<1x128xf32, #tpu.memory_space<vmem>>, %arg10: memref<128x128xf32, #tpu.memory_space<vmem>>, %arg11: memref<1x128xf32, #tpu.memory_space<vmem>>, %arg12: memref<1000x128xf32, #tpu.memory_space<vmem>>) attributes {dimension_semantics = [#tpu.dimension_semantics<arbitrary>], iteration_bounds = array<i64: 10>, scalar_prefetch = 0 : i64, scratch_operands = 0 : i64, tpu.core_type = #tpu.core_type<tc>, window_params = [{transform_indices = @transform_0, window_bounds = array<i64: 1, 1000, 144>}, {transform_indices = @transform_1, window_bounds = array<i64: 1, 1000, 144>}, {transform_indices = @transform_2, window_bounds = array<i64: 1000, 128>}, {pipeline_mode = #tpu.pipeline_mode<synchronous>, transform_indices = @transform_3, window_bounds = array<i64: 128, 128>}, {pipeline_mode = #tpu.pipeline_mode<synchronous>, transform_indices = @transform_4, window_bounds = array<i64: 1, 128>}, {pipeline_mode = #tpu.pipeline_mode<synchronous>, transform_indices = @transform_5, window_bounds = array<i64: 1, 128>}, {pipeline_mode = #tpu.pipeline_mode<synchronous>, transform_indices = @transform_6, window_bounds = array<i64: 1, 128>}, {pipeline_mode = #tpu.pipeline_mode<synchronous>, transform_indices = @transform_7, window_bounds = array<i64: 128, 128>}, {pipeline_mode = #tpu.pipeline_mode<synchronous>, transform_indices = @transform_8, window_bounds = array<i64: 1, 128>}, {pipeline_mode = #tpu.pipeline_mode<synchronous>, transform_indices = @transform_9, window_bounds = array<i64: 128, 128>}, {pipeline_mode = #tpu.pipeline_mode<synchronous>, transform_indices = @transform_10, window_bounds = array<i64: 1, 128>}, {transform_indices = @transform_11, window_bounds = array<i64: 1000, 128>}]} {
    %get3A = arith.constant 0 : index
    %get3A_0 = arith.constant 0 : index
    %get3A_1 = arith.constant 0 : index
    %get3A_2 = vector.load %arg1[%get3A, %get3A_0, %get3A_1] : memref<1x1000x144xf32, #tpu.memory_space<vmem>>, vector<1x1000x144xf32>
    %get3A_3 = vector.shape_cast %get3A_2 : vector<1x1000x144xf32> to vector<1000x144xf32>
    %get3A_4 = arith.constant 0 : index
    %get3A_5 = arith.constant 0 : index
    %get3A_6 = arith.constant 0 : index
    %get3A_7 = vector.load %arg2[%get3A_4, %get3A_5, %get3A_6] : memref<1x1000x144xf32, #tpu.memory_space<vmem>>, vector<1x1000x144xf32>
    %get3A_8 = vector.shape_cast %get3A_7 : vector<1x1000x144xf32> to vector<1000x144xf32>
    %add3A = arith.addf %get3A_3, %get3A_8 : vector<1000x144xf32>
    %slice3A = vector.extract_strided_slice %add3A {offsets = [0, 0], sizes = [1000, 128], strides = [1, 1]} : vector<1000x144xf32> to vector<1000x128xf32>
    %slice3A_9 = vector.extract_strided_slice %add3A {offsets = [0, 128], sizes = [1000, 8], strides = [1, 1]} : vector<1000x144xf32> to vector<1000x8xf32>
    %iota3A = tpu.iota {dimensions = array<i32: 0>} : vector<8x128xi32>
    %iota3A_10 = tpu.iota {dimensions = array<i32: 1>} : vector<8x128xi32>
    %jit3A = arith.constant 16 : i32
    %div3A = vector.broadcast %jit3A : i32 to vector<8x128xi32>
    %div3A_11 = arith.divsi %iota3A_10, %div3A : vector<8x128xi32>
    %sign3A = arith.constant 0 : i32
    %sign3A_12 = vector.broadcast %sign3A : i32 to vector<8x128xi32>
    %sign3A_13 = arith.cmpi sgt, %iota3A_10, %sign3A_12 : vector<8x128xi32>
    %sign3A_14 = arith.extui %sign3A_13 : vector<8x128xi1> to vector<8x128xi32>
    %sign3A_15 = arith.constant 0 : i32
    %sign3A_16 = vector.broadcast %sign3A_15 : i32 to vector<8x128xi32>
    %sign3A_17 = arith.cmpi slt, %iota3A_10, %sign3A_16 : vector<8x128xi32>
    %sign3A_18 = arith.extui %sign3A_17 : vector<8x128xi1> to vector<8x128xi32>
    %sign3A_19 = arith.subi %sign3A_14, %sign3A_18 : vector<8x128xi32>
    %sign3A_20 = arith.constant 0 : i32
    %sign3A_21 = arith.cmpi sgt, %jit3A, %sign3A_20 : i32
    %sign3A_22 = arith.extui %sign3A_21 : i1 to i32
    %sign3A_23 = arith.constant 0 : i32
    %sign3A_24 = arith.cmpi slt, %jit3A, %sign3A_23 : i32
    %sign3A_25 = arith.extui %sign3A_24 : i1 to i32
    %sign3A_26 = arith.subi %sign3A_22, %sign3A_25 : i32
    %ne3A = vector.broadcast %sign3A_26 : i32 to vector<8x128xi32>
    %ne3A_27 = arith.cmpi ne, %sign3A_19, %ne3A : vector<8x128xi32>
    %rem3A = vector.broadcast %jit3A : i32 to vector<8x128xi32>
    %rem3A_28 = arith.remsi %iota3A_10, %rem3A : vector<8x128xi32>
    %ne3A_29 = arith.constant 0 : i32
    %ne3A_30 = vector.broadcast %ne3A_29 : i32 to vector<8x128xi32>
    %ne3A_31 = arith.cmpi ne, %rem3A_28, %ne3A_30 : vector<8x128xi32>
    %and3A = arith.andi %ne3A_27, %ne3A_31 : vector<8x128xi1>
    %sub3A = arith.constant 1 : i32
    %sub3A_32 = vector.broadcast %sub3A : i32 to vector<8x128xi32>
    %sub3A_33 = arith.subi %div3A_11, %sub3A_32 : vector<8x128xi32>
    %select_n3A = arith.select %and3A, %sub3A_33, %div3A_11 : vector<8x128xi1>, vector<8x128xi32>
    %eq3A = arith.cmpi eq, %select_n3A, %iota3A : vector<8x128xi32>
    %convert_element_type3A = arith.extui %eq3A : vector<8x128xi1> to vector<8x128xi32>
    %convert_element_type3A_34 = arith.sitofp %convert_element_type3A : vector<8x128xi32> to vector<8x128xf32>
    %dot_general3A = arith.constant dense<0.000000e+00> : vector<1000x128xf32>
    %dot_general3A_35 = tpu.matmul %slice3A_9, %convert_element_type3A_34, %dot_general3A {dimension_numbers = #tpu.dot_dimension_numbers<[1], [0], [0], [1], [0, 0, 1, 1], [], []>, transpose_lhs_hint = false} : vector<1000x8xf32>, vector<8x128xf32>, vector<1000x128xf32> -> vector<1000x128xf32>
    %div3A_36 = arith.divf %slice3A, %dot_general3A_35 : vector<1000x128xf32>
    %get3A_37 = arith.constant 0 : index
    %get3A_38 = arith.constant 0 : index
    %get3A_39 = vector.load %arg4[%get3A_37, %get3A_38] : memref<128x128xf32, #tpu.memory_space<vmem>>, vector<128x128xf32>
    %dot_general3A_40 = arith.constant dense<0.000000e+00> : vector<1000x128xf32>
    %dot_general3A_41 = tpu.matmul %div3A_36, %get3A_39, %dot_general3A_40 {dimension_numbers = #tpu.dot_dimension_numbers<[1], [1], [0], [0], [0, 0, 1, 0], [], []>, transpose_lhs_hint = false} : vector<1000x128xf32>, vector<128x128xf32>, vector<1000x128xf32> -> vector<1000x128xf32>
    %get3A_42 = arith.constant 0 : index
    %get3A_43 = arith.constant 0 : index
    %get3A_44 = vector.load %arg5[%get3A_42, %get3A_43] : memref<1x128xf32, #tpu.memory_space<vmem>>, vector<1x128xf32>
    %add3A_45 = vector.broadcast %get3A_44 : vector<1x128xf32> to vector<1000x128xf32>
    %add3A_46 = arith.addf %dot_general3A_41, %add3A_45 : vector<1000x128xf32>
    %get3A_47 = arith.constant 0 : index
    %get3A_48 = arith.constant 0 : index
    %get3A_49 = vector.load %arg3[%get3A_47, %get3A_48] : memref<1000x128xf32, #tpu.memory_space<vmem>>, vector<1000x128xf32>
    %add3A_50 = arith.addf %get3A_49, %add3A_46 : vector<1000x128xf32>
    %reduce_sum3A = arith.constant dense<0.000000e+00> : vector<1000xf32>
    %reduce_sum3A_51 = vector.multi_reduction <add>, %add3A_50, %reduce_sum3A [1] : vector<1000x128xf32> to vector<1000xf32>
    %broadcast_in_dim3A = vector.shape_cast %reduce_sum3A_51 : vector<1000xf32> to vector<1000x1xf32>
    %div3A_52 = arith.constant 1.280000e+02 : f32
    %div3A_53 = vector.broadcast %div3A_52 : f32 to vector<1000x1xf32>
    %div3A_54 = arith.divf %broadcast_in_dim3A, %div3A_53 : vector<1000x1xf32>
    %sub3A_55 = vector.broadcast %div3A_54 : vector<1000x1xf32> to vector<1000x128xf32>
    %sub3A_56 = arith.subf %add3A_50, %sub3A_55 : vector<1000x128xf32>
    %mul3A = arith.mulf %sub3A_56, %sub3A_56 : vector<1000x128xf32>
    %reduce_sum3A_57 = arith.constant dense<0.000000e+00> : vector<1000xf32>
    %reduce_sum3A_58 = vector.multi_reduction <add>, %mul3A, %reduce_sum3A_57 [1] : vector<1000x128xf32> to vector<1000xf32>
    %broadcast_in_dim3A_59 = vector.shape_cast %reduce_sum3A_58 : vector<1000xf32> to vector<1000x1xf32>
    %div3A_60 = arith.constant 1.280000e+02 : f32
    %div3A_61 = vector.broadcast %div3A_60 : f32 to vector<1000x1xf32>
    %div3A_62 = arith.divf %broadcast_in_dim3A_59, %div3A_61 : vector<1000x1xf32>
    %add3A_63 = arith.constant 9.99999974E-6 : f32
    %add3A_64 = vector.broadcast %add3A_63 : f32 to vector<1000x1xf32>
    %add3A_65 = arith.addf %div3A_62, %add3A_64 : vector<1000x1xf32>
    %rsqrt3A = math.rsqrt %add3A_65 : vector<1000x1xf32>
    %mul3A_66 = vector.broadcast %rsqrt3A : vector<1000x1xf32> to vector<1000x128xf32>
    %mul3A_67 = arith.mulf %sub3A_56, %mul3A_66 : vector<1000x128xf32>
    %get3A_68 = arith.constant 0 : index
    %get3A_69 = arith.constant 0 : index
    %get3A_70 = vector.load %arg6[%get3A_68, %get3A_69] : memref<1x128xf32, #tpu.memory_space<vmem>>, vector<1x128xf32>
    %mul3A_71 = vector.broadcast %get3A_70 : vector<1x128xf32> to vector<1000x128xf32>
    %mul3A_72 = arith.mulf %mul3A_67, %mul3A_71 : vector<1000x128xf32>
    %get3A_73 = arith.constant 0 : index
    %get3A_74 = arith.constant 0 : index
    %get3A_75 = vector.load %arg7[%get3A_73, %get3A_74] : memref<1x128xf32, #tpu.memory_space<vmem>>, vector<1x128xf32>
    %add3A_76 = vector.broadcast %get3A_75 : vector<1x128xf32> to vector<1000x128xf32>
    %add3A_77 = arith.addf %mul3A_72, %add3A_76 : vector<1000x128xf32>
    %get3A_78 = arith.constant 0 : index
    %get3A_79 = arith.constant 0 : index
    %get3A_80 = vector.load %arg8[%get3A_78, %get3A_79] : memref<128x128xf32, #tpu.memory_space<vmem>>, vector<128x128xf32>
    %dot_general3A_81 = arith.constant dense<0.000000e+00> : vector<1000x128xf32>
    %dot_general3A_82 = tpu.matmul %add3A_77, %get3A_80, %dot_general3A_81 {dimension_numbers = #tpu.dot_dimension_numbers<[1], [1], [0], [0], [0, 0, 1, 0], [], []>, transpose_lhs_hint = false} : vector<1000x128xf32>, vector<128x128xf32>, vector<1000x128xf32> -> vector<1000x128xf32>
    %get3A_83 = arith.constant 0 : index
    %get3A_84 = arith.constant 0 : index
    %get3A_85 = vector.load %arg9[%get3A_83, %get3A_84] : memref<1x128xf32, #tpu.memory_space<vmem>>, vector<1x128xf32>
    %add3A_86 = vector.broadcast %get3A_85 : vector<1x128xf32> to vector<1000x128xf32>
    %add3A_87 = arith.addf %dot_general3A_82, %add3A_86 : vector<1000x128xf32>
    %max3A = arith.constant 0.000000e+00 : f32
    %max3A_88 = vector.broadcast %max3A : f32 to vector<1000x128xf32>
    %max3A_89 = arith.maximumf %add3A_87, %max3A_88 : vector<1000x128xf32>
    %get3A_90 = arith.constant 0 : index
    %get3A_91 = arith.constant 0 : index
    %get3A_92 = vector.load %arg10[%get3A_90, %get3A_91] : memref<128x128xf32, #tpu.memory_space<vmem>>, vector<128x128xf32>
    %dot_general3A_93 = arith.constant dense<0.000000e+00> : vector<1000x128xf32>
    %dot_general3A_94 = tpu.matmul %max3A_89, %get3A_92, %dot_general3A_93 {dimension_numbers = #tpu.dot_dimension_numbers<[1], [1], [0], [0], [0, 0, 1, 0], [], []>, transpose_lhs_hint = false} : vector<1000x128xf32>, vector<128x128xf32>, vector<1000x128xf32> -> vector<1000x128xf32>
    %get3A_95 = arith.constant 0 : index
    %get3A_96 = arith.constant 0 : index
    %get3A_97 = vector.load %arg11[%get3A_95, %get3A_96] : memref<1x128xf32, #tpu.memory_space<vmem>>, vector<1x128xf32>
    %add3A_98 = vector.broadcast %get3A_97 : vector<1x128xf32> to vector<1000x128xf32>
    %add3A_99 = arith.addf %dot_general3A_94, %add3A_98 : vector<1000x128xf32>
    %add3A_100 = arith.addf %add3A_50, %add3A_99 : vector<1000x128xf32>
    %swap3A = arith.constant 0 : index
    %swap3A_101 = arith.constant 0 : index
    %swap3A_102 = vector.load %arg12[%swap3A, %swap3A_101] : memref<1000x128xf32, #tpu.memory_space<vmem>>, vector<1000x128xf32>
    tpu.vector_store %arg12[%swap3A, %swap3A_101], %add3A_100 {strides = array<i32>} : memref<1000x128xf32, #tpu.memory_space<vmem>>, vector<1000x128xf32>,
    return
  }
  func.func @transform_0(%arg0: i32) -> (i32, i32, i32) {
    %c0_i32 = arith.constant 0 : i32
    %c0_i32_0 = arith.constant 0 : i32
    %c0_i32_1 = arith.constant 0 : i32
    return %c0_i32, %arg0, %c0_i32_0 : i32, i32, i32
  }
  func.func @transform_1(%arg0: i32) -> (i32, i32, i32) {
    %c1_i32 = arith.constant 1 : i32
    %c0_i32 = arith.constant 0 : i32
    %c0_i32_0 = arith.constant 0 : i32
    return %c1_i32, %arg0, %c0_i32 : i32, i32, i32
  }
  func.func @transform_2(%arg0: i32) -> (i32, i32) {
    %c0_i32 = arith.constant 0 : i32
    %c0_i32_0 = arith.constant 0 : i32
    return %arg0, %c0_i32 : i32, i32
  }
  func.func @transform_3(%arg0: i32) -> (i32, i32) {
    %c0_i32 = arith.constant 0 : i32
    %c0_i32_0 = arith.constant 0 : i32
    %c0_i32_1 = arith.constant 0 : i32
    return %c0_i32, %c0_i32_0 : i32, i32
  }
  func.func @transform_4(%arg0: i32) -> (i32, i32) {
    %c0_i32 = arith.constant 0 : i32
    %c0_i32_0 = arith.constant 0 : i32
    %c0_i32_1 = arith.constant 0 : i32
    return %c0_i32, %c0_i32_0 : i32, i32
  }
  func.func @transform_5(%arg0: i32) -> (i32, i32) {
    %c0_i32 = arith.constant 0 : i32
    %c0_i32_0 = arith.constant 0 : i32
    %c0_i32_1 = arith.constant 0 : i32
    return %c0_i32, %c0_i32_0 : i32, i32
  }
  func.func @transform_6(%arg0: i32) -> (i32, i32) {
    %c0_i32 = arith.constant 0 : i32
    %c0_i32_0 = arith.constant 0 : i32
    %c0_i32_1 = arith.constant 0 : i32
    return %c0_i32, %c0_i32_0 : i32, i32
  }
  func.func @transform_7(%arg0: i32) -> (i32, i32) {
    %c0_i32 = arith.constant 0 : i32
    %c0_i32_0 = arith.constant 0 : i32
    %c0_i32_1 = arith.constant 0 : i32
    return %c0_i32, %c0_i32_0 : i32, i32
  }
  func.func @transform_8(%arg0: i32) -> (i32, i32) {
    %c0_i32 = arith.constant 0 : i32
    %c0_i32_0 = arith.constant 0 : i32
    %c0_i32_1 = arith.constant 0 : i32
    return %c0_i32, %c0_i32_0 : i32, i32
  }
  func.func @transform_9(%arg0: i32) -> (i32, i32) {
    %c0_i32 = arith.constant 0 : i32
    %c0_i32_0 = arith.constant 0 : i32
    %c0_i32_1 = arith.constant 0 : i32
    return %c0_i32, %c0_i32_0 : i32, i32
  }
  func.func @transform_10(%arg0: i32) -> (i32, i32) {
    %c0_i32 = arith.constant 0 : i32
    %c0_i32_0 = arith.constant 0 : i32
    %c0_i32_1 = arith.constant 0 : i32
    return %c0_i32, %c0_i32_0 : i32, i32
  }
  func.func @transform_11(%arg0: i32) -> (i32, i32) {
    %c0_i32 = arith.constant 0 : i32
    %c0_i32_0 = arith.constant 0 : i32
    return %arg0, %c0_i32 : i32, i32
  }
}

</mosaic_0001>

<sc_bundles>
// kernel: kernel.5.cloned.1.call-start
scs
__scs_entry_jumppad:
0x0: {  	(pc) =	sbr.rel $0x88, $3  }
0x1: {  	(tag) =	ssettag $0x0;
	lr =	simm.s32 $0x1  }
0x2: {  	[smem:$0x3F8F] =	sst lr;
	_ =	strace $0xD0000000  }
0x3: {  	_ = 	snop  }
0x4: {  	_ = 	snop  }
0x5: {  	_ = 	snop  }
0x6: {  	_ = 	snop  }
0x7: {  	_ = 	snop  }
__scs_overlays_trampoline_lowered:
0x8: {  	[smem:$0x3F9E] =	sst s0  }
0x9: {  	[smem:$0x3F9F] =	sst s1  }
0xa: {  	[smem:$0x3FA0] =	sst s2  }
0xb: {  	[smem:$0x3FA1] =	sst s3  }
0xc: {  	[smem:$0x3FA2] =	sst s4  }
0xd: {  	[smem:$0x3FA3] =	sst s5  }
0xe: {  	[smem:$0x3FA4] =	sst s6  }
0xf: {  	[smem:$0x3FA5] =	sst s7  }
0x10: {  	[smem:$0x3FA6] =	sst s8  }
0x11: {  	[smem:$0x3FA7] =	sst s9;
	s0 =	simm.s32 @!p0 $0x0  }
0x12: {  	s1 =	sld [smem:$0x3F8D];
	s0 =	simm.s32 @p0 $0x1  }
0x13: {  	[smem:$0x3FA8] =	sst s0;
	s0 =	simm.s32 @!p1 $0x0  }
0x14: {  	s2 =	sld [smem:$0x3F8C];
	s0 =	simm.s32 @p1 $0x1  }
0x15: {  	[smem:$0x3FA9] =	sst s0;
	s0 =	simm.s32 @!p2 $0x0  }
0x16: {  	s3 =	sld [smem:$0x3FDB];
	s0 =	simm.s32 @p2 $0x1  }
0x17: {  	s4 =	simm.s32 $0x1BF5;
	[smem:$0x3FAB] =	sst s0  }
0x18: {  	s0 =	sld [smem:$0x3F8E];
	_ =	swait.ge [sflag:s4], $0x0  }
0x19: {  	s7 =	sld [smem:$0x3F8F]  }
0x1a: {  	s8 =	sadd.s32 $0xFFFFE003, lr  }
0x1b: {  	s9 =	sadd.s32 $0xFFFFFEF7, lr;
	s5 =	simm.s32 $0xFFFFFFFF;
	p2 =	slt.u32 s8, $0xFFFFF086  }
0x1c: {  	p1 =	slt.u32 s9, $0xF7A;
	s5 =	simm.s32 @!p2 $0x0  }
0x1d: {  	s5 =	simm.s32 @p1 $0x1;
	p0 =	seq.s32 s7, s2  }
0x1e: {  	s7 =	smul.u32 @!p0 $0xF7A, s2;
	p2 =	seq.s32 @!p0 s5, $0x0  }
0x1f: {  	s9 =	smul.u32 $0xF7A, s1;
	s8 =	simm.s32 @!p0 $0x1BF5;
	p2 =	por !p2, p0  }
0x20: {  	[sflag:s8] =	ssyncset.s32 @!p0 $0xFFFFF086;
	s6 =	sadd.s32 @!p0 s3, s7;
	s7 =	simm.s32 @!p0 $0x108  }
0x21: {  	s3 =	sadd.s32 s3, s9;
	s6 =	sadd.s32 @!p0 $0x88, s6;
	s7 =	simm.s32 @p2 $0x1082  }
0x22: {  	[simem:s7], [sflag:s8] =	dma.local @!p0 [hbm:s6], $0xF7A  }
0x23: {  	s9 =	sor.u32 $0xD0000000, s2;
	s6 =	simm.s32 $0x108;
	_ =	swait.ge @!p0 [sflag:s8], $0x0  }
0x24: {  	s3 =	sadd.s32 $0x88, s3;
	s6 =	simm.s32 @!p1 $0x1082;
	[sflag:s4] =	ssyncset.s32 $0xFFFFF086  }
0x25: {  	[simem:s6], [sflag:s4] =	dma.local [hbm:s3], $0xF7A  }
0x26: {  	[smem:$0x3F8F] =	sst s1;
	(tag) =	ssettag s2;
	_ =	strace s9  }
0x27: {  	s1 =	sld [smem:$0x3F9F]  }
0x28: {  	s2 =	sld [smem:$0x3FA0]  }
0x29: {  	s4 =	sld [smem:$0x3FA2]  }
0x2a: {  	p0 =	seq.s32 s5, $0x0;
	s5 =	sld [smem:$0x3FA3]  }
0x2b: {  	s6 =	sld [smem:$0x3FA4]  }
0x2c: {  	s7 =	sld [smem:$0x3FA5]  }
0x2d: {  	s3 =	simm.s32 $0x108;
	s8 =	sld [smem:$0x3FA6]  }
0x2e: {  	s3 =	simm.s32 @!p0 $0x1082;
	s9 =	sld [smem:$0x3FA7]  }
0x2f: {  	lr =	sadd.s32 s0, s3;
	s0 =	sld [smem:$0x3F9E]  }
0x30: {  	s3 =	sld [smem:$0x3FA1]  }
0x31: {  	[smem:$0x3FAA] =	sst s10  }
0x32: {  	s10 =	sld [smem:$0x3FA8];
	_ =	sdelay $0x3  }
0x33: {  	p0 =	seq.s32 s10, $0x1;
	s10 =	sld [smem:$0x3FAA];
	_ =	sdelay $0x3  }
0x34: {  	[smem:$0x3FAA] =	sst s10  }
0x35: {  	s10 =	sld [smem:$0x3FA9];
	_ =	sdelay $0x3  }
0x36: {  	p1 =	seq.s32 s10, $0x1;
	s10 =	sld [smem:$0x3FAA];
	_ =	sdelay $0x3  }
0x37: {  	[smem:$0x3FAA] =	sst s10  }
0x38: {  	s10 =	sld [smem:$0x3FAB]  }
0x39: {  	_ = 	snop;
	(pc) =	sbr.ind lr, $3  }
0x3a: {  	_ = 	snop  }
0x3b: {  	_ = 	snop  }
0x3c: {  	p2 =	seq.s32 s10, $0x1;
	s10 =	sld [smem:$0x3FAA]  }
0x3d: {  	_ =	shalt  }
0x3e: {  	_ =	shalt  }
0x3f: {  	_ =	shalt  }
0x40: {  	_ =	shalt  }
0x41: {  	_ =	shalt  }
0x42: {  	_ =	shalt  }
0x43: {  	_ =	shalt  }
0x44: {  	_ =	shalt  }
0x45: {  	_ =	shalt  }
0x46: {  	_ =	shalt  }
0x47: {  	_ =	shalt  }
0x48: {  	_ =	shalt  }
0x49: {  	_ =	shalt  }
0x4a: {  	_ =	shalt  }
0x4b: {  	_ =	shalt  }
0x4c: {  	_ =	shalt  }
0x4d: {  	_ =	shalt  }
0x4e: {  	_ =	shalt  }
0x4f: {  	_ =	shalt  }
0x50: {  	_ =	shalt  }
0x51: {  	_ =	shalt  }
0x52: {  	_ =	shalt  }
0x53: {  	_ =	shalt  }
0x54: {  	_ =	shalt  }
0x55: {  	_ =	shalt  }
0x56: {  	_ =	shalt  }
0x57: {  	_ =	shalt  }
0x58: {  	_ =	shalt  }
0x59: {  	_ =	shalt  }
0x5a: {  	_ =	shalt  }
0x5b: {  	_ =	shalt  }
0x5c: {  	_ =	shalt  }
0x5d: {  	_ =	shalt  }
0x5e: {  	_ =	shalt  }
0x5f: {  	_ =	shalt  }
0x60: {  	_ =	shalt  }
0x61: {  	_ =	shalt  }
0x62: {  	_ =	shalt  }
0x63: {  	_ =	shalt  }
0x64: {  	_ =	shalt  }
0x65: {  	_ =	shalt  }
0x66: {  	_ =	shalt  }
0x67: {  	_ =	shalt  }
0x68: {  	_ =	shalt  }
0x69: {  	_ =	shalt  }
0x6a: {  	_ =	shalt  }
0x6b: {  	_ =	shalt  }
0x6c: {  	_ =	shalt  }
0x6d: {  	_ =	shalt  }
0x6e: {  	_ =	shalt  }
0x6f: {  	_ =	shalt  }
0x70: {  	_ =	shalt  }
0x71: {  	_ =	shalt  }
0x72: {  	_ =	shalt  }
0x73: {  	_ =	shalt  }
0x74: {  	_ =	shalt  }
0x75: {  	_ =	shalt  }
0x76: {  	_ =	shalt  }
0x77: {  	_ =	shalt  }
0x78: {  	_ =	shalt  }
0x79: {  	_ =	shalt  }
0x7a: {  	_ =	shalt  }
0x7b: {  	_ =	shalt  }
0x7c: {  	_ =	shalt  }
0x7d: {  	_ =	shalt  }
0x7e: {  	_ =	shalt  }
0x7f: {  	_ =	shalt  }
0x80: {  	_ =	shalt  }
0x81: {  	_ =	shalt  }
0x82: {  	_ =	shalt  }
0x83: {  	_ =	shalt  }
0x84: {  	_ =	shalt  }
0x85: {  	_ =	shalt  }
0x86: {  	_ =	shalt  }
0x87: {  	_ =	shalt  }
.Lfunc_end0:
.L_simem_size_0:
called_computation_lowered:
.L_overlay_start_0:
0x88: {  	s2 =	sld [smem:$0x3FD9]  }
0x89: {  	s3 =	sld [smem:$0x3FFE];
	_ =	sdelay $0x1  }
0x8a: {  	s1 =	srdreg.scid  }
0x8b: {  	s0 =	sand.u32 $0x1, s1  }
0x8c: {  	s17 =	sshll.u32 s0, $0xA;
	s2 =	sadd.s32 s3, s2  }
0x8d: {  	s2 =	sadd.s32 s2, s17  }
0x8e: {  	[smem:$0x3FB6] =	sst s2  }
0x8f: {  	_ = 	snop  }
0x90: {  	s2 =	sld [smem:$0x3FD0];
	(tm) =	ssettm $0x1  }
0x91: {  	s18 =	sld [smem:$0x3FFB];
	_ =	sdelay $0x3  }
0x92: {  	_ =	strace s18  }
0x93: {  	s3 =	sld [smem:$0x3FFC];
	_ =	sdelay $0x3  }
0x94: {  	_ =	strace s3  }
0x95: {  	s3 =	sld [smem:$0x3FFD];
	_ =	sdelay $0x3  }
0x96: {  	_ =	strace s3  }
0x97: {  	_ =	strace $0x8FFFFFFF  }
0x98: {  	s19 =	sld [smem:$0x3FDB];
	_ =	sdelay $0x1  }
0x99: {  	s4 =	simm.s32 $_scs_section_size  }
0x9a: {  	s5 =	simm.s32 $_size__tile_overlayer_lowered;
	s6 =	simm.s32 $_tile_overlayer_lowered  }
0x9b: {  	s22 =	simm.s32 $0x1BFF;
	s21 =	sshll.u32 s6, $0x1;
	s3 =	sadd.s32 s4, s19  }
0x9c: {  	s7 =	simm.s32 $0x0;
	s20 =	sshll.u32 s5, $0x1;
	s5 =	sadd.s32 s21, s3  }
0x9d: {  	[timem:s7], [sflag:s22] =	dma.local [hbm:s5], s20  }
0x9e: {  	_ =	swait.ge [sflag:s22], s20  }
0x9f: {  	s4 =	ssub.s32 $0x0, s20;
	[sflag:s22] =	ssyncset.done $0x0  }
0xa0: {  	[sflag:s22] =	ssyncadd.s32 s4;
	_ =	sdelay $0x1  }
0xa1: {  	s23 =	simm.s32 $0x1B8B  }
0xa2: {  	_ =	swait.ge [sflag:s23], $0x1  }
0xa3: {  	[sflag:s23] =	ssyncset.done $0x0  }
0xa4: {  	s25 =	simm.s32 $0x1B8E;
	s24 =	sld [smem:$0x3FFE];
	[sflag:s23] =	ssyncadd.s32 $0xFFFFFFFF  }
0xa5: {  	s26 =	simm.s32 $execute0_lowered;
	[smem:$0x3FD2] =	sst s25  }
0xa6: {  	s5 =	sshll.u32 s26, $0x1;
	_ =	strace $0x80000046;
	[dreg:$0x1] =	wrdreg $0xFFFFFFFF  }
0xa7: {  	s28 =	simm.s32 $_size_execute0_lowered;
	s3 =	sadd.s32 s3, s5;
	[dreg:$0x0] =	wrdreg $0x0  }
0xa8: {  	s5 =	sshll.u32 s28, $0x1;
	[dreg:$0x2] =	wrdreg s3  }
0xa9: {  	[dreg:$0x3] =	wrdreg s5  }
0xaa: {  	[dreg:$0x4] =	wrdreg $0xC0  }
0xab: {  	_ =	task [dreg:s7], $0x5FFFF  }
0xac: {  	[dreg:$0x1] =	wrdreg $0xFFFFFFFF  }
0xad: {  	[dreg:$0x0] =	wrdreg $0x60  }
0xae: {  	[dreg:$0x2] =	wrdreg s2  }
0xaf: {  	[dreg:$0x3] =	wrdreg s24  }
0xb0: {  	[dreg:$0x4] =	wrdreg $0x52D00  }
0xb1: {  	[dreg:$0x5] =	wrdreg $0x9  }
0xb2: {  	_ =	task.clear_ibuf [dreg:s7], $0x6FFFF;
	_ =	strace $0x90000046  }
0xb3: {  	s29 =	simm.s32 $0x9;
	_ =	strace $0x80000048  }
0xb4: {  	_ =	swait.ge [sflag:s29], $0x1  }
0xb5: {  	[sflag:s29] =	ssyncadd.s32 $0xFFFFFFFF  }
0xb6: {  	_ =	strace $0x90000048  }
0xb7: {  	_ =	sfence  }
0xb8: {  	s30 =	sld [smem:$0x0];
	_ =	sdelay $0x2  }
0xb9: {  	s31 =	sshll.u32 s1, $0xD;
	s1 =	sshrl.u32 s1, $0x2  }
0xba: {  	s3 =	sand.u32 $0x4000, s31;
	s1 =	sadd.s32 s1, s30  }
0xbb: {  	s0 =	sor.u32 s3, s0;
	s1 =	sshll.u32 s1, $0x11  }
0xbc: {  	s0 =	sor.u32 s1, s0  }
0xbd: {  	s0 =	sadd.s32 $0x8F2B, s0  }
0xbe: {  	[sflag:s0] =	ssyncadd.remote.s32 $0x1  }
0xbf: {  	_ =	sfence.sel $0xFFFF  }
0xc0: {  	[dreg:$0x0] =	wrdreg $0xFFFFFFFF;
	(pc) =	sbr.abs _section_cstart, $3  }
0xc1: {  	[dreg:$0x1] =	wrdreg $0xFFFFFFFF  }
0xc2: {  	_ =	task.clear_ibuf [dreg:s7], $0x2FFFF;
	_ =	strace $0x9FFFFFFF  }
0xc3: {  	(tm) =	ssettm $0x7FFFFFFF  }
tec
execute0_lowered:
.L_overlay_start_1:
0x0: {  	(tag) =	ssettag $0x1  }
0x1: {  	s1 =	rddreg [dreg:$0x0]  }
0x2: {  	s0 =	rddreg [dreg:$0x1];
	v0 =	vimm.s32 $0x76543210;
	v1 =	vimm.s32 $0xFEDCBA98  }
0x3: {  	s2 =	rddreg [dreg:$0x2];
	s3 =	simm.s32 $0x0;
	v2 =	vimm.s32 $0x3210FEDC;
	v3 =	vimm.s32 $0xBA987654;
	v4 =	vimm.s32 $0x10FEDCBA  }
0x4: {  	s13 =	stileid.u32;
	s7 =	srdreg.scid;
	v5 =	vimm.s32 $0x98765432;
	v6 =	vimm.s32 $0xFEDCBA9;
	v7 =	vimm.s32 $0x87654321;
	s14 =	simm.s32 $0x3  }
0x5: {  	s15 =	simm.s32 $0x28;
	vm0 =	vmmov $0x1;
	vm1 =	vcmask $0x308;
	s16 =	simm.s32 $0x50;
	s17 =	simm.s32 $0x1450  }
0x6: {  	s18 =	simm.s32 $0x1;
	vm2 =	vcmask $0x70C;
	vm3 =	vcmask $0xB10;
	vm4 =	vcmask $0xF14;
	s19 =	simm.s32 $0x2;
	s20 =	simm.s32 $0x3C50  }
0x7: {  	s21 =	simm.s32 $0x0;
	[smem:$0x7FF] =	sst s3;
	v0 =	vunpack.c.l.s4.s8 v0;
	v1 =	vunpack.c.l.s4.s8 v1;
	v2 =	vunpack.c.l.s4.s8 v2;
	s5 =	sadd.s32 $0x15E00, s0  }
0x8: {  	s4 =	smul.u32 $0x16800, s13;
	v3 =	vunpack.c.l.s4.s8 v3;
	v4 =	vunpack.c.l.s4.s8 v4;
	s6 =	sadd.s32 $0xC000, s0;
	s8 =	sand.u32 $0x1, s7;
	v5 =	vunpack.c.l.s4.s8 v5  }
0x9: {  	s9 =	smul.u32 $0x2D00, s13;
	s7 =	sadd.s32 $0x2200, s0;
	v6 =	vunpack.c.l.s4.s8 v6;
	v7 =	vunpack.c.l.s4.s8 v7;
	s31 =	sshll.u32 s13, $0x6;
	v2 =	vunpack.c.0.s8.s32 v2  }
0xa: {  	_ =	strace $0x80000047;
	s11 =	smul.u32 $0x2D000, s8;
	s12 =	ssub.s32 $0x2, s8;
	v3 =	vunpack.c.0.s8.s32 v3;
	v4 =	vunpack.c.0.s8.s32 v4;
	v5 =	vunpack.c.0.s8.s32 v5  }
0xb: {  	s8 =	sshll.u32 s8, $0x4;
	s10 =	sshrl.u32 s4, $0x3;
	s30 =	sshrl.u32 s12, $0x1;
	v1 =	vunpack.c.0.s8.s32 v1;
	v6 =	vunpack.c.0.s8.s32 v6;
	v7 =	vunpack.c.0.s8.s32 v7  }
0xc: {  	vm5 =	vcmask $0x1318;
	s8 =	sor.u32 s13, s8;
	v0 =	vunpack.c.0.s8.s32 v0;
	s4 =	sadd.s32 s4, s2;
	s10 =	sadd.s32 s10, s0;
	v2 =	vcombine.low v3, v2  }
0xd: {  	s9 =	sadd.s32 s9, s11;
	s12 =	ssub.s32 s12, s30;
	s8 =	smul.u32 $0x2710, s8;
	v3 =	vcombine.low v5, v4;
	v4 =	vcombine.low v7, v6;
	v1 =	vand.u32 $0xF, v1  }
0xe: {  	vm6 =	vcmask $0x171C;
	vm7 =	vcmask $0x1B20;
	s13 =	sshrl.u32 s4, $0x3;
	s0 =	sadd.s32 s9, s0;
	s9 =	sadd.s32 $0x64000, s10;
	v0 =	vcombine.low v1, v0  }
0xf: {  	s10 =	sor.u32 $0x1C03, s31;
	s12 =	smax.u32 s12, $0x1;
	s11 =	sadd.s32 $0x91000, s0;
	v1 =	vand.u32 $0xF, v2;
	v2 =	vand.u32 $0xF, v3;
	v3 =	vand.u32 $0xF, v4  }
.LBB2_1:
0x10: {  	[spmem:s13], [sflag:s10] =	dma.local [hbm:s9], $0x2D00  }
0x11: {  	_ =	swait.ge [sflag:s14], $0x2D00  }
0x12: {  	[sflag:s14] =	ssyncset.done $0x0  }
0x13: {  	[sflag:s14] =	ssyncadd.s32 $0xFFFFD300  }
0x14: {  	s22 =	simm.s32 $0x0;
	[bflag:$0x0] =	sbarrier.arrive $0xFFFF  }
.LBB2_2:
0x15: {  	s0 =	smul.u32 $0x28, s22;
	_ =	sdelay $0x1  }
0x16: {  	s0 =	sadd.s32 s8, s0  }
0x17: {  	s0 =	sshrl.u32 s0, $0x3  }
0x18: {  	s4 =	sadd.s32 s6, s0  }
0x19: {  	[tilespmem:s3], [sflag:$0x3] =	stream.linear.gather [hbm4b:s4+s3], $0x28, $0x38;
	[tilespmem:$0x1BAD0] =	vst v63  }
0x1a: {  	_ =	swait.ge [sflag:s14], $0x28  }
0x1b: {  	[sflag:s14] =	ssyncset.done $0x0  }
0x1c: {  	s0 =	sadd.s32 s7, s0;
	[sflag:s14] =	ssyncadd.s32 $0xFFFFFFD8  }
0x1d: {  	[tilespmem:s15], [sflag:$0x3] =	stream.linear.gather [hbm4b:s0+s3], $0x28, $0x38;
	[tilespmem:$0x1BAD0] =	vst v63  }
0x1e: {  	_ =	swait.ge [sflag:s14], $0x28  }
0x1f: {  	[sflag:s14] =	ssyncset.done $0x0  }
0x20: {  	[sflag:s14] =	ssyncadd.s32 $0xFFFFFFD8  }
0x21: {  	[tilespmem:s16], [sflag:$0x1] =	stream.indirect.gather [hbm4b:s1+s15], $0x80, s15, s15, $0xb8;
	[tilespmem:$0x1BAD0] =	vst v63  }
0x22: {  	_ = 	snop  }
0x23: {  	[tilespmem:s17], [sflag:$0x2] =	stream.indirect.gather [hbm4b:s5+s15], $0x100, s3, s15, $0xb8;
	[tilespmem:$0x1BAD0] =	vst v63  }
0x24: {  	_ =	swait.ge [sflag:s18], $0x1400  }
0x25: {  	[sflag:s18] =	ssyncset.done $0x0  }
0x26: {  	[sflag:s18] =	ssyncadd.s32 $0xFFFFEC00  }
0x27: {  	_ =	swait.ge [sflag:s19], $0x2800  }
0x28: {  	[sflag:s19] =	ssyncset.done $0x0  }
0x29: {  	s4 =	simm.s32 $0x150;
	[sflag:s19] =	ssyncadd.s32 $0xFFFFD800  }
0x2a: {  	s31 =	simm.s32 $0x1650;
	v4 =	vld [tilespmem:s4+$0x80]  }
0x2b: {  	v5 =	vld [tilespmem:s31+$0x100];
	_ =	sdelay $0x4  }
0x2c: {  	v4 =	vmul.f32 v5, v4;
	_ =	sdelay $0x1  }
0x2d: {  	v5 =	vperm.xlane v4, v0;
	_ =	sdelay $0x1  }
0x2e: {  	v4 =	vadd.f32 v5, v4;
	_ =	sdelay $0x1  }
0x2f: {  	v5 =	vperm.xlane v4, v1;
	_ =	sdelay $0x1  }
0x30: {  	v6 =	vld [tilespmem:s31+$0xFFFFFE00];
	v4 =	vadd.f32 v5, v4  }
0x31: {  	v7 =	vld [tilespmem:s31+$0xFFFFFF00]  }
0x32: {  	v5 =	vld [tilespmem:s4+$0xFFFFFF80];
	v8 =	vperm.xlane v4, v2  }
0x33: {  	v9 =	vld [tilespmem:s4+$0xFFFFFF00]  }
0x34: {  	v4 =	vadd.f32 v8, v4  }
0x35: {  	v10 =	vld [tilespmem:s31+$0x0]  }
0x36: {  	v8 =	vld [tilespmem:s4+$0x0];
	v11 =	vperm.xlane v4, v3  }
0x37: {  	v5 =	vmul.f32 v7, v5  }
0x38: {  	v6 =	vmul.f32 v6, v9;
	v4 =	vadd.f32 v11, v4  }
0x39: {  	v7 =	vperm.xlane v5, v0  }
0x3a: {  	v9 =	vperm.xlane v6, v0;
	v4 =	vmul.f32 $2.500000000e-01, v4  }
0x3b: {  	v8 =	vmul.f32 v10, v8;
	v5 =	vadd.f32 v7, v5  }
0x3c: {  	v6 =	vadd.f32 v9, v6;
	v4 =	vmul.f32 $1.442695020e+00, v4  }
0x3d: {  	v7 =	vperm.xlane v8, v0;
	v9 =	vperm.xlane v5, v1  }
0x3e: {  	v10 =	vperm.xlane v6, v1;
	(erf) = vpow2.f32 v4  }
0x3f: {  	v5 =	vadd.f32 v9, v5;
	v4 =	vadd.f32 v7, v8  }
0x40: {  	v6 =	vadd.f32 v10, v6  }
0x41: {  	v8 =	vperm.xlane v5, v2;
	v7 =	vperm.xlane v4, v1  }
0x42: {  	v9 =	vperm.xlane v6, v2  }
0x43: {  	v5 =	vadd.f32 v8, v5;
	v4 =	vadd.f32 v7, v4;
	v7 =	vld [tilespmem:s31+$0x180]  }
0x44: {  	v6 =	vadd.f32 v9, v6  }
0x45: {  	v9 =	vperm.xlane v5, v3;
	v8 =	vperm.xlane v4, v2  }
0x46: {  	v10 =	vperm.xlane v6, v3  }
0x47: {  	v5 =	vadd.f32 v9, v5;
	v8 =	vadd.f32 v8, v4;
	v4 =	vpop (erf)  }
0x48: {  	v6 =	vadd.f32 v10, v6;
	v7 =	vmul.f32 v4, v7  }
0x49: {  	s23 =	simm.s32 $0x3D70;
	v5 =	vmul.f32 $2.500000000e-01, v5;
	v9 =	vperm.xlane v8, v3  }
0x4a: {  	v6 =	vmul.f32 $2.500000000e-01, v6;
	[tilespmem:s23+$0x90] =	vst v7  }
0x4b: {  	v5 =	vmul.f32 $1.442695020e+00, v5;
	v7 =	vadd.f32 v9, v8;
	v8 =	vld [tilespmem:s4+$0x90]  }
0x4c: {  	v6 =	vmul.f32 $1.442695020e+00, v6;
	v9 =	vld [tilespmem:s31+$0x110]  }
0x4d: {  	(erf) = vpow2.f32 v5;
	v7 =	vmul.f32 $2.500000000e-01, v7  }
0x4e: {  	(erf) = vpow2.f32 v6  }
0x4f: {  	v5 =	vmul.f32 $1.442695020e+00, v7;
	_ =	sdelay $0x1  }
0x50: {  	(erf) = vpow2.f32 v5;
	v5 =	vmul.f32 v9, v8  }
0x51: {  	v6 =	vld [tilespmem:s31+$0xFFFFFF80]  }
0x52: {  	v7 =	vld [tilespmem:s31+$0xFFFFFE80];
	v8 =	vperm.xlane v5, v0;
	_ =	sdelay $0x1  }
0x53: {  	v5 =	vadd.f32 v8, v5  }
0x54: {  	v8 =	vld [tilespmem:s31+$0x80];
	v9 =	vpop (erf)  }
0x55: {  	v6 =	vmul.f32 v9, v6;
	v13 =	vpop (erf);
	v10 =	vperm.xlane v5, v1  }
0x56: {  	v7 =	vmul.f32 v13, v7  }
0x57: {  	[tilespmem:s23+$0xFFFFFF70] =	vst v6;
	v5 =	vadd.f32 v10, v5  }
0x58: {  	[tilespmem:s23+$0xFFFFFEE0] =	vst v7;
	v6 =	vld [tilespmem:s4+$0xFFFFFF90];
	v12 =	vpop (erf)  }
0x59: {  	v11 =	vld [tilespmem:s31+$0xFFFFFE10];
	v7 =	vmul.f32 v12, v8;
	v10 =	vperm.xlane v5, v2  }
0x5a: {  	v8 =	vld [tilespmem:s4+$0xFFFFFF10]  }
0x5b: {  	[tilespmem:s23+$0x0] =	vst v7;
	v7 =	vld [tilespmem:s31+$0xFFFFFF10];
	v5 =	vadd.f32 v10, v5  }
0x5c: {  	v10 =	vld [tilespmem:s4+$0x10]  }
0x5d: {  	v14 =	vld [tilespmem:s31+$0x10];
	v15 =	vperm.xlane v5, v3;
	_ =	sdelay $0x1  }
0x5e: {  	v8 =	vmul.f32 v11, v8;
	v5 =	vadd.f32 v15, v5  }
0x5f: {  	v6 =	vmul.f32 v7, v6  }
0x60: {  	v7 =	vperm.xlane v8, v0;
	v5 =	vmul.f32 $2.500000000e-01, v5  }
0x61: {  	v10 =	vmul.f32 v14, v10;
	v11 =	vperm.xlane v6, v0  }
0x62: {  	v7 =	vadd.f32 v7, v8;
	v5 =	vmul.f32 $1.442695020e+00, v5  }
0x63: {  	v8 =	vperm.xlane v10, v0;
	v6 =	vadd.f32 v11, v6  }
0x64: {  	v11 =	vperm.xlane v7, v1;
	(erf) = vpow2.f32 v5  }
0x65: {  	v5 =	vperm.xlane v6, v1  }
0x66: {  	v8 =	vadd.f32 v8, v10;
	v7 =	vadd.f32 v11, v7  }
0x67: {  	v5 =	vadd.f32 v5, v6  }
0x68: {  	v6 =	vperm.xlane v8, v1;
	v10 =	vperm.xlane v7, v2  }
0x69: {  	v14 =	vld [tilespmem:s31+$0x190];
	v11 =	vperm.xlane v5, v2  }
0x6a: {  	v6 =	vadd.f32 v6, v8;
	v7 =	vadd.f32 v10, v7  }
0x6b: {  	v8 =	vadd.f32 v11, v5  }
0x6c: {  	v10 =	vperm.xlane v7, v3;
	v11 =	vperm.xlane v6, v2  }
0x6d: {  	v15 =	vperm.xlane v8, v3;
	v5 =	vpop (erf)  }
0x6e: {  	v7 =	vadd.f32 v10, v7;
	v6 =	vadd.f32 v11, v6;
	v10 =	vmul.f32 v5, v14  }
0x6f: {  	v8 =	vadd.f32 v15, v8  }
0x70: {  	v7 =	vmul.f32 $2.500000000e-01, v7;
	v11 =	vperm.xlane v6, v3;
	[tilespmem:s23+$0xA0] =	vst v10  }
0x71: {  	v8 =	vmul.f32 $2.500000000e-01, v8;
	v10 =	vld [tilespmem:s4+$0xA0]  }
0x72: {  	v7 =	vmul.f32 $1.442695020e+00, v7;
	v6 =	vadd.f32 v11, v6;
	v11 =	vld [tilespmem:s31+$0x120]  }
0x73: {  	v8 =	vmul.f32 $1.442695020e+00, v8  }
0x74: {  	v6 =	vmul.f32 $2.500000000e-01, v6;
	(erf) = vpow2.f32 v7;
	_ =	sdelay $0x1  }
0x75: {  	v6 =	vmul.f32 $1.442695020e+00, v6;
	(erf) = vpow2.f32 v8  }
0x76: {  	v7 =	vmul.f32 v11, v10  }
0x77: {  	(erf) = vpow2.f32 v6  }
0x78: {  	v6 =	vld [tilespmem:s31+$0xFFFFFE90];
	v8 =	vperm.xlane v7, v0;
	_ =	sdelay $0x1  }
0x79: {  	v10 =	vld [tilespmem:s31+$0xFFFFFF90];
	v7 =	vadd.f32 v8, v7;
	_ =	sdelay $0x1  }
0x7a: {  	v8 =	vld [tilespmem:s31+$0x90];
	v14 =	vpop (erf);
	v11 =	vperm.xlane v7, v1  }
0x7b: {  	v6 =	vmul.f32 v14, v6  }
0x7c: {  	v15 =	vpop (erf);
	v7 =	vadd.f32 v11, v7  }
0x7d: {  	[tilespmem:s23+$0xFFFFFEF0] =	vst v6;
	v6 =	vmul.f32 v15, v10  }
0x7e: {  	v16 =	vpop (erf);
	v10 =	vld [tilespmem:s4+$0xFFFFFF20];
	v11 =	vperm.xlane v7, v2  }
0x7f: {  	v17 =	vld [tilespmem:s31+$0xFFFFFE20];
	v8 =	vmul.f32 v16, v8;
	[tilespmem:s23+$0xFFFFFF80] =	vst v6  }
0x80: {  	v6 =	vld [tilespmem:s4+$0xFFFFFFA0];
	v7 =	vadd.f32 v11, v7  }
0x81: {  	[tilespmem:s23+$0x10] =	vst v8;
	v8 =	vld [tilespmem:s31+$0xFFFFFF20]  }
0x82: {  	v11 =	vld [tilespmem:s4+$0x20];
	v18 =	vperm.xlane v7, v3  }
0x83: {  	v19 =	vld [tilespmem:s31+$0x20]  }
0x84: {  	v7 =	vadd.f32 v18, v7  }
0x85: {  	v10 =	vmul.f32 v17, v10  }
0x86: {  	v7 =	vmul.f32 $2.500000000e-01, v7  }
0x87: {  	v6 =	vmul.f32 v8, v6;
	v8 =	vperm.xlane v10, v0  }
0x88: {  	v11 =	vmul.f32 v19, v11;
	v7 =	vmul.f32 $1.442695020e+00, v7  }
0x89: {  	v8 =	vadd.f32 v8, v10;
	v10 =	vperm.xlane v6, v0  }
0x8a: {  	v17 =	vperm.xlane v11, v0;
	(erf) = vpow2.f32 v7  }
0x8b: {  	v7 =	vperm.xlane v8, v1;
	v6 =	vadd.f32 v10, v6  }
0x8c: {  	v10 =	vadd.f32 v17, v11  }
0x8d: {  	v7 =	vadd.f32 v7, v8;
	v8 =	vperm.xlane v6, v1  }
0x8e: {  	v11 =	vperm.xlane v10, v1  }
0x8f: {  	v17 =	vperm.xlane v7, v2;
	v6 =	vadd.f32 v8, v6;
	v8 =	vld [tilespmem:s31+$0x1A0]  }
0x90: {  	v10 =	vadd.f32 v11, v10  }
0x91: {  	v7 =	vadd.f32 v17, v7;
	v11 =	vperm.xlane v6, v2  }
0x92: {  	v17 =	vperm.xlane v10, v2  }
0x93: {  	v18 =	vperm.xlane v7, v3;
	v11 =	vadd.f32 v11, v6;
	v6 =	vpop (erf)  }
0x94: {  	v10 =	vadd.f32 v17, v10;
	v8 =	vmul.f32 v6, v8  }
0x95: {  	v7 =	vadd.f32 v18, v7;
	v17 =	vperm.xlane v11, v3  }
0x96: {  	v18 =	vperm.xlane v10, v3;
	[tilespmem:s23+$0xB0] =	vst v8  }
0x97: {  	v7 =	vmul.f32 $2.500000000e-01, v7;
	v8 =	vadd.f32 v17, v11;
	v11 =	vld [tilespmem:s4+$0xB0]  }
0x98: {  	v10 =	vadd.f32 v18, v10;
	v17 =	vld [tilespmem:s31+$0x130]  }
0x99: {  	v7 =	vmul.f32 $1.442695020e+00, v7;
	v8 =	vmul.f32 $2.500000000e-01, v8  }
0x9a: {  	v10 =	vmul.f32 $2.500000000e-01, v10  }
0x9b: {  	v8 =	vmul.f32 $1.442695020e+00, v8;
	(erf) = vpow2.f32 v7  }
0x9c: {  	v7 =	vmul.f32 $1.442695020e+00, v10  }
0x9d: {  	(erf) = vpow2.f32 v8;
	v8 =	vmul.f32 v17, v11;
	_ =	sdelay $0x1  }
0x9e: {  	(erf) = vpow2.f32 v7;
	v7 =	vperm.xlane v8, v0  }
0x9f: {  	v10 =	vld [tilespmem:s31+$0xFFFFFEA0]  }
0xa0: {  	v7 =	vadd.f32 v7, v8  }
0xa1: {  	v8 =	vld [tilespmem:s31+$0xFFFFFFA0]  }
0xa2: {  	v11 =	vperm.xlane v7, v1  }
0xa3: {  	v20 =	vld [tilespmem:s31+$0xA0];
	v19 =	vpop (erf)  }
0xa4: {  	v10 =	vmul.f32 v19, v10;
	v7 =	vadd.f32 v11, v7  }
0xa5: {  	v18 =	vpop (erf)  }
0xa6: {  	v8 =	vmul.f32 v18, v8;
	[tilespmem:s23+$0xFFFFFF00] =	vst v10;
	v10 =	vperm.xlane v7, v2  }
0xa7: {  	v17 =	vpop (erf);
	v11 =	vld [tilespmem:s4+$0xFFFFFF30]  }
0xa8: {  	[tilespmem:s23+$0xFFFFFF90] =	vst v8;
	v8 =	vmul.f32 v17, v20;
	v20 =	vld [tilespmem:s31+$0xFFFFFE30];
	v7 =	vadd.f32 v10, v7  }
0xa9: {  	v10 =	vld [tilespmem:s4+$0xFFFFFFB0]  }
0xaa: {  	[tilespmem:s23+$0x20] =	vst v8;
	v8 =	vld [tilespmem:s31+$0xFFFFFF30];
	v21 =	vperm.xlane v7, v3  }
0xab: {  	v22 =	vld [tilespmem:s4+$0x30]  }
0xac: {  	v23 =	vld [tilespmem:s31+$0x30];
	v7 =	vadd.f32 v21, v7;
	_ =	sdelay $0x1  }
0xad: {  	v11 =	vmul.f32 v20, v11;
	v7 =	vmul.f32 $2.500000000e-01, v7  }
0xae: {  	v8 =	vmul.f32 v8, v10  }
0xaf: {  	v10 =	vperm.xlane v11, v0;
	v7 =	vmul.f32 $1.442695020e+00, v7  }
0xb0: {  	v20 =	vmul.f32 v23, v22  }
0xb1: {  	v10 =	vadd.f32 v10, v11;
	v11 =	vperm.xlane v8, v0;
	(erf) = vpow2.f32 v7  }
0xb2: {  	v7 =	vperm.xlane v20, v0  }
0xb3: {  	v21 =	vperm.xlane v10, v1;
	v8 =	vadd.f32 v11, v8  }
0xb4: {  	v7 =	vadd.f32 v7, v20  }
0xb5: {  	v11 =	vperm.xlane v8, v1;
	v10 =	vadd.f32 v21, v10  }
0xb6: {  	v21 =	vld [tilespmem:s31+$0x1B0];
	v20 =	vperm.xlane v7, v1  }
0xb7: {  	v8 =	vadd.f32 v11, v8;
	v11 =	vperm.xlane v10, v2  }
0xb8: {  	v20 =	vadd.f32 v20, v7  }
0xb9: {  	s24 =	simm.s32 $0x1A50;
	v22 =	vperm.xlane v8, v2;
	v10 =	vadd.f32 v11, v10  }
0xba: {  	s26 =	simm.s32 $0x350;
	v24 =	vld [tilespmem:s24+$0x100];
	v11 =	vperm.xlane v20, v2;
	v7 =	vpop (erf)  }
0xbb: {  	v23 =	vld [tilespmem:s26+$0x80];
	v8 =	vadd.f32 v22, v8;
	v22 =	vperm.xlane v10, v3;
	v21 =	vmul.f32 v7, v21  }
0xbc: {  	v11 =	vadd.f32 v11, v20  }
0xbd: {  	v20 =	vperm.xlane v8, v3;
	v10 =	vadd.f32 v22, v10;
	[tilespmem:s23+$0xC0] =	vst v21  }
0xbe: {  	v21 =	vperm.xlane v11, v3;
	v22 =	vld [tilespmem:s4+$0xC0]  }
0xbf: {  	v8 =	vadd.f32 v20, v8;
	v10 =	vmul.f32 $2.500000000e-01, v10;
	v20 =	vld [tilespmem:s31+$0x140]  }
0xc0: {  	v11 =	vadd.f32 v21, v11;
	v21 =	vmul.f32 v24, v23  }
0xc1: {  	v23 =	vld [tilespmem:s26+$0xFFFFFF80];
	v8 =	vmul.f32 $2.500000000e-01, v8;
	v10 =	vmul.f32 $1.442695020e+00, v10  }
0xc2: {  	v24 =	vld [tilespmem:s24+$0xFFFFFF00];
	v11 =	vmul.f32 $2.500000000e-01, v11;
	v25 =	vperm.xlane v21, v0  }
0xc3: {  	v8 =	vmul.f32 $1.442695020e+00, v8;
	(erf) = vpow2.f32 v10;
	v10 =	vld [tilespmem:s26+$0x0]  }
0xc4: {  	v20 =	vmul.f32 v20, v22;
	v22 =	vld [tilespmem:s24+$0x0];
	v21 =	vadd.f32 v25, v21  }
0xc5: {  	v11 =	vmul.f32 $1.442695020e+00, v11;
	v25 =	vld [tilespmem:s24+$0xFFFFFE00];
	(erf) = vpow2.f32 v8  }
0xc6: {  	v8 =	vld [tilespmem:s26+$0xFFFFFF00];
	v26 =	vperm.xlane v20, v0;
	v27 =	vperm.xlane v21, v1;
	_ =	sdelay $0x1  }
0xc7: {  	(erf) = vpow2.f32 v11;
	v20 =	vadd.f32 v26, v20;
	v26 =	vadd.f32 v27, v21  }
0xc8: {  	v23 =	vmul.f32 v24, v23;
	v11 =	vld [tilespmem:s31+$0xFFFFFEB0];
	v10 =	vmul.f32 v22, v10  }
0xc9: {  	v22 =	vperm.xlane v20, v1;
	v27 =	vperm.xlane v26, v2  }
0xca: {  	v24 =	vld [tilespmem:s31+$0xFFFFFFB0];
	v8 =	vmul.f32 v25, v8;
	v25 =	vperm.xlane v23, v0  }
0xcb: {  	v29 =	vperm.xlane v10, v0;
	v30 =	vadd.f32 v22, v20  }
0xcc: {  	v28 =	vld [tilespmem:s31+$0xB0];
	v21 =	vpop (erf);
	v26 =	vadd.f32 v27, v26;
	v20 =	vperm.xlane v8, v0;
	v23 =	vadd.f32 v25, v23  }
0xcd: {  	v11 =	vmul.f32 v21, v11;
	v10 =	vadd.f32 v29, v10;
	v25 =	vperm.xlane v30, v2  }
0xce: {  	v22 =	vpop (erf);
	v27 =	vperm.xlane v26, v3;
	v8 =	vadd.f32 v20, v8;
	v29 =	vperm.xlane v23, v1  }
0xcf: {  	v24 =	vmul.f32 v22, v24;
	v31 =	vperm.xlane v10, v1  }
0xd0: {  	[tilespmem:s23+$0xFFFFFF10] =	vst v11;
	v20 =	vpop (erf);
	v25 =	vadd.f32 v25, v30;
	v11 =	vperm.xlane v8, v1;
	v23 =	vadd.f32 v29, v23  }
0xd1: {  	v26 =	vadd.f32 v27, v26;
	v30 =	vld [tilespmem:s31+$0xFFFFFE40];
	v27 =	vmul.f32 v20, v28;
	v10 =	vadd.f32 v31, v10  }
0xd2: {  	v28 =	vld [tilespmem:s4+$0xFFFFFF40];
	[tilespmem:s23+$0xFFFFFFA0] =	vst v24;
	v29 =	vperm.xlane v25, v3;
	v8 =	vadd.f32 v11, v8;
	v11 =	vperm.xlane v23, v2  }
0xd3: {  	v26 =	vmul.f32 $2.500000000e-01, v26;
	[tilespmem:s23+$0x30] =	vst v27;
	v27 =	vperm.xlane v10, v2  }
0xd4: {  	v24 =	vld [tilespmem:s4+$0xFFFFFFC0];
	v25 =	vadd.f32 v29, v25;
	v31 =	vperm.xlane v8, v2;
	v11 =	vadd.f32 v11, v23  }
0xd5: {  	v26 =	vmul.f32 $1.442695020e+00, v26;
	v29 =	vld [tilespmem:s31+$0xFFFFFF40];
	v10 =	vadd.f32 v27, v10  }
0xd6: {  	v25 =	vmul.f32 $2.500000000e-01, v25;
	v8 =	vadd.f32 v31, v8;
	v27 =	vperm.xlane v11, v3  }
0xd7: {  	(erf) = vpow2.f32 v26;
	v28 =	vmul.f32 v30, v28  }
0xd8: {  	v23 =	vld [tilespmem:s4+$0x40];
	v30 =	vperm.xlane v8, v3;
	v11 =	vadd.f32 v27, v11;
	v27 =	vperm.xlane v10, v3  }
0xd9: {  	v26 =	vld [tilespmem:s31+$0x40];
	v25 =	vmul.f32 $1.442695020e+00, v25  }
0xda: {  	v24 =	vmul.f32 v29, v24;
	v8 =	vadd.f32 v30, v8;
	v10 =	vadd.f32 v27, v10  }
0xdb: {  	(erf) = vpow2.f32 v25;
	v11 =	vmul.f32 $2.500000000e-01, v11  }
0xdc: {  	v25 =	vld [tilespmem:s24+$0x180];
	v8 =	vmul.f32 $2.500000000e-01, v8;
	v10 =	vmul.f32 $2.500000000e-01, v10  }
0xdd: {  	v27 =	vperm.xlane v28, v0;
	v11 =	vmul.f32 $1.442695020e+00, v11  }
0xde: {  	v23 =	vmul.f32 v26, v23;
	v8 =	vmul.f32 $1.442695020e+00, v8  }
0xdf: {  	v26 =	vperm.xlane v24, v0;
	v27 =	vadd.f32 v27, v28;
	(erf) = vpow2.f32 v11  }
0xe0: {  	v29 =	vmul.f32 $1.442695020e+00, v10;
	v10 =	vpop (erf);
	(erf) = vpow2.f32 v8  }
0xe1: {  	v28 =	vld [tilespmem:s31+$0x1C0];
	v8 =	vperm.xlane v27, v1;
	v11 =	vmul.f32 v10, v25  }
0xe2: {  	s25 =	simm.s32 $0x3FB0;
	v25 =	vperm.xlane v23, v0  }
0xe3: {  	v24 =	vadd.f32 v26, v24;
	(erf) = vpow2.f32 v29;
	v29 =	vld [tilespmem:s24+$0xFFFFFF80];
	[tilespmem:s25+$0x90] =	vst v11  }
0xe4: {  	v11 =	vadd.f32 v25, v23;
	v25 =	vld [tilespmem:s26+$0x90]  }
0xe5: {  	v26 =	vperm.xlane v24, v1;
	v23 =	vadd.f32 v8, v27;
	v8 =	vpop (erf);
	v27 =	vld [tilespmem:s24+$0x110]  }
0xe6: {  	v31 =	vld [tilespmem:s24+$0xFFFFFE80];
	v28 =	vmul.f32 v8, v28  }
0xe7: {  	v24 =	vadd.f32 v26, v24;
	v30 =	vperm.xlane v11, v1;
	v32 =	vperm.xlane v23, v2  }
0xe8: {  	v26 =	vld [tilespmem:s24+$0x80];
	[tilespmem:s23+$0xD0] =	vst v28  }
0xe9: {  	v11 =	vadd.f32 v30, v11;
	v28 =	vadd.f32 v32, v23;
	v30 =	vperm.xlane v24, v2;
	v23 =	vpop (erf);
	v47 =	vld [tilespmem:s4+$0xD0]  }
0xea: {  	v34 =	vld [tilespmem:s31+$0x150];
	v29 =	vmul.f32 v23, v29;
	v27 =	vmul.f32 v27, v25;
	v25 =	vpop (erf)  }
0xeb: {  	v33 =	vperm.xlane v11, v2;
	v30 =	vadd.f32 v30, v24;
	v31 =	vmul.f32 v25, v31  }
0xec: {  	v35 =	vperm.xlane v28, v3;
	[tilespmem:s25+$0xFFFFFF70] =	vst v29;
	v36 =	vperm.xlane v27, v0  }
0xed: {  	v24 =	vpop (erf);
	v29 =	vperm.xlane v30, v3;
	v11 =	vadd.f32 v33, v11;
	[tilespmem:s25+$0xFFFFFEE0] =	vst v31  }
0xee: {  	v28 =	vadd.f32 v35, v28;
	v26 =	vmul.f32 v24, v26;
	v27 =	vadd.f32 v36, v27;
	v48 =	vld [tilespmem:s26+$0xFFFFFF10]  }
0xef: {  	v32 =	vmul.f32 v34, v47;
	v29 =	vadd.f32 v29, v30;
	v30 =	vperm.xlane v11, v3;
	v49 =	vld [tilespmem:s24+$0xFFFFFE10]  }
0xf0: {  	v51 =	vld [tilespmem:s24+$0xFFFFFF10];
	v28 =	vmul.f32 $2.500000000e-01, v28;
	v50 =	vperm.xlane v27, v1  }
0xf1: {  	v31 =	vld [tilespmem:s26+$0xFFFFFF90];
	[tilespmem:s25+$0x0] =	vst v26;
	v26 =	vperm.xlane v32, v0;
	v29 =	vmul.f32 $2.500000000e-01, v29;
	v11 =	vadd.f32 v30, v11  }
0xf2: {  	v52 =	vld [tilespmem:s24+$0x10];
	v28 =	vmul.f32 $1.442695020e+00, v28;
	v27 =	vadd.f32 v50, v27  }
0xf3: {  	v30 =	vld [tilespmem:s26+$0x10];
	v26 =	vadd.f32 v26, v32;
	v29 =	vmul.f32 $1.442695020e+00, v29;
	v11 =	vmul.f32 $2.500000000e-01, v11  }
0xf4: {  	(erf) = vpow2.f32 v28;
	v33 =	vmul.f32 v49, v48  }
0xf5: {  	v35 =	vperm.xlane v27, v2;
	v37 =	vperm.xlane v26, v1  }
0xf6: {  	v28 =	vmul.f32 v51, v31;
	(erf) = vpow2.f32 v29  }
0xf7: {  	v31 =	vperm.xlane v33, v0;
	v27 =	vadd.f32 v35, v27;
	v26 =	vadd.f32 v37, v26  }
0xf8: {  	v54 =	vperm.xlane v28, v0;
	v29 =	vmul.f32 v52, v30  }
0xf9: {  	v31 =	vadd.f32 v31, v33;
	v30 =	vperm.xlane v27, v3;
	v53 =	vperm.xlane v26, v2  }
0xfa: {  	v11 =	vmul.f32 $1.442695020e+00, v11;
	v28 =	vadd.f32 v54, v28;
	v55 =	vperm.xlane v29, v0  }
0xfb: {  	v27 =	vadd.f32 v30, v27;
	v30 =	vld [tilespmem:s31+$0xFFFFFEC0];
	v32 =	vadd.f32 v53, v26;
	v26 =	vperm.xlane v31, v1  }
0xfc: {  	(erf) = vpow2.f32 v11;
	v33 =	vperm.xlane v28, v1;
	v11 =	vadd.f32 v55, v29  }
0xfd: {  	v27 =	vmul.f32 $2.500000000e-01, v27;
	v29 =	vperm.xlane v32, v3  }
0xfe: {  	v57 =	vperm.xlane v11, v1;
	v31 =	vadd.f32 v26, v31  }
0xff: {  	v56 =	vld [tilespmem:s31+$0xFFFFFFC0];
	v28 =	vadd.f32 v33, v28;
	v27 =	vmul.f32 $1.442695020e+00, v27;
	v26 =	vpop (erf);
	v29 =	vadd.f32 v29, v32  }
0x100: {  	v11 =	vadd.f32 v57, v11;
	v58 =	vperm.xlane v31, v2;
	v30 =	vmul.f32 v26, v30  }
0x101: {  	v29 =	vmul.f32 $2.500000000e-01, v29  }
0x102: {  	v33 =	vperm.xlane v28, v2;
	v35 =	vperm.xlane v11, v2;
	v31 =	vadd.f32 v58, v31;
	[tilespmem:s23+$0xFFFFFF20] =	vst v30  }
0x103: {  	(erf) = vpow2.f32 v27;
	v27 =	vpop (erf);
	v29 =	vmul.f32 $1.442695020e+00, v29;
	v60 =	vld [tilespmem:s4+$0xFFFFFF50]  }
0x104: {  	v28 =	vadd.f32 v33, v28;
	v61 =	vperm.xlane v31, v3;
	v63 =	vld [tilespmem:s31+$0xFFFFFE50];
	v30 =	vmul.f32 v27, v56  }
0x105: {  	v59 =	vld [tilespmem:s31+$0xC0];
	(erf) = vpow2.f32 v29  }
0x106: {  	v62 =	vld [tilespmem:s24+$0x190];
	v29 =	vperm.xlane v28, v3;
	[tilespmem:s23+$0xFFFFFFB0] =	vst v30;
	v30 =	vadd.f32 v61, v31;
	v31 =	vadd.f32 v35, v11  }
0x107: {  	v40 =	vld [tilespmem:s4+$0xFFFFFFD0]  }
0x108: {  	v11 =	vadd.f32 v29, v28;
	v29 =	vld [tilespmem:s31+$0xFFFFFF50];
	v35 =	vperm.xlane v31, v3  }
0x109: {  	v28 =	vpop (erf);
	v30 =	vmul.f32 $2.500000000e-01, v30;
	v42 =	vmul.f32 v63, v60  }
0x10a: {  	v32 =	vmul.f32 v28, v59;
	v38 =	vmul.f32 $2.500000000e-01, v11;
	v31 =	vadd.f32 v35, v31  }
0x10b: {  	v41 =	vld [tilespmem:s31+$0x1D0];
	v30 =	vmul.f32 $1.442695020e+00, v30;
	v45 =	vperm.xlane v42, v0  }
0x10c: {  	v11 =	vpop (erf);
	v43 =	vmul.f32 $1.442695020e+00, v38;
	v31 =	vmul.f32 $2.500000000e-01, v31  }
0x10d: {  	[tilespmem:s23+$0x40] =	vst v32;
	v36 =	vmul.f32 v11, v62;
	v29 =	vmul.f32 v29, v40  }
0x10e: {  	v44 =	vld [tilespmem:s4+$0x50];
	(erf) = vpow2.f32 v30;
	v30 =	vnsel vm0, $0x0, v9;
	v31 =	vmul.f32 $1.442695020e+00, v31  }
0x10f: {  	v48 =	vld [tilespmem:s31+$0x50];
	v32 =	vadd.f32 v45, v42;
	(erf) = vpow2.f32 v43;
	[tilespmem:s25+$0xA0] =	vst v36;
	v9 =	vpop (erf);
	v49 =	vperm.xlane v29, v0  }
0x110: {  	v12 =	vnsel vm0, $0x0, v12;
	v46 =	vld [tilespmem:s26+$0xA0];
	v35 =	vmul.f32 v9, v41;
	(erf) = vpow2.f32 v31  }
0x111: {  	v47 =	vld [tilespmem:s24+$0x120];
	v31 =	vadd.f32 $0.0e+00, v12;
	v12 =	vperm.xlane v32, v1;
	v29 =	vadd.f32 v49, v29  }
0x112: {  	v4 =	vnsel vm0, $0x0, v4;
	v13 =	vnsel vm0, $0x0, v13;
	v39 =	vld [tilespmem:s24+$0xFFFFFE90]  }
0x113: {  	v40 =	vld [tilespmem:s24+$0xFFFFFF90];
	v30 =	vadd.f32 $0.0e+00, v30;
	[tilespmem:s23+$0xE0] =	vst v35;
	v32 =	vadd.f32 v12, v32;
	v12 =	vperm.xlane v29, v1  }
0x114: {  	v13 =	vadd.f32 $0.0e+00, v13;
	v14 =	vsel vm1, $0x0, v14;
	v15 =	vsel vm1, $0x0, v15;
	v35 =	vld [tilespmem:s4+$0xE0]  }
0x115: {  	v16 =	vsel vm1, $0x0, v16;
	v30 =	vadd.f32 v15, v30;
	v15 =	vmul.f32 v48, v44;
	v50 =	vld [tilespmem:s31+$0x160]  }
0x116: {  	v13 =	vadd.f32 v14, v13;
	v16 =	vadd.f32 v16, v31;
	v33 =	vmul.f32 v47, v46  }
0x117: {  	v31 =	vperm.xlane v15, v0;
	v52 =	vperm.xlane v32, v2;
	v29 =	vadd.f32 v12, v29;
	v12 =	vpop (erf)  }
0x118: {  	v19 =	vsel vm2, $0x0, v19;
	v51 =	vld [tilespmem:s24+$0x90];
	v53 =	vperm.xlane v33, v0;
	v39 =	vmul.f32 v12, v39  }
0x119: {  	v31 =	vadd.f32 v31, v15;
	v32 =	vadd.f32 v52, v32;
	v54 =	vperm.xlane v29, v2;
	v14 =	vpop (erf)  }
0x11a: {  	v35 =	vmul.f32 v50, v35;
	v33 =	vadd.f32 v53, v33;
	v55 =	vmul.f32 v14, v40;
	[tilespmem:s25+$0xFFFFFEF0] =	vst v39  }
0x11b: {  	v60 =	vperm.xlane v31, v1;
	v56 =	vperm.xlane v32, v3;
	v29 =	vadd.f32 v54, v29;
	v57 =	vld [tilespmem:s26+$0xFFFFFF20]  }
0x11c: {  	v13 =	vadd.f32 v19, v13;
	v15 =	vpop (erf);
	v59 =	vperm.xlane v35, v0;
	v58 =	vperm.xlane v33, v1;
	v41 =	vld [tilespmem:s24+$0xFFFFFE20];
	[tilespmem:s25+$0xFFFFFF80] =	vst v55  }
0x11d: {  	v31 =	vadd.f32 v60, v31;
	v34 =	vmul.f32 v15, v51;
	v42 =	vperm.xlane v29, v3;
	v43 =	vld [tilespmem:s26+$0xFFFFFFA0]  }
0x11e: {  	v18 =	vsel vm2, $0x0, v18;
	v32 =	vadd.f32 v56, v32;
	v62 =	vld [tilespmem:s24+$0xFFFFFF20];
	v33 =	vadd.f32 v58, v33  }
0x11f: {  	v48 =	vperm.xlane v31, v2;
	v61 =	vadd.f32 v59, v35;
	[tilespmem:s25+$0x10] =	vst v34;
	v29 =	vadd.f32 v42, v29  }
0x120: {  	v17 =	vsel vm2, $0x0, v17;
	v32 =	vmul.f32 $2.500000000e-01, v32;
	v63 =	vld [tilespmem:s26+$0x20];
	v45 =	vperm.xlane v33, v2  }
0x121: {  	v21 =	vsel vm3, $0x0, v21;
	v46 =	vperm.xlane v61, v1;
	v47 =	vld [tilespmem:s24+$0x20];
	v29 =	vmul.f32 $2.500000000e-01, v29  }
0x122: {  	v32 =	vmul.f32 $1.442695020e+00, v32;
	v37 =	vmul.f32 v41, v57;
	v33 =	vadd.f32 v45, v33  }
0x123: {  	v34 =	vadd.f32 v46, v61;
	v19 =	vmul.f32 v62, v43;
	v29 =	vmul.f32 $1.442695020e+00, v29  }
0x124: {  	v18 =	vadd.f32 v18, v30;
	(erf) = vpow2.f32 v32;
	v49 =	vperm.xlane v33, v3  }
0x125: {  	v16 =	vadd.f32 v17, v16;
	v30 =	vperm.xlane v34, v2;
	v50 =	vperm.xlane v37, v0  }
0x126: {  	v36 =	vmul.f32 v47, v63;
	v52 =	vperm.xlane v19, v0;
	v33 =	vadd.f32 v49, v33  }
0x127: {  	(erf) = vpow2.f32 v29;
	v30 =	vadd.f32 v30, v34;
	v51 =	vadd.f32 v50, v37  }
0x128: {  	v31 =	vadd.f32 v48, v31;
	v17 =	vperm.xlane v36, v0;
	v33 =	vmul.f32 $2.500000000e-01, v33  }
0x129: {  	v19 =	vadd.f32 v52, v19;
	v53 =	vperm.xlane v30, v3;
	v38 =	vperm.xlane v51, v1  }
0x12a: {  	v29 =	vperm.xlane v31, v3;
	v17 =	vadd.f32 v17, v36;
	v54 =	vmul.f32 $1.442695020e+00, v33  }
0x12b: {  	v56 =	vperm.xlane v19, v1;
	v55 =	vadd.f32 v38, v51;
	v30 =	vadd.f32 v53, v30  }
0x12c: {  	v29 =	vadd.f32 v29, v31;
	v31 =	vperm.xlane v17, v1;
	(erf) = vpow2.f32 v54  }
0x12d: {  	v19 =	vadd.f32 v56, v19;
	v57 =	vperm.xlane v55, v2;
	v30 =	vmul.f32 $2.500000000e-01, v30  }
0x12e: {  	v21 =	vadd.f32 v21, v13;
	v29 =	vmul.f32 $2.500000000e-01, v29;
	v17 =	vadd.f32 v31, v17  }
0x12f: {  	v60 =	vld [tilespmem:s31+$0xFFFFFED0];
	v58 =	vperm.xlane v19, v2;
	v32 =	vadd.f32 v57, v55;
	v30 =	vmul.f32 $1.442695020e+00, v30  }
0x130: {  	v22 =	vsel vm3, $0x0, v22;
	v13 =	vmul.f32 $1.442695020e+00, v29;
	v29 =	vperm.xlane v17, v2  }
0x131: {  	v59 =	vld [tilespmem:s24+$0x1A0];
	v19 =	vadd.f32 v58, v19;
	v31 =	vperm.xlane v32, v3;
	(erf) = vpow2.f32 v30  }
0x132: {  	v20 =	vsel vm3, $0x0, v20;
	v18 =	vadd.f32 v22, v18;
	v17 =	vadd.f32 v29, v17  }
0x133: {  	v22 =	vld [tilespmem:s31+$0xFFFFFFD0];
	v61 =	vperm.xlane v19, v3;
	(erf) = vpow2.f32 v13;
	v30 =	vpop (erf);
	v31 =	vadd.f32 v31, v32  }
0x134: {  	v20 =	vadd.f32 v20, v16;
	v29 =	vpop (erf);
	v16 =	vperm.xlane v17, v3;
	v34 =	vmul.f32 v30, v60  }
0x135: {  	v23 =	vnsel vm0, $0x0, v23;
	v41 =	vld [tilespmem:s31+$0x1E0];
	v19 =	vadd.f32 v61, v19;
	v31 =	vmul.f32 $2.500000000e-01, v31;
	v13 =	vpop (erf)  }
0x136: {  	v25 =	vnsel vm0, $0x0, v25;
	v62 =	vld [tilespmem:s31+$0xD0];
	v16 =	vadd.f32 v16, v17;
	[tilespmem:s23+$0xFFFFFF30] =	vst v34;
	v33 =	vmul.f32 v13, v59  }
0x137: {  	v25 =	vadd.f32 $0.0e+00, v25;
	v19 =	vmul.f32 $2.500000000e-01, v19;
	v31 =	vmul.f32 $1.442695020e+00, v31;
	v44 =	vld [tilespmem:s4+$0xFFFFFF60]  }
0x138: {  	v26 =	vsel vm4, $0x0, v26;
	v22 =	vmul.f32 v29, v22;
	v45 =	vld [tilespmem:s31+$0xFFFFFE60];
	v16 =	vmul.f32 $2.500000000e-01, v16;
	[tilespmem:s25+$0xB0] =	vst v33  }
0x139: {  	v17 =	vnsel vm0, $0x0, v24;
	v19 =	vmul.f32 $1.442695020e+00, v19;
	(erf) = vpow2.f32 v31;
	v24 =	vld [tilespmem:s26+$0xB0]  }
0x13a: {  	v12 =	vsel vm1, $0x0, v12;
	v42 =	vadd.f32 $0.0e+00, v23;
	v23 =	vpop (erf);
	v16 =	vmul.f32 $1.442695020e+00, v16;
	v31 =	vld [tilespmem:s24+$0x130]  }
0x13b: {  	v63 =	vld [tilespmem:s24+$0xFFFFFEA0];
	[tilespmem:s23+$0xFFFFFFC0] =	vst v22;
	v22 =	vsel vm4, $0x0, v28;
	(erf) = vpow2.f32 v19;
	v28 =	vmul.f32 v23, v41  }
0x13c: {  	v14 =	vsel vm1, $0x0, v14;
	v15 =	vsel vm1, $0x0, v15;
	v43 =	vadd.f32 $0.0e+00, v17;
	v46 =	vld [tilespmem:s31+$0xFFFFFF60]  }
0x13d: {  	v17 =	vadd.f32 v12, v25;
	v19 =	vsel vm4, $0x0, v27;
	v27 =	vld [tilespmem:s4+$0xFFFFFFE0];
	v12 =	vpop (erf);
	(erf) = vpow2.f32 v16;
	[tilespmem:s23+$0xF0] =	vst v28  }
0x13e: {  	v16 =	vadd.f32 v14, v42;
	v14 =	vadd.f32 v15, v43;
	v15 =	vmul.f32 v12, v62;
	v25 =	vld [tilespmem:s4+$0xF0]  }
0x13f: {  	v21 =	vadd.f32 v26, v21;
	v26 =	vmul.f32 v45, v44;
	v28 =	vld [tilespmem:s31+$0x170];
	v24 =	vmul.f32 v31, v24  }
0x140: {  	v4 =	vadd.f32 $0.0e+00, v4;
	v47 =	vld [tilespmem:s24+$0xFFFFFFA0]  }
0x141: {  	v30 =	vsel vm5, $0x0, v30;
	[tilespmem:s23+$0x50] =	vst v15;
	v15 =	vperm.xlane v26, v0;
	v31 =	vperm.xlane v24, v0  }
0x142: {  	v48 =	vld [tilespmem:s24+$0xA0];
	v18 =	vadd.f32 v19, v18;
	v19 =	vadd.f32 v22, v20;
	v20 =	vmul.f32 v46, v27;
	v27 =	vpop (erf)  }
0x143: {  	v22 =	vld [tilespmem:s4+$0x60];
	v26 =	vadd.f32 v15, v26;
	v49 =	vmul.f32 v27, v63;
	v24 =	vadd.f32 v31, v24  }
0x144: {  	v15 =	vadd.f32 v30, v21;
	v50 =	vperm.xlane v20, v0;
	v51 =	vpop (erf);
	v21 =	vmul.f32 v28, v25;
	v31 =	vld [tilespmem:s31+$0x60]  }
0x145: {  	v5 =	vsel vm1, $0x0, v5;
	v25 =	vmul.f32 v51, v47;
	[tilespmem:s25+$0xFFFFFF00] =	vst v49;
	v52 =	vperm.xlane v24, v1  }
0x146: {  	v29 =	vsel vm5, $0x0, v29;
	v12 =	vsel vm5, $0x0, v12;
	v20 =	vadd.f32 v50, v20;
	v30 =	vpop (erf);
	v33 =	vld [tilespmem:s26+$0xFFFFFF30]  }
0x147: {  	v28 =	vperm.xlane v26, v1;
	[tilespmem:s25+$0xFFFFFF90] =	vst v25;
	v25 =	vmul.f32 v30, v48;
	v54 =	vld [tilespmem:s24+$0xFFFFFE30];
	v24 =	vadd.f32 v52, v24  }
0x148: {  	v18 =	vadd.f32 v29, v18;
	v53 =	vperm.xlane v21, v0;
	v55 =	vperm.xlane v20, v1;
	v29 =	vld [tilespmem:s26+$0xFFFFFFB0]  }
0x149: {  	v12 =	vadd.f32 v12, v19;
	[tilespmem:s25+$0x20] =	vst v25;
	v25 =	vld [tilespmem:s24+$0xFFFFFF30];
	v22 =	vmul.f32 v31, v22;
	v31 =	vperm.xlane v24, v2  }
0x14a: {  	v19 =	vsel vm2, $0x0, v27;
	v26 =	vadd.f32 v28, v26;
	v21 =	vadd.f32 v53, v21;
	v56 =	vld [tilespmem:s26+$0x30]  }
0x14b: {  	v27 =	vadd.f32 v55, v20;
	v57 =	vld [tilespmem:s24+$0x30];
	v28 =	vperm.xlane v22, v0;
	v24 =	vadd.f32 v31, v24  }
0x14c: {  	v4 =	vadd.f32 v5, v4;
	v58 =	vperm.xlane v26, v2;
	v31 =	vperm.xlane v21, v1  }
0x14d: {  	v59 =	vperm.xlane v27, v2;
	v28 =	vadd.f32 v28, v22;
	v22 =	vperm.xlane v24, v3  }
0x14e: {  	v26 =	vadd.f32 v58, v26;
	v32 =	vmul.f32 v54, v33;
	v21 =	vadd.f32 v31, v21  }
0x14f: {  	v25 =	vmul.f32 v25, v29;
	v31 =	vperm.xlane v28, v1;
	v24 =	vadd.f32 v22, v24  }
0x150: {  	v29 =	vmul.f32 v57, v56;
	v60 =	vperm.xlane v21, v2;
	v22 =	vsel vm2, $0x0, v30  }
0x151: {  	v28 =	vadd.f32 v31, v28;
	v31 =	vperm.xlane v25, v0;
	v24 =	vmul.f32 $2.500000000e-01, v24  }
0x152: {  	v30 =	vperm.xlane v32, v0;
	v61 =	vperm.xlane v29, v0;
	v21 =	vadd.f32 v60, v21  }
0x153: {  	v25 =	vadd.f32 v31, v25;
	v31 =	vperm.xlane v28, v2;
	v24 =	vmul.f32 $1.442695020e+00, v24  }
0x154: {  	v30 =	vadd.f32 v30, v32;
	v29 =	vadd.f32 v61, v29;
	v36 =	vperm.xlane v21, v3  }
0x155: {  	v63 =	vperm.xlane v25, v1;
	v28 =	vadd.f32 v31, v28;
	(erf) = vpow2.f32 v24  }
0x156: {  	v31 =	vperm.xlane v29, v1;
	v24 =	vadd.f32 v59, v27;
	v27 =	vperm.xlane v30, v1  }
0x157: {  	v62 =	vperm.xlane v26, v3;
	v21 =	vadd.f32 v36, v21;
	v25 =	vadd.f32 v63, v25  }
0x158: {  	v29 =	vadd.f32 v31, v29;
	v27 =	vadd.f32 v27, v30  }
0x159: {  	v26 =	vadd.f32 v62, v26;
	v21 =	vmul.f32 $2.500000000e-01, v21;
	v32 =	vperm.xlane v25, v2  }
0x15a: {  	v6 =	vsel vm2, $0x0, v6;
	v37 =	vld [tilespmem:s24+$0x1B0];
	v38 =	vperm.xlane v29, v2;
	v31 =	vperm.xlane v27, v2  }
0x15b: {  	v26 =	vmul.f32 $2.500000000e-01, v26;
	v35 =	vperm.xlane v24, v3;
	v25 =	vadd.f32 v32, v25  }
0x15c: {  	v30 =	vperm.xlane v28, v3;
	v29 =	vadd.f32 v38, v29;
	v27 =	vadd.f32 v31, v27  }
0x15d: {  	v4 =	vadd.f32 v6, v4;
	v31 =	vmul.f32 $1.442695020e+00, v21;
	v40 =	vperm.xlane v25, v3  }
0x15e: {  	s28 =	simm.s32 $0x550;
	v28 =	vadd.f32 v30, v28;
	v30 =	vperm.xlane v29, v3;
	v39 =	vperm.xlane v27, v3;
	v21 =	vpop (erf)  }
0x15f: {  	s30 =	simm.s32 $0x1E50;
	v24 =	vadd.f32 v35, v24;
	(erf) = vpow2.f32 v31;
	v31 =	vld [tilespmem:s28+$0x80];
	v33 =	vmul.f32 v21, v37  }
0x160: {  	v29 =	vadd.f32 v30, v29;
	v30 =	vld [tilespmem:s30+$0x100];
	v27 =	vadd.f32 v39, v27  }
0x161: {  	v7 =	vsel vm3, $0x0, v7;
	v26 =	vmul.f32 $1.442695020e+00, v26;
	v25 =	vadd.f32 v40, v25;
	[tilespmem:s25+$0xC0] =	vst v33  }
0x162: {  	v4 =	vadd.f32 v7, v4;
	v24 =	vmul.f32 $2.500000000e-01, v24;
	v5 =	vmul.f32 $2.500000000e-01, v27;
	v27 =	vld [tilespmem:s26+$0xC0]  }
0x163: {  	v8 =	vsel vm4, $0x0, v8;
	v28 =	vmul.f32 $2.500000000e-01, v28;
	v25 =	vmul.f32 $2.500000000e-01, v25;
	v41 =	vld [tilespmem:s24+$0x140]  }
0x164: {  	v4 =	vadd.f32 v8, v4;
	v8 =	vld [tilespmem:s28+$0x0];
	v29 =	vmul.f32 $2.500000000e-01, v29;
	v5 =	vmul.f32 $1.442695020e+00, v5  }
0x165: {  	v42 =	vld [tilespmem:s30+$0xFFFFFE00];
	v6 =	vmul.f32 $1.442695020e+00, v25;
	v7 =	vmul.f32 v30, v31  }
0x166: {  	v25 =	vld [tilespmem:s31+$0x1F0];
	v29 =	vmul.f32 $1.442695020e+00, v29;
	(erf) = vpow2.f32 v5  }
0x167: {  	v5 =	vld [tilespmem:s28+$0xFFFFFF80];
	v30 =	vperm.xlane v7, v0;
	(erf) = vpow2.f32 v6  }
0x168: {  	v6 =	vmul.f32 $1.442695020e+00, v24;
	v24 =	vld [tilespmem:s30+$0xFFFFFF00];
	v27 =	vmul.f32 v41, v27  }
0x169: {  	v9 =	vsel vm5, $0x0, v9;
	v28 =	vmul.f32 $1.442695020e+00, v28;
	(erf) = vpow2.f32 v29;
	v29 =	vld [tilespmem:s30+$0x0]  }
0x16a: {  	v7 =	vadd.f32 v30, v7;
	(erf) = vpow2.f32 v26;
	v26 =	vld [tilespmem:s28+$0xFFFFFF00];
	v30 =	vperm.xlane v27, v0  }
0x16b: {  	v4 =	vadd.f32 v9, v4;
	v9 =	vsel vm6, $0x0, v23;
	(erf) = vpow2.f32 v6  }
0x16c: {  	v31 =	vpop (erf);
	(erf) = vpow2.f32 v28;
	v28 =	vperm.xlane v7, v1;
	v27 =	vadd.f32 v30, v27  }
0x16d: {  	v4 =	vadd.f32 v9, v4;
	v23 =	vmul.f32 v31, v25;
	v6 =	vld [tilespmem:s24+$0xFFFFFEB0];
	v5 =	vmul.f32 v24, v5  }
0x16e: {  	v9 =	vld [tilespmem:s24+$0xFFFFFFB0];
	v8 =	vmul.f32 v29, v8;
	v7 =	vadd.f32 v28, v7;
	v24 =	vperm.xlane v27, v1  }
0x16f: {  	v26 =	vmul.f32 v42, v26;
	v28 =	vperm.xlane v5, v0  }
0x170: {  	v25 =	vsel vm7, $0x0, v31;
	v31 =	vperm.xlane v8, v0;
	v43 =	vperm.xlane v7, v2  }
0x171: {  	v29 =	vld [tilespmem:s24+$0xB0];
	v30 =	vpop (erf);
	v24 =	vadd.f32 v24, v27;
	v27 =	vperm.xlane v26, v0;
	v5 =	vadd.f32 v28, v5  }
0x172: {  	v6 =	vmul.f32 v30, v6;
	v44 =	vpop (erf);
	v8 =	vadd.f32 v31, v8;
	v7 =	vadd.f32 v43, v7  }
0x173: {  	v9 =	vmul.f32 v44, v9;
	v31 =	vperm.xlane v24, v2;
	v26 =	vadd.f32 v27, v26  }
0x174: {  	v27 =	vperm.xlane v5, v1;
	[tilespmem:s25+$0xFFFFFF10] =	vst v6;
	v47 =	vperm.xlane v7, v3  }
0x175: {  	v46 =	vpop (erf);
	v6 =	vperm.xlane v8, v1;
	v24 =	vadd.f32 v31, v24;
	v31 =	vld [tilespmem:s26+$0xFFFFFF40];
	v48 =	vperm.xlane v26, v1  }
0x176: {  	v5 =	vadd.f32 v27, v5;
	v27 =	vmul.f32 v46, v29;
	v29 =	vld [tilespmem:s24+$0xFFFFFE40];
	v7 =	vadd.f32 v47, v7  }
0x177: {  	[tilespmem:s25+$0xFFFFFFA0] =	vst v9;
	v6 =	vadd.f32 v6, v8;
	v8 =	vperm.xlane v24, v3;
	v9 =	vadd.f32 v48, v26  }
0x178: {  	v45 =	vld [tilespmem:s31+$0xFFFFFFE0];
	v17 =	vadd.f32 v19, v17;
	v26 =	vperm.xlane v5, v2;
	v7 =	vmul.f32 $2.500000000e-01, v7  }
0x179: {  	v20 =	vsel vm2, $0x0, v51;
	v28 =	vld [tilespmem:s31+$0xFFFFFEE0];
	[tilespmem:s25+$0x30] =	vst v27;
	v8 =	vadd.f32 v8, v24;
	v27 =	vperm.xlane v9, v2  }
0x17a: {  	v51 =	vld [tilespmem:s26+$0xFFFFFFC0];
	v52 =	vperm.xlane v6, v2;
	v5 =	vadd.f32 v26, v5;
	v7 =	vmul.f32 $1.442695020e+00, v7  }
0x17b: {  	v24 =	vld [tilespmem:s24+$0xFFFFFF40];
	v31 =	vmul.f32 v29, v31;
	v8 =	vmul.f32 $2.500000000e-01, v8;
	v9 =	vadd.f32 v27, v9  }
0x17c: {  	v49 =	vpop (erf);
	v53 =	vld [tilespmem:s26+$0x40];
	v6 =	vadd.f32 v52, v6;
	v27 =	vperm.xlane v5, v3;
	(erf) = vpow2.f32 v7  }
0x17d: {  	v54 =	vld [tilespmem:s24+$0x40];
	v29 =	vadd.f32 v25, v4;
	v4 =	vmul.f32 $1.442695020e+00, v8;
	v7 =	vperm.xlane v9, v3  }
0x17e: {  	v14 =	vadd.f32 v22, v14;
	v28 =	vmul.f32 v49, v28;
	v5 =	vadd.f32 v27, v5  }
0x17f: {  	v50 =	vpop (erf);
	v8 =	vperm.xlane v6, v3;
	(erf) = vpow2.f32 v4;
	v4 =	vadd.f32 v7, v9  }
0x180: {  	v22 =	vsel vm3, $0x0, v30;
	v26 =	vmul.f32 v50, v45;
	v25 =	vld [tilespmem:s31+$0xE0];
	v19 =	vmul.f32 v24, v51  }
0x181: {  	v30 =	vld [tilespmem:s24+$0x1C0];
	[tilespmem:s23+$0xFFFFFF40] =	vst v28;
	v5 =	vmul.f32 $2.500000000e-01, v5;
	v6 =	vadd.f32 v8, v6;
	v4 =	vmul.f32 $2.500000000e-01, v4  }
0x182: {  	v55 =	vld [tilespmem:s31+$0xFFFFFE70];
	v8 =	vadd.f32 v20, v16;
	v7 =	vperm.xlane v31, v0;
	v16 =	vmul.f32 v54, v53  }
0x183: {  	[tilespmem:s23+$0xFFFFFFD0] =	vst v26;
	v20 =	vld [tilespmem:s30+$0x180];
	v5 =	vmul.f32 $1.442695020e+00, v5;
	v4 =	vmul.f32 $1.442695020e+00, v4  }
0x184: {  	v56 =	vld [tilespmem:s4+$0xFFFFFFF0];
	v24 =	vperm.xlane v19, v0;
	v6 =	vmul.f32 $2.500000000e-01, v6;
	v28 =	vadd.f32 v7, v31;
	v31 =	vpop (erf)  }
0x185: {  	v27 =	vld [tilespmem:s4+$0xFFFFFF70];
	v25 =	vmul.f32 v31, v25;
	(erf) = vpow2.f32 v5  }
0x186: {  	v9 =	vld [tilespmem:s30+$0xFFFFFE80];
	v7 =	vadd.f32 v22, v17;
	v6 =	vmul.f32 $1.442695020e+00, v6;
	v5 =	vperm.xlane v16, v0  }
0x187: {  	v22 =	vld [tilespmem:s31+$0xFFFFFF70];
	v19 =	vadd.f32 v24, v19;
	v17 =	vperm.xlane v28, v1;
	[tilespmem:s23+$0x60] =	vst v25;
	(erf) = vpow2.f32 v4;
	v4 =	vpop (erf)  }
0x188: {  	v26 =	vsel vm3, $0x0, v44;
	v63 =	vld [tilespmem:s4+$0x70];
	(erf) = vpow2.f32 v6;
	v20 =	vmul.f32 v4, v20  }
0x189: {  	s29 =	simm.s32 $0x41F0;
	v8 =	vadd.f32 v26, v8;
	v26 =	vperm.xlane v19, v1;
	v17 =	vadd.f32 v17, v28;
	v45 =	vld [tilespmem:s31+$0x70]  }
0x18a: {  	v27 =	vmul.f32 v55, v27;
	v5 =	vadd.f32 v5, v16;
	v6 =	vld [tilespmem:s30+$0xFFFFFF80];
	v24 =	vpop (erf);
	[tilespmem:s29+$0x90] =	vst v20  }
0x18b: {  	v26 =	vadd.f32 v26, v19;
	v57 =	vperm.xlane v17, v2;
	v20 =	vmul.f32 v24, v30;
	v30 =	vld [tilespmem:s28+$0x90]  }
0x18c: {  	v22 =	vmul.f32 v22, v56;
	v28 =	vperm.xlane v5, v1;
	v58 =	vld [tilespmem:s30+$0x110]  }
0x18d: {  	v16 =	vld [tilespmem:s30+$0x80];
	[tilespmem:s25+$0xD0] =	vst v20;
	v20 =	vadd.f32 v57, v17;
	v17 =	vperm.xlane v26, v2  }
0x18e: {  	v25 =	vperm.xlane v27, v0;
	v62 =	vperm.xlane v22, v0;
	v5 =	vadd.f32 v28, v5;
	v37 =	vpop (erf);
	v28 =	vld [tilespmem:s26+$0xD0]  }
0x18f: {  	v34 =	vsel vm3, $0x0, v46;
	v38 =	vmul.f32 v45, v63;
	v60 =	vld [tilespmem:s24+$0x150];
	v6 =	vmul.f32 v37, v6  }
0x190: {  	v59 =	vsel vm6, $0x0, v49;
	v61 =	vperm.xlane v5, v2;
	v44 =	vperm.xlane v20, v3;
	v40 =	vpop (erf)  }
0x191: {  	v26 =	vadd.f32 v17, v26;
	v9 =	vmul.f32 v40, v9;
	[tilespmem:s29+$0xFFFFFF70] =	vst v6;
	v30 =	vmul.f32 v58, v30;
	v17 =	vpop (erf)  }
0x192: {  	v5 =	vadd.f32 v61, v5;
	v46 =	vadd.f32 v44, v20;
	v49 =	vld [tilespmem:s30+$0xFFFFFF10];
	v6 =	vmul.f32 v17, v16  }
0x193: {  	v20 =	vsel vm6, $0x0, v31;
	v16 =	vperm.xlane v26, v3;
	[tilespmem:s29+$0xFFFFFEE0] =	vst v9;
	v9 =	vld [tilespmem:s28+$0xFFFFFF90];
	v31 =	vperm.xlane v30, v0  }
0x194: {  	v19 =	vsel vm6, $0x0, v50;
	v28 =	vmul.f32 v60, v28;
	v47 =	vld [tilespmem:s28+$0xFFFFFF10];
	v32 =	vmul.f32 $2.500000000e-01, v46  }
0x195: {  	v48 =	vld [tilespmem:s30+$0xFFFFFE10];
	v16 =	vadd.f32 v16, v26;
	v26 =	vperm.xlane v5, v3;
	v30 =	vadd.f32 v31, v30  }
0x196: {  	[tilespmem:s29+$0x0] =	vst v6;
	v6 =	vadd.f32 v59, v15;
	v31 =	vperm.xlane v28, v0;
	v32 =	vmul.f32 $1.442695020e+00, v32  }
0x197: {  	v15 =	vld [tilespmem:s30+$0x10];
	v16 =	vmul.f32 $2.500000000e-01, v16;
	v5 =	vadd.f32 v26, v5;
	v50 =	vperm.xlane v30, v1  }
0x198: {  	v26 =	vld [tilespmem:s28+$0x10];
	v28 =	vadd.f32 v31, v28;
	(erf) = vpow2.f32 v32;
	v9 =	vmul.f32 v49, v9  }
0x199: {  	v16 =	vmul.f32 $1.442695020e+00, v16;
	v5 =	vmul.f32 $2.500000000e-01, v5;
	v30 =	vadd.f32 v50, v30  }
0x19a: {  	v25 =	vadd.f32 v25, v27;
	v27 =	vmul.f32 v48, v47;
	v51 =	vperm.xlane v28, v1  }
0x19b: {  	v5 =	vmul.f32 $1.442695020e+00, v5;
	v52 =	vperm.xlane v30, v2  }
0x19c: {  	v33 =	vperm.xlane v27, v0;
	(erf) = vpow2.f32 v16;
	v28 =	vadd.f32 v51, v28  }
0x19d: {  	v15 =	vmul.f32 v15, v26;
	(erf) = vpow2.f32 v5;
	v16 =	vadd.f32 v52, v30  }
0x19e: {  	v27 =	vadd.f32 v33, v27;
	v26 =	vperm.xlane v28, v2;
	v30 =	vperm.xlane v9, v0  }
0x19f: {  	v22 =	vadd.f32 v62, v22;
	v53 =	vperm.xlane v15, v0;
	v54 =	vperm.xlane v16, v3  }
0x1a0: {  	v5 =	vld [tilespmem:s24+$0xFFFFFEC0];
	v26 =	vadd.f32 v26, v28;
	v28 =	vperm.xlane v27, v1;
	v9 =	vadd.f32 v30, v9  }
0x1a1: {  	v57 =	vperm.xlane v22, v1;
	v15 =	vadd.f32 v53, v15;
	v16 =	vadd.f32 v54, v16  }
0x1a2: {  	v55 =	vld [tilespmem:s24+$0xFFFFFFC0];
	v56 =	vperm.xlane v26, v3;
	v27 =	vadd.f32 v28, v27;
	v28 =	vperm.xlane v9, v1  }
0x1a3: {  	v22 =	vadd.f32 v57, v22;
	v31 =	vperm.xlane v38, v0;
	v30 =	vperm.xlane v25, v1  }
0x1a4: {  	v58 =	vpop (erf);
	v59 =	vperm.xlane v15, v1;
	v16 =	vmul.f32 $2.500000000e-01, v16;
	v26 =	vadd.f32 v56, v26  }
0x1a5: {  	v60 =	vld [tilespmem:s24+$0xC0];
	v5 =	vmul.f32 v58, v5;
	v61 =	vperm.xlane v27, v2;
	v9 =	vadd.f32 v28, v9  }
0x1a6: {  	v15 =	vadd.f32 v59, v15;
	v16 =	vmul.f32 $1.442695020e+00, v16;
	v26 =	vmul.f32 $2.500000000e-01, v26;
	v28 =	vpop (erf)  }
0x1a7: {  	[tilespmem:s25+$0xFFFFFF20] =	vst v5;
	v27 =	vadd.f32 v61, v27;
	v62 =	vperm.xlane v9, v2;
	v5 =	vmul.f32 v28, v55  }
0x1a8: {  	v31 =	vadd.f32 v31, v38;
	v44 =	vld [tilespmem:s24+$0xFFFFFE50];
	v43 =	vperm.xlane v15, v2;
	(erf) = vpow2.f32 v16  }
0x1a9: {  	v63 =	vpop (erf);
	v16 =	vld [tilespmem:s26+$0xFFFFFF50];
	v26 =	vmul.f32 $1.442695020e+00, v26;
	v42 =	vperm.xlane v27, v3;
	v9 =	vadd.f32 v62, v9;
	[tilespmem:s25+$0xFFFFFFB0] =	vst v5  }
0x1aa: {  	v25 =	vadd.f32 v30, v25;
	v30 =	vmul.f32 v63, v60;
	v15 =	vadd.f32 v43, v15;
	v5 =	vld [tilespmem:s26+$0xFFFFFFD0]  }
0x1ab: {  	(erf) = vpow2.f32 v26;
	v26 =	vadd.f32 v42, v27;
	v27 =	vperm.xlane v9, v3;
	v45 =	vld [tilespmem:s24+$0xFFFFFF50]  }
0x1ac: {  	v49 =	vperm.xlane v22, v2;
	v48 =	vld [tilespmem:s30+$0x190];
	v47 =	vperm.xlane v31, v1;
	[tilespmem:s25+$0x40] =	vst v30  }
0x1ad: {  	v51 =	vld [tilespmem:s26+$0x50];
	v26 =	vmul.f32 $2.500000000e-01, v26;
	v9 =	vadd.f32 v27, v9;
	v27 =	vperm.xlane v15, v3  }
0x1ae: {  	v46 =	vperm.xlane v25, v2;
	v53 =	vld [tilespmem:s24+$0x50];
	v39 =	vmul.f32 v44, v16  }
0x1af: {  	v26 =	vmul.f32 $1.442695020e+00, v26;
	v16 =	vmul.f32 $2.500000000e-01, v9;
	v15 =	vadd.f32 v27, v15  }
0x1b0: {  	v30 =	vperm.xlane v39, v0;
	v50 =	vmul.f32 v45, v5  }
0x1b1: {  	v14 =	vadd.f32 v34, v14;
	v27 =	vld [tilespmem:s24+$0x1D0];
	v52 =	vmul.f32 $1.442695020e+00, v16;
	v15 =	vmul.f32 $2.500000000e-01, v15;
	v5 =	vpop (erf)  }
0x1b2: {  	v33 =	vadd.f32 v46, v25;
	(erf) = vpow2.f32 v26;
	v38 =	vmul.f32 v5, v48  }
0x1b3: {  	v56 =	vmul.f32 v53, v51;
	v25 =	vperm.xlane v50, v0;
	v30 =	vadd.f32 v30, v39  }
0x1b4: {  	v31 =	vadd.f32 v47, v31;
	v15 =	vmul.f32 $1.442695020e+00, v15;
	(erf) = vpow2.f32 v52;
	[tilespmem:s29+$0xA0] =	vst v38  }
0x1b5: {  	v62 =	vperm.xlane v56, v0;
	v32 =	vpop (erf);
	v55 =	vadd.f32 v25, v50;
	v57 =	vperm.xlane v30, v1;
	v38 =	vld [tilespmem:s28+$0xA0]  }
0x1b6: {  	v26 =	vmul.f32 v32, v27;
	v27 =	vadd.f32 v49, v22;
	(erf) = vpow2.f32 v15;
	v15 =	vld [tilespmem:s30+$0x120]  }
0x1b7: {  	v54 =	vld [tilespmem:s30+$0xFFFFFE90];
	v22 =	vsel vm4, $0x0, v28;
	v28 =	vperm.xlane v31, v2;
	v30 =	vadd.f32 v57, v30  }
0x1b8: {  	v37 =	vnsel vm0, $0x0, v37;
	v61 =	vld [tilespmem:s30+$0xFFFFFF90];
	v25 =	vsel vm4, $0x0, v58;
	v34 =	vadd.f32 v62, v56;
	[tilespmem:s25+$0xE0] =	vst v26  }
0x1b9: {  	v59 =	vperm.xlane v55, v1;
	v28 =	vadd.f32 v28, v31;
	v58 =	vld [tilespmem:s26+$0xE0];
	v31 =	vperm.xlane v30, v2  }
0x1ba: {  	v26 =	vsel vm4, $0x0, v63;
	v63 =	vperm.xlane v33, v3;
	v44 =	vperm.xlane v27, v3;
	v60 =	vld [tilespmem:s24+$0x160]  }
0x1bb: {  	v48 =	vld [tilespmem:s30+$0x90];
	v39 =	vadd.f32 v59, v55;
	v30 =	vadd.f32 v31, v30;
	v15 =	vmul.f32 v15, v38;
	v38 =	vpop (erf)  }
0x1bc: {  	v40 =	vnsel vm0, $0x0, v40;
	v51 =	vperm.xlane v34, v1;
	v49 =	vmul.f32 v38, v54  }
0x1bd: {  	v16 =	vadd.f32 $0.0e+00, v37;
	v50 =	vperm.xlane v39, v2;
	v37 =	vpop (erf);
	v54 =	vperm.xlane v30, v3  }
0x1be: {  	v9 =	vadd.f32 $0.0e+00, v40;
	v45 =	vperm.xlane v15, v0;
	v31 =	vmul.f32 v37, v61;
	[tilespmem:s29+$0xFFFFFEF0] =	vst v49  }
0x1bf: {  	v56 =	vperm.xlane v28, v3;
	v36 =	vadd.f32 v50, v39;
	v40 =	vmul.f32 v60, v58;
	v35 =	vpop (erf);
	v52 =	vld [tilespmem:s28+$0xFFFFFF20]  }
0x1c0: {  	v30 =	vadd.f32 v54, v30;
	v15 =	vadd.f32 v45, v15;
	v41 =	vmul.f32 v35, v48;
	v55 =	vld [tilespmem:s30+$0xFFFFFE20];
	[tilespmem:s29+$0xFFFFFF80] =	vst v31  }
0x1c1: {  	v34 =	vadd.f32 v51, v34;
	v53 =	vperm.xlane v40, v0;
	v31 =	vperm.xlane v36, v3;
	v46 =	vld [tilespmem:s28+$0xFFFFFFA0]  }
0x1c2: {  	v27 =	vadd.f32 v44, v27;
	v58 =	vld [tilespmem:s30+$0xFFFFFF20];
	v30 =	vmul.f32 $2.500000000e-01, v30;
	v47 =	vperm.xlane v15, v1;
	[tilespmem:s29+$0x10] =	vst v41  }
0x1c3: {  	v57 =	vperm.xlane v34, v2;
	v40 =	vadd.f32 v53, v40;
	v31 =	vadd.f32 v31, v36;
	v59 =	vld [tilespmem:s28+$0x20]  }
0x1c4: {  	v27 =	vmul.f32 $2.500000000e-01, v27;
	v61 =	vld [tilespmem:s30+$0x20];
	v30 =	vmul.f32 $1.442695020e+00, v30;
	v15 =	vadd.f32 v47, v15  }
0x1c5: {  	v60 =	vperm.xlane v40, v1;
	v31 =	vmul.f32 $2.500000000e-01, v31  }
0x1c6: {  	v39 =	vmul.f32 v55, v52;
	v48 =	vperm.xlane v15, v2  }
0x1c7: {  	(erf) = vpow2.f32 v30;
	v40 =	vadd.f32 v60, v40;
	v41 =	vmul.f32 v58, v46  }
0x1c8: {  	v31 =	vmul.f32 $1.442695020e+00, v31;
	v47 =	vperm.xlane v39, v0;
	v15 =	vadd.f32 v48, v15  }
0x1c9: {  	v33 =	vadd.f32 v63, v33;
	v63 =	vperm.xlane v40, v2;
	v36 =	vmul.f32 v61, v59  }
0x1ca: {  	v28 =	vadd.f32 v56, v28;
	(erf) = vpow2.f32 v31;
	v48 =	vperm.xlane v15, v3  }
0x1cb: {  	v34 =	vadd.f32 v57, v34;
	v49 =	vperm.xlane v41, v0;
	v40 =	vadd.f32 v63, v40  }
0x1cc: {  	v39 =	vadd.f32 v47, v39;
	v50 =	vperm.xlane v36, v0;
	v15 =	vadd.f32 v48, v15  }
0x1cd: {  	v62 =	vperm.xlane v34, v3;
	v41 =	vadd.f32 v49, v41;
	v51 =	vperm.xlane v40, v3  }
0x1ce: {  	v52 =	vperm.xlane v39, v1;
	v30 =	vadd.f32 v50, v36;
	v15 =	vmul.f32 $2.500000000e-01, v15  }
0x1cf: {  	v60 =	vld [tilespmem:s24+$0xFFFFFFD0];
	v31 =	vadd.f32 v62, v34;
	v54 =	vperm.xlane v41, v1;
	v53 =	vadd.f32 v51, v40  }
0x1d0: {  	v39 =	vadd.f32 v52, v39;
	v57 =	vperm.xlane v30, v1;
	v15 =	vmul.f32 $1.442695020e+00, v15  }
0x1d1: {  	v58 =	vld [tilespmem:s24+$0xFFFFFED0];
	v31 =	vmul.f32 $2.500000000e-01, v31;
	v40 =	vadd.f32 v54, v41;
	v55 =	vmul.f32 $2.500000000e-01, v53  }
0x1d2: {  	v63 =	vpop (erf);
	v56 =	vperm.xlane v39, v2;
	v30 =	vadd.f32 v57, v30;
	(erf) = vpow2.f32 v15  }
0x1d3: {  	v10 =	vnsel vm0, $0x0, v10;
	v59 =	vperm.xlane v40, v2;
	v50 =	vpop (erf);
	v15 =	vmul.f32 $1.442695020e+00, v55  }
0x1d4: {  	v36 =	vadd.f32 v56, v39;
	v61 =	vperm.xlane v30, v2;
	v55 =	vmul.f32 v50, v60  }
0x1d5: {  	(erf) = vpow2.f32 v15;
	v15 =	vmul.f32 $1.442695020e+00, v31;
	v31 =	vadd.f32 v59, v40  }
0x1d6: {  	v7 =	vadd.f32 v25, v7;
	v48 =	vld [tilespmem:s30+$0x1A0];
	v34 =	vmul.f32 v63, v58;
	v62 =	vperm.xlane v36, v3  }
0x1d7: {  	v53 =	vld [tilespmem:s24+$0x1E0];
	v30 =	vadd.f32 v61, v30;
	[tilespmem:s25+$0xFFFFFFC0] =	vst v55;
	(erf) = vpow2.f32 v15;
	v15 =	vperm.xlane v31, v3  }
0x1d8: {  	v33 =	vmul.f32 $2.500000000e-01, v33;
	v28 =	vmul.f32 $2.500000000e-01, v28;
	[tilespmem:s25+$0xFFFFFF30] =	vst v34;
	v36 =	vadd.f32 v62, v36;
	v34 =	vld [tilespmem:s26+$0xFFFFFFE0]  }
0x1d9: {  	v27 =	vmul.f32 $1.442695020e+00, v27;
	v25 =	vld [tilespmem:s24+$0xFFFFFF60];
	v52 =	vperm.xlane v30, v3;
	v31 =	vadd.f32 v15, v31  }
0x1da: {  	v38 =	vsel vm1, $0x0, v38;
	v51 =	vmul.f32 $1.442695020e+00, v33;
	v56 =	vld [tilespmem:s26+$0xFFFFFF60];
	v36 =	vmul.f32 $2.500000000e-01, v36  }
0x1db: {  	v58 =	vld [tilespmem:s24+$0xFFFFFE60];
	v15 =	vadd.f32 v38, v9;
	v30 =	vadd.f32 v52, v30;
	v31 =	vmul.f32 $2.500000000e-01, v31;
	v9 =	vpop (erf)  }
0x1dc: {  	v10 =	vadd.f32 $0.0e+00, v10;
	v36 =	vmul.f32 $1.442695020e+00, v36;
	v57 =	vmul.f32 v9, v48  }
0x1dd: {  	v19 =	vadd.f32 v19, v18;
	v49 =	vld [tilespmem:s24+$0xD0];
	v30 =	vmul.f32 $2.500000000e-01, v30;
	v31 =	vmul.f32 $1.442695020e+00, v31  }
0x1de: {  	v17 =	vnsel vm0, $0x0, v17;
	v25 =	vmul.f32 v25, v34;
	(erf) = vpow2.f32 v36;
	v33 =	vpop (erf);
	[tilespmem:s29+$0xB0] =	vst v57  }
0x1df: {  	v8 =	vadd.f32 v22, v8;
	v22 =	vmul.f32 $1.442695020e+00, v30;
	v59 =	vmul.f32 v33, v53;
	v30 =	vld [tilespmem:s28+$0xB0]  }
0x1e0: {  	v18 =	vadd.f32 v20, v12;
	v38 =	vmul.f32 v58, v56;
	(erf) = vpow2.f32 v31;
	v60 =	vld [tilespmem:s30+$0x130]  }
0x1e1: {  	v26 =	vadd.f32 v26, v14;
	v44 =	vld [tilespmem:s30+$0xFFFFFFA0];
	v34 =	vperm.xlane v25, v0;
	(erf) = vpow2.f32 v51;
	v31 =	vpop (erf);
	[tilespmem:s25+$0xF0] =	vst v59  }
0x1e2: {  	v14 =	vsel vm5, $0x0, v63;
	(erf) = vpow2.f32 v22;
	v61 =	vmul.f32 v31, v49;
	v22 =	vld [tilespmem:s26+$0xF0]  }
0x1e3: {  	v28 =	vmul.f32 $1.442695020e+00, v28;
	v14 =	vadd.f32 v14, v7;
	v63 =	vld [tilespmem:s24+$0x170];
	v7 =	vsel vm5, $0x0, v31  }
0x1e4: {  	v54 =	vld [tilespmem:s30+$0xFFFFFEA0];
	v25 =	vadd.f32 v34, v25;
	v7 =	vadd.f32 v7, v26;
	v26 =	vperm.xlane v38, v0;
	[tilespmem:s25+$0x50] =	vst v61  }
0x1e5: {  	v17 =	vadd.f32 $0.0e+00, v17;
	(erf) = vpow2.f32 v27;
	v27 =	vld [tilespmem:s26+$0x60];
	v30 =	vmul.f32 v60, v30  }
0x1e6: {  	v35 =	vsel vm1, $0x0, v35;
	v51 =	vperm.xlane v25, v1;
	v31 =	vld [tilespmem:s24+$0x60];
	v12 =	vadd.f32 v26, v38  }
0x1e7: {  	v17 =	vadd.f32 v35, v17;
	(erf) = vpow2.f32 v28;
	v20 =	vperm.xlane v30, v0  }
0x1e8: {  	v45 =	vld [tilespmem:s30+$0xA0];
	v36 =	vadd.f32 v51, v25;
	v26 =	vpop (erf);
	v28 =	vmul.f32 v63, v22;
	v47 =	vperm.xlane v12, v1  }
0x1e9: {  	v46 =	vmul.f32 v26, v54;
	v22 =	vsel vm2, $0x0, v26;
	v26 =	vpop (erf);
	v30 =	vadd.f32 v20, v30  }
0x1ea: {  	v48 =	vmul.f32 v26, v44;
	v49 =	vperm.xlane v28, v0;
	v12 =	vadd.f32 v47, v12  }
0x1eb: {  	v62 =	vsel vm5, $0x0, v50;
	[tilespmem:s29+$0xFFFFFF00] =	vst v46;
	v27 =	vmul.f32 v31, v27;
	v20 =	vpop (erf);
	v52 =	vperm.xlane v30, v1  }
0x1ec: {  	v59 =	vperm.xlane v36, v2;
	v31 =	vld [tilespmem:s28+$0xFFFFFF30];
	v28 =	vadd.f32 v49, v28;
	v54 =	vperm.xlane v12, v2;
	v50 =	vpop (erf)  }
0x1ed: {  	[tilespmem:s29+$0xFFFFFF90] =	vst v48;
	v53 =	vld [tilespmem:s30+$0xFFFFFE30];
	v55 =	vperm.xlane v27, v0;
	v35 =	vmul.f32 v50, v45;
	v30 =	vadd.f32 v52, v30  }
0x1ee: {  	v8 =	vadd.f32 v62, v8;
	v56 =	vld [tilespmem:s28+$0xFFFFFFB0];
	v57 =	vperm.xlane v28, v1;
	v12 =	vadd.f32 v54, v12  }
0x1ef: {  	v36 =	vadd.f32 v59, v36;
	v58 =	vld [tilespmem:s30+$0xFFFFFF30];
	v27 =	vadd.f32 v55, v27;
	[tilespmem:s29+$0x20] =	vst v35;
	v61 =	vperm.xlane v30, v2  }
0x1f0: {  	v25 =	vsel vm2, $0x0, v26;
	v28 =	vadd.f32 v57, v28;
	v63 =	vperm.xlane v12, v3;
	v60 =	vld [tilespmem:s28+$0x30]  }
0x1f1: {  	v26 =	vsel vm2, $0x0, v50;
	v62 =	vld [tilespmem:s30+$0x30];
	v45 =	vperm.xlane v27, v1;
	v30 =	vadd.f32 v61, v30  }
0x1f2: {  	v31 =	vmul.f32 v53, v31;
	v46 =	vperm.xlane v28, v2;
	v47 =	vadd.f32 v63, v12  }
0x1f3: {  	v12 =	vperm.xlane v36, v3;
	v27 =	vadd.f32 v45, v27;
	v48 =	vperm.xlane v30, v3  }
0x1f4: {  	v35 =	vmul.f32 v58, v56;
	v49 =	vperm.xlane v31, v0;
	v28 =	vadd.f32 v46, v28  }
0x1f5: {  	v50 =	vadd.f32 v12, v36;
	v12 =	vperm.xlane v27, v2;
	v30 =	vadd.f32 v48, v30  }
0x1f6: {  	v21 =	vsel vm3, $0x0, v21;
	v34 =	vmul.f32 v62, v60;
	v51 =	vperm.xlane v28, v3  }
0x1f7: {  	v52 =	vperm.xlane v35, v0;
	v31 =	vadd.f32 v49, v31;
	v30 =	vmul.f32 $2.500000000e-01, v30  }
0x1f8: {  	v27 =	vadd.f32 v12, v27;
	v12 =	vperm.xlane v34, v0;
	v28 =	vadd.f32 v51, v28  }
0x1f9: {  	v37 =	vsel vm1, $0x0, v37;
	v35 =	vadd.f32 v52, v35;
	v30 =	vmul.f32 $1.442695020e+00, v30  }
0x1fa: {  	v53 =	vperm.xlane v31, v1;
	v28 =	vmul.f32 $2.500000000e-01, v28;
	v34 =	vadd.f32 v12, v34  }
0x1fb: {  	v55 =	vperm.xlane v35, v1;
	v12 =	vsel vm1, $0x0, v11;
	(erf) = vpow2.f32 v30  }
0x1fc: {  	v28 =	vmul.f32 $1.442695020e+00, v28;
	v30 =	vadd.f32 v53, v31;
	v31 =	vperm.xlane v34, v1  }
0x1fd: {  	v59 =	vld [tilespmem:s30+$0x1B0];
	v57 =	vsel vm2, $0x0, v13;
	v54 =	vperm.xlane v27, v3;
	v10 =	vadd.f32 v12, v10  }
0x1fe: {  	v40 =	vld [tilespmem:s30+$0xFFFFFFB0];
	v56 =	vadd.f32 v55, v35;
	(erf) = vpow2.f32 v28;
	v34 =	vadd.f32 v31, v34  }
0x1ff: {  	v16 =	vadd.f32 v37, v16;
	v13 =	vld [tilespmem:s31+$0xF0];
	v10 =	vadd.f32 v57, v10;
	v28 =	vperm.xlane v30, v2  }
0x200: {  	v39 =	vld [tilespmem:s30+$0xB0];
	v35 =	vadd.f32 v54, v27;
	v38 =	vperm.xlane v56, v2;
	v27 =	vperm.xlane v34, v2  }
0x201: {  	v11 =	vld [tilespmem:s31+$0xFFFFFEF0];
	v10 =	vadd.f32 v21, v10;
	v58 =	vadd.f32 v28, v30  }
0x202: {  	v33 =	vsel vm6, $0x0, v33;
	v12 =	vld [tilespmem:s31+$0xFFFFFFF0];
	v60 =	vadd.f32 v38, v56;
	v21 =	vsel vm4, $0x0, v24  }
0x203: {  	v31 =	vld [tilespmem:s24+$0xFFFFFEE0];
	v21 =	vadd.f32 v21, v10;
	v28 =	vpop (erf);
	v61 =	vperm.xlane v58, v3;
	v38 =	vadd.f32 v27, v34  }
0x204: {  	v63 =	vsel vm5, $0x0, v32;
	v36 =	vmul.f32 $2.500000000e-01, v47;
	v24 =	vld [tilespmem:s24+$0xE0];
	v62 =	vperm.xlane v60, v3;
	v27 =	vpop (erf)  }
0x205: {  	[tilespmem:s23+$0x110] =	vst v29;
	v30 =	vld [tilespmem:s24+$0xFFFFFFE0];
	v21 =	vadd.f32 v63, v21;
	v29 =	vadd.f32 v61, v58;
	v32 =	vperm.xlane v38, v3;
	v10 =	vpop (erf)  }
0x206: {  	s0 =	simm.s32 $0x8;
	[tilespmem:s23+$0x100] =	vst v23;
	s4 =	simm.s32 $0x750;
	v37 =	vmul.f32 $2.500000000e-01, v50;
	s31 =	simm.s32 $0x1E50;
	v34 =	vld [tilespmem:s30+$0xFFFFFEB0];
	v23 =	vadd.f32 v62, v60;
	v41 =	vmul.f32 v10, v59  }
.LBB2_3:
0x207: {  	v42 =	vld [tilespmem:s4+$0x80];
	v29 =	vmul.f32 $2.500000000e-01, v29;
	v32 =	vadd.f32 v32, v38;
	s30 =	sadd.s32 $0x400, s30;
	v21 =	vadd.f32 v33, v21;
	v33 =	vpop (erf)  }
0x208: {  	v35 =	vmul.f32 $2.500000000e-01, v35;
	v38 =	vld [tilespmem:s30+$0x100];
	v43 =	vmul.f32 $2.500000000e-01, v23;
	[tilespmem:s29+$0xC0] =	vst v41;
	v23 =	vsel vm7, $0x0, v33  }
0x209: {  	v29 =	vmul.f32 $1.442695020e+00, v29;
	v32 =	vmul.f32 $2.500000000e-01, v32;
	v41 =	vld [tilespmem:s28+$0xC0];
	v21 =	vadd.f32 v23, v21  }
0x20a: {  	v36 =	vmul.f32 $1.442695020e+00, v36;
	v23 =	vadd.f32 v22, v15;
	v15 =	vmul.f32 $1.442695020e+00, v43;
	v43 =	vld [tilespmem:s31+$0x140]  }
0x20b: {  	v22 =	vadd.f32 v25, v16;
	v16 =	vmul.f32 $1.442695020e+00, v32;
	(erf) = vpow2.f32 v29;
	v25 =	vld [tilespmem:s24+$0x1F0];
	[tilespmem:s25+$0x110] =	vst v21  }
0x20c: {  	v21 =	vadd.f32 v26, v17;
	v32 =	vld [tilespmem:s30+$0xFFFFFE00];
	(erf) = vpow2.f32 v15;
	v15 =	vmul.f32 $1.442695020e+00, v37  }
0x20d: {  	v17 =	vld [tilespmem:s4+$0xFFFFFF80];
	v26 =	vmul.f32 v38, v42;
	(erf) = vpow2.f32 v16;
	v16 =	vsel vm7, $0x0, v20  }
0x20e: {  	v29 =	vmul.f32 $1.442695020e+00, v35;
	v35 =	vsel vm7, $0x0, v28;
	v37 =	vld [tilespmem:s30+$0xFFFFFF00];
	(erf) = vpow2.f32 v36  }
0x20f: {  	s0 =	sadd.s32 $0x4, s0;
	v42 =	vsel vm7, $0x0, v27;
	v36 =	vld [tilespmem:s4+$0x0];
	v38 =	vperm.xlane v26, v0;
	v41 =	vmul.f32 v43, v41  }
0x210: {  	p0 =	slt.u32 s0, $0x24;
	v6 =	vadd.f32 v16, v6;
	v43 =	vld [tilespmem:s30+$0x0];
	(erf) = vpow2.f32 v15;
	v15 =	vadd.f32 v35, v19  }
0x211: {  	v16 =	vld [tilespmem:s4+$0xFFFFFF00];
	v19 =	vadd.f32 v38, v26;
	v35 =	vperm.xlane v41, v0;
	(erf) = vpow2.f32 v29  }
0x212: {  	v11 =	vmul.f32 v20, v11;
	v26 =	vld [tilespmem:s30+$0xFFFFFE80];
	[tilespmem:s23+$0xFFFFFF60] =	vst v6;
	v6 =	vmul.f32 v28, v12;
	v12 =	vadd.f32 v42, v18  }
0x213: {  	v29 =	vld [tilespmem:s30+$0xFFFFFF80];
	v17 =	vmul.f32 v37, v17;
	v18 =	vperm.xlane v19, v1;
	v20 =	vadd.f32 v35, v41;
	[tilespmem:s23+$0xFFFFFFF0] =	vst v15  }
0x214: {  	v13 =	vmul.f32 v27, v13;
	v25 =	vmul.f32 v33, v25;
	v28 =	vld [tilespmem:s30+$0x80];
	v15 =	vpop (erf);
	[tilespmem:s23+$0x80] =	vst v12  }
0x215: {  	v12 =	vmul.f32 v43, v36;
	v18 =	vadd.f32 v18, v19;
	v19 =	vperm.xlane v20, v1;
	v27 =	vpop (erf);
	[tilespmem:s23+$0xFFFFFF50] =	vst v11  }
0x216: {  	v11 =	vmul.f32 v32, v16;
	v16 =	vperm.xlane v17, v0;
	v32 =	vsel vm3, $0x0, v15;
	v33 =	vpop (erf);
	[tilespmem:s23+$0xFFFFFFE0] =	vst v6  }
0x217: {  	v6 =	vperm.xlane v12, v0;
	v35 =	vperm.xlane v18, v2;
	v19 =	vadd.f32 v19, v20;
	v20 =	vpop (erf);
	[tilespmem:s23+$0x70] =	vst v13;
	s23 =	smov.u32 s25;
	s25 =	smov.u32 s29  }
0x218: {  	v15 =	vmul.f32 v15, v34;
	v13 =	vperm.xlane v11, v0;
	v16 =	vadd.f32 v16, v17;
	[tilespmem:s23+$0x100] =	vst v25  }
0x219: {  	v6 =	vadd.f32 v6, v12;
	v12 =	vadd.f32 v35, v18;
	v17 =	vperm.xlane v19, v2;
	v18 =	vpop (erf)  }
0x21a: {  	v11 =	vadd.f32 v13, v11;
	v13 =	vperm.xlane v16, v1;
	[tilespmem:s29+$0xFFFFFF10] =	vst v15;
	v15 =	vmul.f32 v27, v40;
	v34 =	vpop (erf)  }
0x21b: {  	v25 =	vperm.xlane v6, v1;
	v35 =	vperm.xlane v12, v3;
	v36 =	vld [tilespmem:s28+$0xFFFFFF40];
	v17 =	vadd.f32 v17, v19  }
0x21c: {  	v19 =	vperm.xlane v11, v1;
	v13 =	vadd.f32 v13, v16;
	v16 =	vld [tilespmem:s31+$0xFFFFFE40];
	[tilespmem:s29+$0xFFFFFFA0] =	vst v15;
	v15 =	vmul.f32 v33, v39  }
0x21d: {  	v6 =	vadd.f32 v25, v6;
	v12 =	vadd.f32 v35, v12;
	v25 =	vld [tilespmem:s28+$0xFFFFFFC0];
	v35 =	vperm.xlane v17, v3  }
0x21e: {  	v11 =	vadd.f32 v19, v11;
	v19 =	vperm.xlane v13, v2;
	v37 =	vld [tilespmem:s31+$0xFFFFFF40];
	[tilespmem:s29+$0x30] =	vst v15;
	v15 =	vmul.f32 v20, v31  }
0x21f: {  	v31 =	vperm.xlane v6, v2;
	v12 =	vmul.f32 $2.500000000e-01, v12;
	v38 =	vld [tilespmem:s28+$0x40];
	v35 =	vadd.f32 v35, v17  }
0x220: {  	v39 =	vperm.xlane v11, v2;
	v13 =	vadd.f32 v19, v13;
	v19 =	vld [tilespmem:s31+$0x40];
	[tilespmem:s23+$0xFFFFFF40] =	vst v15;
	v15 =	vmul.f32 v18, v30  }
0x221: {  	v6 =	vadd.f32 v31, v6;
	v12 =	vmul.f32 $1.442695020e+00, v12;
	v17 =	vld [tilespmem:s31+$0xFFFFFEC0];
	v30 =	vmul.f32 $2.500000000e-01, v35  }
0x222: {  	v35 =	vmul.f32 v16, v36;
	v11 =	vadd.f32 v39, v11;
	v31 =	vperm.xlane v13, v3;
	v16 =	vld [tilespmem:s31+$0xFFFFFFC0];
	[tilespmem:s23+$0xFFFFFFD0] =	vst v15  }
0x223: {  	(erf) = vpow2.f32 v12;
	v12 =	vsel vm3, $0x0, v27;
	v15 =	vld [tilespmem:s31+$0xC0];
	v27 =	vmul.f32 $1.442695020e+00, v30  }
0x224: {  	v30 =	vperm.xlane v11, v3;
	v13 =	vadd.f32 v31, v13;
	v31 =	vperm.xlane v6, v3;
	v36 =	vld [tilespmem:s26+$0xFFFFFF70]  }
0x225: {  	v33 =	vsel vm3, $0x0, v33;
	v37 =	vmul.f32 v37, v25;
	(erf) = vpow2.f32 v27;
	v27 =	vld [tilespmem:s24+$0xFFFFFE70]  }
0x226: {  	v11 =	vadd.f32 v30, v11;
	v13 =	vmul.f32 $2.500000000e-01, v13;
	v6 =	vadd.f32 v31, v6;
	v30 =	vld [tilespmem:s26+$0xFFFFFFF0]  }
0x227: {  	v25 =	vadd.f32 v32, v23;
	v23 =	vperm.xlane v35, v0;
	v31 =	vmul.f32 v19, v38;
	v32 =	vld [tilespmem:s24+$0xFFFFFF70]  }
0x228: {  	v22 =	vadd.f32 v12, v22;
	v19 =	vmul.f32 $2.500000000e-01, v11;
	v6 =	vmul.f32 $2.500000000e-01, v6;
	v38 =	vld [tilespmem:s30+$0x180]  }
0x229: {  	v39 =	vperm.xlane v37, v0;
	v12 =	vmul.f32 $1.442695020e+00, v13;
	v13 =	vadd.f32 v23, v35;
	v11 =	vld [tilespmem:s24+$0xFFFFFEF0]  }
0x22a: {  	v35 =	vmul.f32 $1.442695020e+00, v19;
	v6 =	vmul.f32 $1.442695020e+00, v6;
	v19 =	vadd.f32 v33, v21;
	v33 =	vld [tilespmem:s31+$0x1C0]  }
0x22b: {  	v37 =	vadd.f32 v39, v37;
	v40 =	vperm.xlane v31, v0;
	(erf) = vpow2.f32 v12;
	v12 =	vld [tilespmem:s24+$0xFFFFFFF0]  }
0x22c: {  	v39 =	vsel vm6, $0x0, v20;
	(erf) = vpow2.f32 v35;
	v23 =	vpop (erf);
	v35 =	vperm.xlane v13, v1  }
0x22d: {  	v20 =	vmul.f32 v23, v38;
	(erf) = vpow2.f32 v6;
	v6 =	vadd.f32 v40, v31  }
0x22e: {  	v24 =	vmul.f32 v34, v24;
	s29 =	sadd.s32 $0x240, s29;
	v31 =	vperm.xlane v37, v1;
	v13 =	vadd.f32 v35, v13;
	v21 =	vpop (erf)  }
0x22f: {  	v18 =	vsel vm6, $0x0, v18;
	[tilespmem:s29+$0x90] =	vst v20;
	v20 =	vperm.xlane v6, v1;
	v33 =	vmul.f32 v21, v33  }
0x230: {  	v27 =	vmul.f32 v27, v36;
	v31 =	vadd.f32 v31, v37;
	v35 =	vld [tilespmem:s4+$0x90];
	v38 =	vperm.xlane v13, v2;
	[tilespmem:s23+$0x60] =	vst v24  }
0x231: {  	v30 =	vmul.f32 v32, v30;
	v24 =	vld [tilespmem:s30+$0x110];
	v36 =	vadd.f32 v20, v6;
	[tilespmem:s25+$0xD0] =	vst v33;
	v20 =	vsel vm6, $0x0, v34  }
0x232: {  	v41 =	vperm.xlane v27, v0;
	v32 =	vperm.xlane v31, v2;
	v13 =	vadd.f32 v38, v13;
	v33 =	vld [tilespmem:s28+$0xD0]  }
0x233: {  	v6 =	vadd.f32 v39, v14;
	v14 =	vperm.xlane v30, v0;
	v37 =	vperm.xlane v36, v2;
	v38 =	vld [tilespmem:s31+$0x150]  }
0x234: {  	v27 =	vadd.f32 v41, v27;
	v31 =	vadd.f32 v32, v31;
	v39 =	vpop (erf);
	v40 =	vperm.xlane v13, v3;
	v32 =	vld [tilespmem:s26+$0x70];
	s26 =	smov.u32 s28;
	s28 =	smov.u32 s4  }
0x235: {  	v29 =	vmul.f32 v39, v29;
	v34 =	vpop (erf);
	v36 =	vadd.f32 v37, v36;
	v37 =	vadd.f32 v14, v30;
	v14 =	vld [tilespmem:s24+$0x70]  }
0x236: {  	v26 =	vmul.f32 v34, v26;
	v24 =	vmul.f32 v24, v35;
	v30 =	vpop (erf);
	v35 =	vadd.f32 v40, v13;
	v13 =	vld [tilespmem:s24+$0xF0];
	s24 =	smov.u32 s31;
	s31 =	smov.u32 s30  }
0x237: {  	v40 =	vnsel vm0, $0x0, v34;
	[tilespmem:s29+$0xFFFFFF70] =	vst v29;
	v28 =	vmul.f32 v30, v28;
	v29 =	vperm.xlane v31, v3  }
0x238: {  	[tilespmem:s29+$0xFFFFFEE0] =	vst v26;
	v26 =	vnsel vm0, $0x0, v39;
	v39 =	vld [tilespmem:s4+$0xFFFFFF90];
	v34 =	vperm.xlane v24, v0;
	v33 =	vmul.f32 v38, v33  }
0x239: {  	v38 =	vld [tilespmem:s4+$0xFFFFFF10];
	[tilespmem:s29+$0x0] =	vst v28;
	v28 =	vmul.f32 $2.500000000e-01, v35;
	v29 =	vadd.f32 v29, v31;
	v31 =	vperm.xlane v36, v3  }
0x23a: {  	v35 =	vld [tilespmem:s30+$0xFFFFFE10];
	v24 =	vadd.f32 v34, v24;
	v34 =	vperm.xlane v33, v0;
	v14 =	vmul.f32 v14, v32  }
0x23b: {  	v32 =	vld [tilespmem:s30+$0xFFFFFF10];
	v28 =	vmul.f32 $1.442695020e+00, v28;
	v29 =	vmul.f32 $2.500000000e-01, v29;
	v31 =	vadd.f32 v31, v36  }
0x23c: {  	v36 =	vld [tilespmem:s4+$0x10];
	v41 =	vperm.xlane v24, v1;
	v33 =	vadd.f32 v34, v33;
	v42 =	vperm.xlane v14, v0  }
0x23d: {  	v43 =	vnsel vm0, $0x0, v30;
	v44 =	vld [tilespmem:s30+$0x10];
	v29 =	vmul.f32 $1.442695020e+00, v29;
	v30 =	vmul.f32 $2.500000000e-01, v31  }
0x23e: {  	v34 =	vld [tilespmem:s30+$0xFFFFFE90];
	v24 =	vadd.f32 v41, v24;
	v41 =	vperm.xlane v33, v1;
	(erf) = vpow2.f32 v28  }
0x23f: {  	v28 =	vmul.f32 v35, v38;
	v31 =	vld [tilespmem:s30+$0xFFFFFF90];
	v35 =	vmul.f32 $1.442695020e+00, v30;
	v38 =	vadd.f32 v42, v14  }
0x240: {  	v32 =	vmul.f32 v32, v39;
	v30 =	vld [tilespmem:s30+$0x90];
	v39 =	vperm.xlane v24, v2;
	v33 =	vadd.f32 v41, v33  }
0x241: {  	v14 =	vadd.f32 $0.0e+00, v40;
	v40 =	vperm.xlane v28, v0;
	(erf) = vpow2.f32 v29  }
0x242: {  	v29 =	vmul.f32 v44, v36;
	v24 =	vadd.f32 v39, v24;
	v36 =	vperm.xlane v33, v2  }
0x243: {  	v39 =	vperm.xlane v32, v0;
	v28 =	vadd.f32 v40, v28;
	(erf) = vpow2.f32 v35  }
0x244: {  	v35 =	vperm.xlane v29, v0;
	v41 =	vperm.xlane v24, v3;
	v33 =	vadd.f32 v36, v33  }
0x245: {  	v32 =	vadd.f32 v39, v32;
	v39 =	vperm.xlane v27, v1;
	v36 =	vperm.xlane v28, v1  }
0x246: {  	v29 =	vadd.f32 v35, v29;
	v24 =	vadd.f32 v41, v24;
	v35 =	vperm.xlane v33, v3  }
0x247: {  	v44 =	vperm.xlane v32, v1;
	v41 =	vperm.xlane v37, v1;
	v28 =	vadd.f32 v36, v28;
	v40 =	vpop (erf)  }
0x248: {  	v42 =	vperm.xlane v29, v1;
	v24 =	vmul.f32 $2.500000000e-01, v24;
	v33 =	vadd.f32 v35, v33  }
0x249: {  	v32 =	vadd.f32 v44, v32;
	v17 =	vmul.f32 v40, v17;
	v35 =	vperm.xlane v28, v2  }
0x24a: {  	v29 =	vadd.f32 v42, v29;
	v24 =	vmul.f32 $1.442695020e+00, v24;
	v33 =	vmul.f32 $2.500000000e-01, v33;
	v36 =	vpop (erf)  }
0x24b: {  	v28 =	vadd.f32 v35, v28;
	v35 =	vperm.xlane v32, v2;
	[tilespmem:s25+$0xFFFFFF20] =	vst v17;
	v16 =	vmul.f32 v36, v16  }
0x24c: {  	v27 =	vadd.f32 v39, v27;
	(erf) = vpow2.f32 v24;
	v17 =	vld [tilespmem:s26+$0xFFFFFF50];
	v24 =	vmul.f32 $1.442695020e+00, v33;
	v42 =	vpop (erf)  }
0x24d: {  	v33 =	vperm.xlane v28, v3;
	v32 =	vadd.f32 v35, v32;
	v35 =	vperm.xlane v29, v2;
	v39 =	vld [tilespmem:s24+$0xFFFFFE50];
	[tilespmem:s25+$0xFFFFFFB0] =	vst v16  }
0x24e: {  	v15 =	vmul.f32 v42, v15;
	v44 =	vld [tilespmem:s26+$0xFFFFFFD0];
	(erf) = vpow2.f32 v24;
	v24 =	vadd.f32 v41, v37  }
0x24f: {  	v28 =	vadd.f32 v33, v28;
	v33 =	vperm.xlane v32, v3;
	v29 =	vadd.f32 v35, v29;
	v35 =	vld [tilespmem:s24+$0xFFFFFF50]  }
0x250: {  	v16 =	vadd.f32 $0.0e+00, v26;
	v37 =	vperm.xlane v38, v1;
	v26 =	vld [tilespmem:s24+$0xFFFFFED0];
	[tilespmem:s25+$0x40] =	vst v15;
	v15 =	vperm.xlane v27, v2  }
0x251: {  	v28 =	vmul.f32 $2.500000000e-01, v28;
	v32 =	vadd.f32 v33, v32;
	v33 =	vperm.xlane v29, v3;
	v41 =	vld [tilespmem:s30+$0x190]  }
0x252: {  	v45 =	vperm.xlane v24, v2;
	v37 =	vadd.f32 v37, v38;
	v17 =	vmul.f32 v39, v17;
	v39 =	vld [tilespmem:s26+$0x50]  }
0x253: {  	v28 =	vmul.f32 $1.442695020e+00, v28;
	v47 =	vmul.f32 $2.500000000e-01, v32;
	v29 =	vadd.f32 v33, v29;
	v33 =	vld [tilespmem:s24+$0x1D0]  }
0x254: {  	v15 =	vadd.f32 v15, v27;
	v38 =	vperm.xlane v17, v0;
	v44 =	vmul.f32 v35, v44;
	v46 =	vld [tilespmem:s24+$0x50]  }
0x255: {  	v45 =	vadd.f32 v45, v24;
	v35 =	vmul.f32 $1.442695020e+00, v47;
	v47 =	vmul.f32 $2.500000000e-01, v29;
	v32 =	vpop (erf);
	v27 =	vld [tilespmem:s24+$0xFFFFFFD0]  }
0x256: {  	v41 =	vmul.f32 v32, v41;
	(erf) = vpow2.f32 v28;
	v38 =	vadd.f32 v38, v17;
	v24 =	vld [tilespmem:s24+$0xD0]  }
0x257: {  	v17 =	vadd.f32 $0.0e+00, v43;
	v28 =	vmul.f32 $1.442695020e+00, v47;
	(erf) = vpow2.f32 v35;
	v29 =	vpop (erf)  }
0x258: {  	v35 =	vsel vm4, $0x0, v40;
	v40 =	vperm.xlane v44, v0;
	[tilespmem:s29+$0xA0] =	vst v41;
	v41 =	vmul.f32 v29, v33  }
0x259: {  	v33 =	vsel vm4, $0x0, v36;
	v43 =	vld [tilespmem:s4+$0xA0];
	(erf) = vpow2.f32 v28;
	v36 =	vmul.f32 v46, v39  }
0x25a: {  	v46 =	vperm.xlane v38, v1;
	v40 =	vadd.f32 v40, v44;
	v39 =	vld [tilespmem:s30+$0x120];
	[tilespmem:s25+$0xE0] =	vst v41;
	v41 =	vperm.xlane v37, v2  }
0x25b: {  	v47 =	vperm.xlane v15, v3;
	v28 =	vsel vm4, $0x0, v42;
	v42 =	vperm.xlane v36, v0;
	v44 =	vld [tilespmem:s26+$0xE0]  }
0x25c: {  	v38 =	vadd.f32 v46, v38;
	v46 =	vperm.xlane v40, v1;
	v48 =	vld [tilespmem:s24+$0x160];
	v37 =	vadd.f32 v41, v37  }
0x25d: {  	v15 =	vadd.f32 v47, v15;
	v41 =	vperm.xlane v45, v3;
	v36 =	vadd.f32 v42, v36  }
0x25e: {  	v42 =	vperm.xlane v38, v2;
	v40 =	vadd.f32 v46, v40;
	v46 =	vperm.xlane v37, v3  }
0x25f: {  	v41 =	vadd.f32 v41, v45;
	v39 =	vmul.f32 v39, v43;
	v43 =	vpop (erf);
	v50 =	vperm.xlane v36, v1  }
0x260: {  	v38 =	vadd.f32 v42, v38;
	v42 =	vperm.xlane v40, v2;
	v34 =	vmul.f32 v43, v34;
	v45 =	vpop (erf)  }
0x261: {  	v49 =	vperm.xlane v39, v0;
	v36 =	vadd.f32 v50, v36;
	v44 =	vmul.f32 v48, v44  }
0x262: {  	v31 =	vmul.f32 v45, v31;
	v40 =	vadd.f32 v42, v40;
	[tilespmem:s29+$0xFFFFFEF0] =	vst v34;
	v47 =	vpop (erf);
	v34 =	vperm.xlane v38, v3  }
0x263: {  	v42 =	vld [tilespmem:s4+$0xFFFFFF20];
	v30 =	vmul.f32 v47, v30;
	v39 =	vadd.f32 v49, v39;
	v48 =	vperm.xlane v44, v0  }
0x264: {  	v49 =	vld [tilespmem:s30+$0xFFFFFE20];
	[tilespmem:s29+$0xFFFFFF80] =	vst v31;
	v31 =	vadd.f32 v34, v38;
	v34 =	vperm.xlane v40, v3;
	v38 =	vperm.xlane v36, v2  }
0x265: {  	v46 =	vadd.f32 v46, v37;
	v50 =	vld [tilespmem:s4+$0xFFFFFFA0];
	[tilespmem:s29+$0x10] =	vst v30;
	v30 =	vperm.xlane v39, v1;
	v44 =	vadd.f32 v48, v44  }
0x266: {  	v48 =	vld [tilespmem:s30+$0xFFFFFF20];
	v31 =	vmul.f32 $2.500000000e-01, v31;
	v34 =	vadd.f32 v34, v40;
	v38 =	vadd.f32 v38, v36  }
0x267: {  	v40 =	vld [tilespmem:s4+$0x20];
	v30 =	vadd.f32 v30, v39;
	v37 =	vperm.xlane v44, v1;
	v39 =	vmul.f32 $2.500000000e-01, v15  }
0x268: {  	v15 =	vsel vm1, $0x0, v43;
	v43 =	vld [tilespmem:s30+$0x20];
	v34 =	vmul.f32 $2.500000000e-01, v34;
	v51 =	vperm.xlane v38, v3  }
0x269: {  	v36 =	vld [tilespmem:s30+$0xFFFFFEA0];
	v42 =	vmul.f32 v49, v42;
	v49 =	vperm.xlane v30, v2;
	v44 =	vadd.f32 v37, v44  }
0x26a: {  	v31 =	vmul.f32 $1.442695020e+00, v31;
	v37 =	vld [tilespmem:s30+$0xFFFFFFA0];
	v52 =	vmul.f32 $1.442695020e+00, v34;
	v38 =	vadd.f32 v51, v38  }
0x26b: {  	v48 =	vmul.f32 v48, v50;
	v34 =	vld [tilespmem:s30+$0xA0];
	v30 =	vadd.f32 v49, v30;
	v49 =	vperm.xlane v44, v2  }
0x26c: {  	v45 =	vsel vm1, $0x0, v45;
	v50 =	vperm.xlane v42, v0;
	v38 =	vmul.f32 $2.500000000e-01, v38  }
0x26d: {  	v40 =	vmul.f32 v43, v40;
	v43 =	vperm.xlane v30, v3;
	v44 =	vadd.f32 v49, v44  }
0x26e: {  	v42 =	vadd.f32 v50, v42;
	v49 =	vperm.xlane v48, v0;
	v38 =	vmul.f32 $1.442695020e+00, v38  }
0x26f: {  	v50 =	vperm.xlane v40, v0;
	v30 =	vadd.f32 v43, v30;
	v43 =	vperm.xlane v44, v3  }
0x270: {  	v51 =	vperm.xlane v42, v1;
	v48 =	vadd.f32 v49, v48;
	(erf) = vpow2.f32 v31  }
0x271: {  	v31 =	vadd.f32 v50, v40;
	v30 =	vmul.f32 $2.500000000e-01, v30;
	v40 =	vadd.f32 v43, v44  }
0x272: {  	v42 =	vadd.f32 v51, v42;
	v43 =	vperm.xlane v48, v1;
	(erf) = vpow2.f32 v52  }
0x273: {  	v44 =	vsel vm1, $0x0, v47;
	v30 =	vmul.f32 $1.442695020e+00, v30;
	v40 =	vmul.f32 $2.500000000e-01, v40  }
0x274: {  	v47 =	vperm.xlane v42, v2;
	v43 =	vadd.f32 v43, v48;
	v48 =	vperm.xlane v31, v1  }
0x275: {  	v15 =	vadd.f32 v15, v14;
	(erf) = vpow2.f32 v30;
	v14 =	vmul.f32 $1.442695020e+00, v40  }
0x276: {  	v30 =	vadd.f32 v47, v42;
	v40 =	vperm.xlane v43, v2;
	v31 =	vadd.f32 v48, v31  }
0x277: {  	v16 =	vadd.f32 v45, v16;
	(erf) = vpow2.f32 v14;
	v14 =	vmul.f32 $2.500000000e-01, v41  }
0x278: {  	v41 =	vperm.xlane v30, v3;
	v40 =	vadd.f32 v40, v43;
	v42 =	vperm.xlane v31, v2  }
0x279: {  	v17 =	vadd.f32 v44, v17;
	v43 =	vpop (erf);
	(erf) = vpow2.f32 v38;
	v38 =	vmul.f32 $2.500000000e-01, v46  }
0x27a: {  	v30 =	vadd.f32 v41, v30;
	v41 =	vperm.xlane v40, v3;
	v31 =	vadd.f32 v42, v31;
	v42 =	vld [tilespmem:s30+$0x1A0]  }
0x27b: {  	v25 =	vadd.f32 v35, v25;
	v39 =	vmul.f32 $1.442695020e+00, v39;
	v26 =	vmul.f32 v43, v26;
	v44 =	vpop (erf)  }
0x27c: {  	v30 =	vmul.f32 $2.500000000e-01, v30;
	v45 =	vadd.f32 v41, v40;
	v40 =	vperm.xlane v31, v3;
	v41 =	vld [tilespmem:s24+$0x1E0]  }
0x27d: {  	v22 =	vadd.f32 v33, v22;
	[tilespmem:s25+$0xFFFFFF30] =	vst v26;
	v26 =	vmul.f32 v44, v27;
	v27 =	vmul.f32 $1.442695020e+00, v14  }
0x27e: {  	v14 =	vmul.f32 $1.442695020e+00, v30;
	v30 =	vmul.f32 $2.500000000e-01, v45;
	v31 =	vadd.f32 v40, v31;
	v35 =	vpop (erf);
	v40 =	vld [tilespmem:s26+$0xFFFFFF60]  }
0x27f: {  	v19 =	vadd.f32 v28, v19;
	v42 =	vmul.f32 v35, v42;
	v45 =	vld [tilespmem:s24+$0xFFFFFE60];
	[tilespmem:s25+$0xFFFFFFC0] =	vst v26;
	v26 =	vmul.f32 $1.442695020e+00, v38  }
0x280: {  	v28 =	vmul.f32 $1.442695020e+00, v30;
	v30 =	vmul.f32 $2.500000000e-01, v31;
	v31 =	vsel vm5, $0x0, v43;
	v38 =	vld [tilespmem:s26+$0xFFFFFFE0];
	v33 =	vpop (erf)  }
0x281: {  	[tilespmem:s29+$0xB0] =	vst v42;
	(erf) = vpow2.f32 v14;
	v42 =	vsel vm5, $0x0, v44;
	v43 =	vld [tilespmem:s24+$0xFFFFFF60];
	v41 =	vmul.f32 v33, v41  }
0x282: {  	v30 =	vmul.f32 $1.442695020e+00, v30;
	v14 =	vadd.f32 v31, v25;
	v44 =	vld [tilespmem:s4+$0xB0];
	(erf) = vpow2.f32 v28;
	v25 =	vpop (erf)  }
0x283: {  	v28 =	vld [tilespmem:s30+$0x130];
	v24 =	vmul.f32 v25, v24;
	v25 =	vsel vm5, $0x0, v25;
	[tilespmem:s25+$0xF0] =	vst v41;
	(erf) = vpow2.f32 v39  }
0x284: {  	v22 =	vadd.f32 v42, v22;
	(erf) = vpow2.f32 v30;
	v30 =	vmul.f32 v45, v40;
	v39 =	vld [tilespmem:s26+$0xF0]  }
0x285: {  	[tilespmem:s25+$0x50] =	vst v24;
	v24 =	vadd.f32 v25, v19;
	v25 =	vld [tilespmem:s24+$0x170];
	v19 =	vadd.f32 v18, v8;
	(erf) = vpow2.f32 v27  }
0x286: {  	v18 =	vadd.f32 v20, v7;
	v8 =	vmovc v22;
	v27 =	vperm.xlane v30, v0;
	v38 =	vmul.f32 v43, v38;
	v40 =	vld [tilespmem:s26+$0x60]  }
0x287: {  	v41 =	vld [tilespmem:s24+$0x60];
	(erf) = vpow2.f32 v26;
	v7 =	vmov v24  }
0x288: {  	v20 =	vmul.f32 v28, v44;
	v31 =	vld [tilespmem:s24+$0xFFFFFEE0];
	v26 =	vadd.f32 v27, v30;
	v22 =	vperm.xlane v38, v0  }
0x289: {  	v30 =	vld [tilespmem:s24+$0xFFFFFFE0]  }
0x28a: {  	v27 =	vperm.xlane v20, v0;
	v28 =	vpop (erf);
	v38 =	vadd.f32 v22, v38;
	v24 =	vld [tilespmem:s24+$0xE0];
	v25 =	vmul.f32 v25, v39  }
0x28b: {  	v44 =	vperm.xlane v26, v1;
	v43 =	vmul.f32 v28, v36;
	v22 =	vsel vm2, $0x0, v28;
	v39 =	vpop (erf)  }
0x28c: {  	v37 =	vmul.f32 v39, v37;
	v27 =	vadd.f32 v27, v20;
	v42 =	vperm.xlane v25, v0;
	v20 =	vpop (erf)  }
0x28d: {  	v26 =	vadd.f32 v44, v26;
	v40 =	vmul.f32 v41, v40;
	[tilespmem:s29+$0xFFFFFF00] =	vst v43;
	v36 =	vpop (erf);
	v43 =	vperm.xlane v38, v1  }
0x28e: {  	v41 =	vld [tilespmem:s4+$0xFFFFFF30];
	[tilespmem:s29+$0xFFFFFF90] =	vst v37;
	v34 =	vmul.f32 v36, v34;
	v37 =	vperm.xlane v27, v1;
	v42 =	vadd.f32 v42, v25;
	v28 =	vpop (erf)  }
0x28f: {  	v45 =	vperm.xlane v26, v2;
	v44 =	vld [tilespmem:s30+$0xFFFFFE30];
	v38 =	vadd.f32 v43, v38;
	v43 =	vperm.xlane v40, v0  }
0x290: {  	v25 =	vsel vm2, $0x0, v39;
	v39 =	vld [tilespmem:s4+$0xFFFFFFB0];
	[tilespmem:s29+$0x20] =	vst v34;
	v37 =	vadd.f32 v37, v27;
	v34 =	vperm.xlane v42, v1;
	v27 =	vpop (erf)  }
0x291: {  	v45 =	vadd.f32 v45, v26;
	v46 =	vld [tilespmem:s30+$0xFFFFFF30];
	v47 =	vperm.xlane v38, v2;
	v43 =	vadd.f32 v43, v40  }
0x292: {  	v26 =	vsel vm2, $0x0, v36;
	v36 =	vld [tilespmem:s4+$0x30];
	v40 =	vperm.xlane v37, v2;
	v42 =	vadd.f32 v34, v42  }
0x293: {  	v49 =	vperm.xlane v45, v3;
	v48 =	vld [tilespmem:s30+$0x30];
	v38 =	vadd.f32 v47, v38;
	v47 =	vperm.xlane v43, v1  }
0x294: {  	v34 =	vld [tilespmem:s30+$0xFFFFFEB0];
	v41 =	vmul.f32 v44, v41;
	v37 =	vadd.f32 v40, v37;
	v44 =	vperm.xlane v42, v2  }
0x295: {  	v45 =	vadd.f32 v49, v45;
	v40 =	vld [tilespmem:s30+$0xFFFFFFB0];
	v49 =	vperm.xlane v38, v3;
	v43 =	vadd.f32 v47, v43  }
0x296: {  	v46 =	vmul.f32 v46, v39;
	v39 =	vld [tilespmem:s30+$0xB0];
	v47 =	vperm.xlane v37, v3;
	v42 =	vadd.f32 v44, v42  }
0x297: {  	v44 =	vperm.xlane v41, v0;
	v49 =	vadd.f32 v49, v38;
	v38 =	vperm.xlane v43, v2  }
0x298: {  	v36 =	vmul.f32 v48, v36;
	v37 =	vadd.f32 v47, v37;
	v47 =	vperm.xlane v42, v3  }
0x299: {  	v41 =	vadd.f32 v44, v41;
	v44 =	vperm.xlane v46, v0;
	v38 =	vadd.f32 v38, v43  }
0x29a: {  	v43 =	vperm.xlane v36, v0;
	v37 =	vmul.f32 $2.500000000e-01, v37;
	v42 =	vadd.f32 v47, v42  }
0x29b: {  	v47 =	vperm.xlane v41, v1;
	v44 =	vadd.f32 v44, v46;
	v46 =	vperm.xlane v38, v3  }
0x29c: {  	v48 =	vnsel vm0, $0x0, v4;
	v4 =	vmovc v23;
	v37 =	vmul.f32 $1.442695020e+00, v37;
	v42 =	vmul.f32 $2.500000000e-01, v42  }
0x29d: {  	v23 =	vperm.xlane v44, v1;
	v36 =	vadd.f32 v43, v36;
	v43 =	vadd.f32 $0.0e+00, v48  }
0x29e: {  	(erf) = vpow2.f32 v37;
	v37 =	vsel vm1, $0x0, v5;
	v42 =	vmul.f32 $1.442695020e+00, v42;
	v5 =	vmovc v32  }
0x29f: {  	v32 =	vadd.f32 v47, v41;
	v41 =	vperm.xlane v36, v1;
	v37 =	vadd.f32 v37, v43  }
0x2a0: {  	v23 =	vadd.f32 v23, v44;
	v43 =	vsel vm2, $0x0, v9;
	v9 =	vmovc v35;
	(erf) = vpow2.f32 v42  }
0x2a1: {  	v42 =	vperm.xlane v32, v2;
	v41 =	vadd.f32 v41, v36;
	v36 =	vadd.f32 v43, v37  }
0x2a2: {  	v10 =	vsel vm3, $0x0, v10;
	v35 =	vadd.f32 v46, v38;
	v37 =	vperm.xlane v23, v2  }
0x2a3: {  	v32 =	vadd.f32 v42, v32;
	v38 =	vperm.xlane v41, v2;
	v42 =	vld [tilespmem:s30+$0x1B0];
	v10 =	vadd.f32 v10, v36  }
.Ltmp0:
0x2a4: {  	v21 =	vsel vm4, $0x0, v21;
	v23 =	vadd.f32 v37, v23;
	v36 =	vmul.f32 $2.500000000e-01, v45;
	(pc) =	sbr.rel @p0 .LBB2_3-.Ltmp0, $4  }
0x2a5: {  	v43 =	vperm.xlane v32, v3;
	v38 =	vadd.f32 v38, v41;
	v21 =	vadd.f32 v21, v10  }
0x2a6: {  	v44 =	vsel vm5, $0x0, v29;
	v37 =	vmul.f32 $2.500000000e-01, v49;
	v41 =	vperm.xlane v23, v3  }
0x2a7: {  	v29 =	vadd.f32 v43, v32;
	v32 =	vperm.xlane v38, v3;
	v10 =	vpop (erf);
	v21 =	vadd.f32 v44, v21  }
0x2a8: {  	v33 =	vsel vm6, $0x0, v33;
	s4 =	sadd.s32 $0x200, s4;
	v23 =	vadd.f32 v41, v23;
	v41 =	vmul.f32 v10, v42  }
0x2a9: {  	_ = 	snop  }
0x2aa: {  	[tilespmem:s29+$0xC0] =	vst v41  }
0x2ab: {  	v41 =	vld [tilespmem:s28+$0xC0]  }
0x2ac: {  	v42 =	vld [tilespmem:s31+$0x140];
	_ =	sdelay $0x4  }
0x2ad: {  	v41 =	vmul.f32 v42, v41;
	_ =	sdelay $0x1  }
0x2ae: {  	v42 =	vperm.xlane v41, v0;
	_ =	sdelay $0x1  }
0x2af: {  	v41 =	vadd.f32 v42, v41;
	_ =	sdelay $0x1  }
0x2b0: {  	v42 =	vperm.xlane v41, v1;
	_ =	sdelay $0x1  }
0x2b1: {  	v41 =	vadd.f32 v42, v41;
	_ =	sdelay $0x1  }
0x2b2: {  	v42 =	vperm.xlane v41, v2  }
0x2b3: {  	v29 =	vmul.f32 $2.500000000e-01, v29  }
0x2b4: {  	v32 =	vadd.f32 v32, v38;
	v35 =	vmul.f32 $2.500000000e-01, v35;
	v63 =	vadd.f32 v42, v41  }
0x2b5: {  	v23 =	vmul.f32 $2.500000000e-01, v23;
	v29 =	vmul.f32 $1.442695020e+00, v29  }
0x2b6: {  	v32 =	vmul.f32 $2.500000000e-01, v32;
	v41 =	vperm.xlane v63, v3  }
0x2b7: {  	v36 =	vmul.f32 $1.442695020e+00, v36;
	v23 =	vmul.f32 $1.442695020e+00, v23  }
0x2b8: {  	v32 =	vmul.f32 $1.442695020e+00, v32;
	(erf) = vpow2.f32 v29;
	v44 =	vadd.f32 v41, v63  }
0x2b9: {  	v45 =	vmul.f32 $1.442695020e+00, v37;
	(erf) = vpow2.f32 v23  }
0x2ba: {  	(erf) = vpow2.f32 v32;
	v29 =	vmul.f32 $2.500000000e-01, v44  }
0x2bb: {  	v46 =	vmul.f32 $1.442695020e+00, v35;
	(erf) = vpow2.f32 v36  }
0x2bc: {  	(erf) = vpow2.f32 v45;
	v47 =	vmul.f32 $1.442695020e+00, v29  }
0x2bd: {  	(erf) = vpow2.f32 v46  }
0x2be: {  	(erf) = vpow2.f32 v47;
	_ =	sdelay $0x1  }
0x2bf: {  	v38 =	vpop (erf)  }
0x2c0: {  	v37 =	vpop (erf)  }
0x2c1: {  	v35 =	vpop (erf);
	v48 =	vmul.f32 v37, v34  }
0x2c2: {  	v49 =	vld [tilespmem:s31+$0x1C0];
	v36 =	vpop (erf)  }
0x2c3: {  	v50 =	vmul.f32 v35, v40;
	v34 =	vpop (erf);
	[tilespmem:s29+$0xFFFFFF10] =	vst v48  }
0x2c4: {  	v32 =	vpop (erf);
	v51 =	vld [tilespmem:s28+$0xFFFFFF40]  }
0x2c5: {  	v39 =	vmul.f32 v36, v39;
	v52 =	vld [tilespmem:s31+$0xFFFFFE40];
	[tilespmem:s29+$0xFFFFFFA0] =	vst v50;
	v29 =	vpop (erf)  }
0x2c6: {  	v43 =	vld [tilespmem:s28+$0xFFFFFFC0];
	v23 =	vpop (erf)  }
0x2c7: {  	[tilespmem:s29+$0x30] =	vst v39;
	v44 =	vld [tilespmem:s31+$0xFFFFFF40];
	v53 =	vmul.f32 v23, v49  }
0x2c8: {  	v54 =	vld [tilespmem:s28+$0x40]  }
0x2c9: {  	v45 =	vld [tilespmem:s31+$0x40];
	[tilespmem:s29+$0xD0] =	vst v53  }
0x2ca: {  	v39 =	vld [tilespmem:s28+$0xD0]  }
0x2cb: {  	v40 =	vmul.f32 v52, v51;
	v46 =	vld [tilespmem:s31+$0x150]  }
0x2cc: {  	v55 =	vmul.f32 v44, v43  }
0x2cd: {  	v56 =	vperm.xlane v40, v0  }
0x2ce: {  	v44 =	vperm.xlane v55, v0  }
0x2cf: {  	v41 =	vmul.f32 v45, v54;
	v40 =	vadd.f32 v56, v40  }
0x2d0: {  	v42 =	vadd.f32 v44, v55;
	v39 =	vmul.f32 v46, v39  }
0x2d1: {  	v57 =	vperm.xlane v41, v0;
	v58 =	vperm.xlane v40, v1  }
0x2d2: {  	v60 =	vperm.xlane v42, v1;
	v59 =	vperm.xlane v39, v0  }
0x2d3: {  	v41 =	vadd.f32 v57, v41;
	v40 =	vadd.f32 v58, v40  }
0x2d4: {  	v42 =	vadd.f32 v60, v42;
	v39 =	vadd.f32 v59, v39  }
0x2d5: {  	v61 =	vperm.xlane v41, v1;
	v62 =	vperm.xlane v40, v2  }
0x2d6: {  	v63 =	vperm.xlane v42, v2;
	v45 =	vperm.xlane v39, v1  }
0x2d7: {  	v41 =	vadd.f32 v61, v41;
	v40 =	vadd.f32 v62, v40  }
0x2d8: {  	v42 =	vadd.f32 v63, v42;
	v39 =	vadd.f32 v45, v39  }
0x2d9: {  	v48 =	vperm.xlane v41, v2;
	v49 =	vperm.xlane v40, v3  }
0x2da: {  	v50 =	vperm.xlane v42, v3;
	v45 =	vperm.xlane v39, v2  }
0x2db: {  	v41 =	vadd.f32 v48, v41;
	v40 =	vadd.f32 v49, v40  }
0x2dc: {  	v42 =	vadd.f32 v50, v42;
	v39 =	vadd.f32 v45, v39  }
0x2dd: {  	v51 =	vperm.xlane v41, v3;
	v40 =	vmul.f32 $2.500000000e-01, v40  }
0x2de: {  	v42 =	vmul.f32 $2.500000000e-01, v42;
	v52 =	vperm.xlane v39, v3  }
0x2df: {  	v41 =	vadd.f32 v51, v41;
	v40 =	vmul.f32 $1.442695020e+00, v40  }
0x2e0: {  	v42 =	vmul.f32 $1.442695020e+00, v42;
	v39 =	vadd.f32 v52, v39  }
0x2e1: {  	v41 =	vmul.f32 $2.500000000e-01, v41;
	(erf) = vpow2.f32 v40  }
0x2e2: {  	(erf) = vpow2.f32 v42;
	v39 =	vmul.f32 $2.500000000e-01, v39  }
0x2e3: {  	v53 =	vmul.f32 $1.442695020e+00, v41  }
0x2e4: {  	v39 =	vmul.f32 $1.442695020e+00, v39  }
0x2e5: {  	(erf) = vpow2.f32 v53  }
0x2e6: {  	v54 =	vld [tilespmem:s31+$0xFFFFFEC0];
	(erf) = vpow2.f32 v39  }
0x2e7: {  	v55 =	vld [tilespmem:s31+$0xFFFFFFC0];
	_ =	sdelay $0x2  }
0x2e8: {  	v40 =	vpop (erf)  }
0x2e9: {  	v56 =	vld [tilespmem:s31+$0x1D0];
	v41 =	vpop (erf);
	v39 =	vmul.f32 v40, v54  }
0x2ea: {  	v58 =	vmul.f32 v41, v55;
	_ =	sdelay $0x1  }
0x2eb: {  	v57 =	vld [tilespmem:s31+$0xC0];
	v42 =	vpop (erf);
	[tilespmem:s29+$0xFFFFFFB0] =	vst v58  }
0x2ec: {  	v45 =	vld [tilespmem:s28+$0xFFFFFFD0];
	[tilespmem:s29+$0xFFFFFF20] =	vst v39;
	v39 =	vpop (erf)  }
0x2ed: {  	v48 =	vld [tilespmem:s31+$0xFFFFFF50];
	v43 =	vmul.f32 v39, v56  }
0x2ee: {  	v59 =	vld [tilespmem:s28+$0xFFFFFF50]  }
0x2ef: {  	v47 =	vld [tilespmem:s31+$0xFFFFFE50];
	[tilespmem:s29+$0xE0] =	vst v43  }
0x2f0: {  	v61 =	vld [tilespmem:s28+$0xE0]  }
0x2f1: {  	v49 =	vld [tilespmem:s31+$0x160]  }
0x2f2: {  	v60 =	vmul.f32 v42, v57;
	_ =	sdelay $0x1  }
0x2f3: {  	[tilespmem:s29+$0x40] =	vst v60;
	v46 =	vmul.f32 v47, v59  }
0x2f4: {  	v62 =	vld [tilespmem:s31+$0x50];
	v45 =	vmul.f32 v48, v45  }
0x2f5: {  	v63 =	vperm.xlane v46, v0;
	v43 =	vld [tilespmem:s28+$0x50];
	v44 =	vmul.f32 v49, v61  }
0x2f6: {  	v52 =	vperm.xlane v45, v0  }
0x2f7: {  	v46 =	vadd.f32 v63, v46;
	v53 =	vperm.xlane v44, v0  }
0x2f8: {  	v45 =	vadd.f32 v52, v45  }
0x2f9: {  	v54 =	vperm.xlane v46, v1;
	v44 =	vadd.f32 v53, v44  }
0x2fa: {  	v43 =	vmul.f32 v62, v43;
	v49 =	vperm.xlane v45, v1  }
0x2fb: {  	v46 =	vadd.f32 v54, v46;
	v56 =	vperm.xlane v44, v1  }
0x2fc: {  	v55 =	vperm.xlane v43, v0;
	v45 =	vadd.f32 v49, v45  }
0x2fd: {  	v57 =	vperm.xlane v46, v2;
	v44 =	vadd.f32 v56, v44  }
0x2fe: {  	v43 =	vadd.f32 v55, v43;
	v49 =	vperm.xlane v45, v2  }
0x2ff: {  	v46 =	vadd.f32 v57, v46;
	v59 =	vperm.xlane v44, v2  }
0x300: {  	v58 =	vperm.xlane v43, v1;
	v45 =	vadd.f32 v49, v45  }
0x301: {  	v60 =	vperm.xlane v46, v3;
	v44 =	vadd.f32 v59, v44  }
0x302: {  	v43 =	vadd.f32 v58, v43;
	v61 =	vperm.xlane v45, v3  }
0x303: {  	v46 =	vadd.f32 v60, v46;
	v63 =	vperm.xlane v44, v3  }
0x304: {  	v62 =	vperm.xlane v43, v2;
	v45 =	vadd.f32 v61, v45  }
0x305: {  	v31 =	vmul.f32 v34, v31;
	v46 =	vmul.f32 $2.500000000e-01, v46;
	v44 =	vadd.f32 v63, v44  }
0x306: {  	v30 =	vmul.f32 v32, v30;
	v43 =	vadd.f32 v62, v43;
	v45 =	vmul.f32 $2.500000000e-01, v45  }
0x307: {  	v46 =	vmul.f32 $1.442695020e+00, v46;
	v44 =	vmul.f32 $2.500000000e-01, v44  }
0x308: {  	[tilespmem:s25+$0xFFFFFF40] =	vst v31;
	v50 =	vperm.xlane v43, v3;
	v51 =	vmul.f32 $1.442695020e+00, v45  }
0x309: {  	[tilespmem:s25+$0xFFFFFFD0] =	vst v30;
	v52 =	vld [tilespmem:s26+$0xFFFFFF70];
	(erf) = vpow2.f32 v46;
	v44 =	vmul.f32 $1.442695020e+00, v44  }
0x30a: {  	v54 =	vld [tilespmem:s26+$0xFFFFFFF0];
	v43 =	vadd.f32 v50, v43;
	(erf) = vpow2.f32 v51  }
0x30b: {  	v24 =	vmul.f32 v29, v24;
	v55 =	vld [tilespmem:s24+$0xFFFFFF70];
	(erf) = vpow2.f32 v44  }
0x30c: {  	v53 =	vld [tilespmem:s24+$0xFFFFFE70];
	v43 =	vmul.f32 $2.500000000e-01, v43  }
0x30d: {  	[tilespmem:s25+$0x60] =	vst v24;
	v58 =	vld [tilespmem:s31+$0xFFFFFED0]  }
0x30e: {  	v56 =	vld [tilespmem:s26+$0x70];
	v57 =	vmul.f32 $1.442695020e+00, v43  }
0x30f: {  	v59 =	vld [tilespmem:s24+$0x70]  }
0x310: {  	v60 =	vld [tilespmem:s31+$0x1E0];
	(erf) = vpow2.f32 v57;
	_ =	sdelay $0x1  }
0x311: {  	v30 =	vpop (erf)  }
0x312: {  	v31 =	vmul.f32 v55, v54;
	v61 =	vld [tilespmem:s31+$0xFFFFFFD0];
	v45 =	vmul.f32 v53, v52;
	v24 =	vpop (erf)  }
0x313: {  	v46 =	vmul.f32 v59, v56;
	v50 =	vmul.f32 v30, v58;
	v43 =	vpop (erf)  }
0x314: {  	v62 =	vperm.xlane v45, v0;
	v51 =	vld [tilespmem:s31+$0xD0];
	v63 =	vmul.f32 v43, v60  }
0x315: {  	v57 =	vperm.xlane v46, v0;
	[tilespmem:s29+$0xFFFFFF30] =	vst v50  }
0x316: {  	v56 =	vperm.xlane v31, v0;
	v44 =	vadd.f32 v62, v45;
	v45 =	vld [tilespmem:s28+$0xFFFFFF60];
	[tilespmem:s29+$0xF0] =	vst v63  }
0x317: {  	v46 =	vadd.f32 v57, v46;
	v49 =	vmul.f32 v24, v61;
	v53 =	vld [tilespmem:s28+$0xF0]  }
0x318: {  	v58 =	vadd.f32 v56, v31;
	v31 =	vpop (erf);
	v61 =	vld [tilespmem:s31+$0x170]  }
0x319: {  	v52 =	vld [tilespmem:s31+$0xFFFFFE60];
	v54 =	vperm.xlane v46, v1;
	[tilespmem:s29+$0xFFFFFFC0] =	vst v49;
	v60 =	vmul.f32 v31, v51  }
0x31a: {  	v59 =	vperm.xlane v44, v1;
	v48 =	vld [tilespmem:s28+$0xFFFFFFE0]  }
0x31b: {  	v62 =	vperm.xlane v58, v1;
	v55 =	vld [tilespmem:s31+$0xFFFFFF60];
	v46 =	vadd.f32 v54, v46;
	[tilespmem:s29+$0x50] =	vst v60  }
0x31c: {  	v44 =	vadd.f32 v59, v44;
	v51 =	vld [tilespmem:s28+$0x60]  }
0x31d: {  	v47 =	vadd.f32 v62, v58;
	v62 =	vperm.xlane v46, v2;
	v60 =	vld [tilespmem:s31+$0x60];
	v61 =	vmul.f32 v61, v53  }
0x31e: {  	v45 =	vmul.f32 v52, v45;
	v63 =	vperm.xlane v44, v2  }
0x31f: {  	v56 =	vperm.xlane v47, v2;
	v46 =	vadd.f32 v62, v46;
	v53 =	vperm.xlane v61, v0  }
0x320: {  	v48 =	vmul.f32 v55, v48;
	v44 =	vadd.f32 v63, v44;
	v63 =	vperm.xlane v45, v0  }
0x321: {  	v47 =	vadd.f32 v56, v47;
	v59 =	vperm.xlane v46, v3;
	v49 =	vadd.f32 v53, v61  }
0x322: {  	v62 =	vperm.xlane v48, v0;
	v45 =	vadd.f32 v63, v45;
	v60 =	vmul.f32 v60, v51  }
0x323: {  	v46 =	vadd.f32 v59, v46;
	v52 =	vperm.xlane v44, v3;
	v57 =	vperm.xlane v49, v1  }
0x324: {  	v48 =	vadd.f32 v62, v48;
	v58 =	vperm.xlane v45, v1;
	v63 =	vperm.xlane v60, v0  }
0x325: {  	v44 =	vadd.f32 v52, v44;
	v61 =	vperm.xlane v47, v3;
	v49 =	vadd.f32 v57, v49  }
0x326: {  	v46 =	vmul.f32 $2.500000000e-01, v46;
	v45 =	vadd.f32 v58, v45;
	v50 =	vadd.f32 v63, v60  }
0x327: {  	v60 =	vperm.xlane v48, v1;
	v47 =	vadd.f32 v61, v47;
	v61 =	vperm.xlane v49, v2  }
0x328: {  	v44 =	vmul.f32 $2.500000000e-01, v44;
	v62 =	vperm.xlane v45, v2  }
0x329: {  	v52 =	vperm.xlane v50, v1;
	v48 =	vadd.f32 v60, v48;
	v49 =	vadd.f32 v61, v49  }
0x32a: {  	v46 =	vmul.f32 $1.442695020e+00, v46;
	v44 =	vmul.f32 $1.442695020e+00, v44;
	v45 =	vadd.f32 v62, v45  }
0x32b: {  	v50 =	vadd.f32 v52, v50;
	v51 =	vperm.xlane v48, v2;
	v53 =	vperm.xlane v49, v3  }
0x32c: {  	v47 =	vmul.f32 $2.500000000e-01, v47;
	v54 =	vperm.xlane v45, v3  }
0x32d: {  	v52 =	vperm.xlane v50, v2;
	v48 =	vadd.f32 v51, v48;
	v49 =	vadd.f32 v53, v49  }
0x32e: {  	(erf) = vpow2.f32 v44;
	v47 =	vmul.f32 $1.442695020e+00, v47;
	v63 =	vadd.f32 v54, v45  }
0x32f: {  	v50 =	vadd.f32 v52, v50;
	v54 =	vperm.xlane v48, v3;
	v49 =	vmul.f32 $2.500000000e-01, v49  }
0x330: {  	(erf) = vpow2.f32 v47;
	v44 =	vmul.f32 $2.500000000e-01, v63  }
0x331: {  	v55 =	vperm.xlane v50, v3;
	v45 =	vadd.f32 v54, v48;
	v56 =	vmul.f32 $1.442695020e+00, v49  }
0x332: {  	(erf) = vpow2.f32 v46;
	v44 =	vmul.f32 $1.442695020e+00, v44  }
0x333: {  	v57 =	vadd.f32 v55, v50;
	v45 =	vmul.f32 $2.500000000e-01, v45;
	(erf) = vpow2.f32 v56  }
0x334: {  	(erf) = vpow2.f32 v44  }
0x335: {  	v58 =	vmul.f32 $2.500000000e-01, v57;
	v45 =	vmul.f32 $1.442695020e+00, v45;
	_ =	sdelay $0x1  }
0x336: {  	v59 =	vmul.f32 $1.442695020e+00, v58;
	(erf) = vpow2.f32 v45;
	_ =	sdelay $0x1  }
0x337: {  	v60 =	vld [tilespmem:s31+$0xFFFFFEE0];
	v47 =	vpop (erf);
	(erf) = vpow2.f32 v59  }
0x338: {  	v48 =	vpop (erf)  }
0x339: {  	v44 =	vpop (erf)  }
0x33a: {  	v61 =	vld [tilespmem:s31+$0xFFFFFFE0];
	v49 =	vpop (erf)  }
0x33b: {  	v50 =	vpop (erf)  }
0x33c: {  	v62 =	vld [tilespmem:s31+$0xE0];
	v45 =	vmul.f32 v50, v60;
	_ =	sdelay $0x1  }
0x33d: {  	v46 =	vpop (erf)  }
0x33e: {  	v51 =	vmul.f32 v46, v61;
	[tilespmem:s29+$0xFFFFFF40] =	vst v45  }
0x33f: {  	v54 =	vld [tilespmem:s28+$0xFFFFFF70];
	v45 =	vpop (erf)  }
0x340: {  	[tilespmem:s29+$0xFFFFFFD0] =	vst v51;
	v51 =	vld [tilespmem:s31+$0xFFFFFE70];
	v52 =	vmul.f32 v45, v62  }
0x341: {  	v55 =	vld [tilespmem:s28+$0xFFFFFFF0]  }
0x342: {  	v21 =	vadd.f32 v33, v21;
	v33 =	vld [tilespmem:s31+$0xFFFFFF70];
	[tilespmem:s29+$0x60] =	vst v52  }
0x343: {  	v4 =	vnsel vm0, $0x0, v4;
	v60 =	vld [tilespmem:s28+$0x70]  }
0x344: {  	v15 =	vadd.f32 v22, v15;
	v4 =	vadd.f32 $0.0e+00, v4;
	v61 =	vld [tilespmem:s31+$0x70]  }
0x345: {  	v16 =	vadd.f32 v25, v16;
	v17 =	vadd.f32 v26, v17;
	v5 =	vsel vm1, $0x0, v5  }
0x346: {  	v11 =	vmul.f32 v20, v11;
	v4 =	vadd.f32 v5, v4;
	v63 =	vsel vm7, $0x0, v38  }
0x347: {  	v9 =	vsel vm2, $0x0, v9;
	v21 =	vadd.f32 v63, v21;
	v63 =	vmul.f32 v51, v54  }
0x348: {  	v12 =	vmul.f32 v28, v12;
	v4 =	vadd.f32 v9, v4;
	v54 =	vmul.f32 v33, v55  }
0x349: {  	v10 =	vsel vm3, $0x0, v10;
	v53 =	vld [tilespmem:s24+$0x1F0];
	v58 =	vperm.xlane v63, v0;
	v57 =	vmul.f32 v61, v60  }
0x34a: {  	v13 =	vmul.f32 v27, v13;
	v4 =	vadd.f32 v10, v4;
	v59 =	vperm.xlane v54, v0  }
0x34b: {  	v62 =	vsel vm7, $0x0, v20;
	v20 =	vadd.f32 v58, v63;
	v61 =	vperm.xlane v57, v0  }
0x34c: {  	v26 =	vsel vm5, $0x0, v39;
	v51 =	vsel vm7, $0x0, v28;
	v25 =	vadd.f32 v59, v54  }
0x34d: {  	v63 =	vsel vm3, $0x0, v36;
	v36 =	vperm.xlane v20, v1;
	v28 =	vadd.f32 v61, v57  }
0x34e: {  	v22 =	vmul.f32 v38, v53;
	v60 =	vsel vm3, $0x0, v37;
	v37 =	vperm.xlane v25, v1  }
0x34f: {  	v6 =	vadd.f32 v62, v6;
	v20 =	vadd.f32 v36, v20;
	v38 =	vperm.xlane v28, v1  }
0x350: {  	v62 =	vsel vm3, $0x0, v35;
	v35 =	vsel vm5, $0x0, v30;
	v25 =	vadd.f32 v37, v25  }
0x351: {  	v55 =	vsel vm7, $0x0, v27;
	v52 =	vperm.xlane v20, v2;
	v27 =	vadd.f32 v38, v28  }
0x352: {  	v16 =	vadd.f32 v62, v16;
	v62 =	vsel vm4, $0x0, v42;
	v5 =	vperm.xlane v25, v2  }
0x353: {  	v42 =	vsel vm5, $0x0, v31;
	v20 =	vadd.f32 v52, v20;
	v53 =	vperm.xlane v27, v2  }
0x354: {  	v19 =	vadd.f32 v51, v19;
	v51 =	vsel vm6, $0x0, v34;
	v5 =	vadd.f32 v5, v25  }
0x355: {  	v18 =	vadd.f32 v55, v18;
	v56 =	vperm.xlane v20, v3;
	v55 =	vadd.f32 v53, v27  }
0x356: {  	v33 =	vsel vm6, $0x0, v43;
	v14 =	vadd.f32 v51, v14;
	v58 =	vperm.xlane v5, v3  }
0x357: {  	v15 =	vadd.f32 v60, v15;
	v20 =	vadd.f32 v56, v20;
	v60 =	vperm.xlane v55, v3  }
0x358: {  	v17 =	vadd.f32 v63, v17;
	v63 =	vsel vm4, $0x0, v23;
	v5 =	vadd.f32 v58, v5  }
0x359: {  	[tilespmem:s23+$0xFFFFFF50] =	vst v11;
	v4 =	vadd.f32 v63, v4;
	v20 =	vmul.f32 $2.500000000e-01, v20;
	v25 =	vadd.f32 v60, v55  }
0x35a: {  	[tilespmem:s23+$0xFFFFFFE0] =	vst v12;
	v54 =	vsel vm6, $0x0, v32;
	v59 =	vsel vm4, $0x0, v40;
	v5 =	vmul.f32 $2.500000000e-01, v5  }
0x35b: {  	[tilespmem:s23+$0x70] =	vst v13;
	v34 =	vld [tilespmem:s24+$0xFFFFFEF0];
	v4 =	vadd.f32 v26, v4;
	v20 =	vmul.f32 $1.442695020e+00, v20;
	v28 =	vmul.f32 $2.500000000e-01, v25  }
0x35c: {  	[tilespmem:s25+$0x110] =	vst v21;
	v40 =	vsel vm7, $0x0, v48;
	v8 =	vadd.f32 v54, v8;
	v37 =	vld [tilespmem:s31+$0x1F0];
	v5 =	vmul.f32 $1.442695020e+00, v5  }
0x35d: {  	[tilespmem:s25+$0x100] =	vst v22;
	v4 =	vadd.f32 v33, v4;
	(erf) = vpow2.f32 v20;
	v10 =	vmul.f32 $1.442695020e+00, v28  }
0x35e: {  	v39 =	vld [tilespmem:s24+$0xF0];
	[tilespmem:s23+$0xFFFFFF60] =	vst v6;
	v17 =	vadd.f32 v62, v17;
	v36 =	vsel vm7, $0x0, v49;
	(erf) = vpow2.f32 v5  }
0x35f: {  	[tilespmem:s23+$0xFFFFFFF0] =	vst v19;
	v57 =	vsel vm6, $0x0, v29;
	v4 =	vadd.f32 v36, v4;
	v5 =	vld [tilespmem:s24+$0xFFFFFFF0];
	(erf) = vpow2.f32 v10  }
0x360: {  	[tilespmem:s23+$0x80] =	vst v18;
	v11 =	vmul.f32 v47, v34;
	v15 =	vadd.f32 v59, v15;
	v7 =	vadd.f32 v57, v7  }
0x361: {  	v8 =	vadd.f32 v40, v8;
	[tilespmem:s29+$0x110] =	vst v4;
	v4 =	vsel vm7, $0x0, v44;
	v52 =	vmul.f32 v49, v37  }
0x362: {  	v54 =	vld [tilespmem:s31+$0xFFFFFEF0];
	[tilespmem:s25+$0xFFFFFF50] =	vst v11;
	v61 =	vsel vm4, $0x0, v41;
	v41 =	vsel vm5, $0x0, v24;
	v4 =	vadd.f32 v4, v7  }
0x363: {  	v51 =	vadd.f32 v42, v17;
	v16 =	vadd.f32 v61, v16;
	[tilespmem:s29+$0x100] =	vst v52;
	v53 =	vmul.f32 v44, v39  }
0x364: {  	v6 =	vadd.f32 v35, v15;
	v57 =	vsel vm6, $0x0, v45;
	[tilespmem:s25+$0x80] =	vst v4;
	v5 =	vmul.f32 v48, v5  }
0x365: {  	v43 =	vadd.f32 v41, v16;
	v38 =	vsel vm7, $0x0, v47;
	v4 =	vsel vm6, $0x0, v50;
	[tilespmem:s25+$0x70] =	vst v53  }
0x366: {  	v4 =	vadd.f32 v4, v6;
	v55 =	vsel vm6, $0x0, v46;
	v10 =	vadd.f32 v38, v14;
	[tilespmem:s25+$0xFFFFFFE0] =	vst v5;
	v5 =	vld [tilespmem:s31+$0xFFFFFFF0];
	v56 =	vpop (erf)  }
0x367: {  	v60 =	vld [tilespmem:s31+$0xF0];
	v7 =	vadd.f32 v55, v43;
	[tilespmem:s25+$0xFFFFFFF0] =	vst v8;
	v58 =	vpop (erf);
	v59 =	vsel vm7, $0x0, v56;
	v6 =	vmul.f32 v56, v54  }
0x368: {  	[tilespmem:s25+$0xFFFFFF60] =	vst v10;
	v10 =	vadd.f32 v57, v51;
	v62 =	vsel vm7, $0x0, v58;
	v4 =	vadd.f32 v59, v4;
	v61 =	vpop (erf)  }
0x369: {  	v7 =	vadd.f32 v62, v7;
	[tilespmem:s29+$0xFFFFFF50] =	vst v6;
	v63 =	vsel vm7, $0x0, v61  }
0x36a: {  	[tilespmem:s29+$0xFFFFFF60] =	vst v4;
	v4 =	vadd.f32 v63, v10  }
0x36b: {  	v5 =	vmul.f32 v58, v5;
	[tilespmem:s29+$0xFFFFFFF0] =	vst v7  }
0x36c: {  	s22 =	sadd.s32 $0x1, s22;
	[tilespmem:s29+$0x80] =	vst v4;
	v4 =	vmul.f32 v61, v60  }
0x36d: {  	p0 =	sne.s32 s22, $0xFA;
	[tilespmem:s29+$0xFFFFFFE0] =	vst v5  }
.Ltmp1:
0x36e: {  	[tilespmem:s29+$0x70] =	vst v4;
	(pc) =	sbr.rel @p0 .LBB2_2-.Ltmp1, $4  }
0x36f: {  	[spmem:s2] =	stream.indirect.scatter.add.f32 [tilespmem:s20], [sflag:$0x3], $0x90, s15, s15, $0xb8;
	[tilespmem:$0x1BAD0] =	vst v63  }
0x370: {  	_ =	swait.ge [sflag:s14], $0x1680  }
0x371: {  	[sflag:s14] =	ssyncset.done $0x0  }
0x372: {  	[sflag:s14] =	ssyncadd.s32 $0xFFFFE980  }
0x373: {  	s21 =	sadd.s32 $0x1, s21  }
0x374: {  	p0 =	sne.s32 s21, s12  }
.Ltmp2:
0x375: {  	[bflag:$0x0] =	sbarrier.arrive $0xFFFF;
	(pc) =	sbr.rel @p0 .LBB2_1-.Ltmp2, $4  }
0x376: {  	[hbm:s11], [sflag:s10] =	dma.local [spmem:s13], $0x2D00  }
0x377: {  	_ =	swait.ge [sflag:s14], $0x2D00  }
0x378: {  	[sflag:s14] =	ssyncset.done $0x0  }
0x379: {  	[sflag:s14] =	ssyncadd.s32 $0xFFFFD300  }
0x37a: {  	_ =	sfence.sel $0x180000  }
0x37b: {  	[bflag:$0x0] =	sbarrier.arrive $0xFFFF  }
0x37c: {  	_ =	strace $0x90000047  }
0x37d: {  	s0 =	stileid.u32;
	[bflag:$0x2] =	sbarrier.arrive $0xFFFF  }
0x37e: {  	p0 =	sne.s32 s0, $0x0;
	s0 =	rddreg [dreg:$0x3]  }
0x37f: {  	s0 =	sadd.s32 @!p0 $0x100000, s0  }
0x380: {  	[sflag:s0] =	ssyncadd.tile.s32 @!p0 $0x1;
	_ =	shalt  }
.Lfunc_end2:
_tile_overlayer_lowered:
.L_overlay_start_2:
0x381: {  	(tag) =	ssettag $0x2  }
0x382: {  	s0 =	rddreg [dreg:$0x0];
	s2 =	stileid.u32  }
0x383: {  	s1 =	rddreg [dreg:$0x1];
	p0 =	sne.s32 s2, $0x0  }
0x384: {  	s3 =	rddreg [dreg:$0x2];
	[bflag:$0x3] =	sbarrier.arrive $0xFFFF;
	s2 =	simm.s32 @!p0 $0x1C03  }
0x385: {  	[timem:s3], [sflag:s2] =	dma.local @!p0 [hbm:s0], s1  }
0x386: {  	s0 =	simm.s32 @!p0 $0x3  }
0x387: {  	_ =	swait.ge @!p0 [sflag:s0], s1  }
0x388: {  	s1 =	ssub.s32 @!p0 $0x0, s1;
	[sflag:s0] =	ssyncset.done @!p0 $0x0  }
0x389: {  	[sflag:s0] =	ssyncadd.s32 @!p0 s1  }
0x38a: {  	[bflag:$0x3] =	sbarrier.arrive $0xFFFF  }
0x38b: {  	_ =	shalt  }

</sc_bundles>
